<compile_context>
chip_gen: v7x
topology: tpu7x:2x2x1
jax: 0.10.2.dev20260603
libtpu: 0.0.44.dev20260713+nightly
codegen_flags: <defaults>
</compile_context>

<pallas_src>
import functools

import jax
import jax.numpy as jnp
from jax import lax
from jax.experimental import pallas as pl
from jax.experimental.pallas import tpu as pltpu
from jax.experimental.pallas import tpu_sc as plsc

_SCALE = 10.0
_D = 32
_BB = 128
_NSLOT = 4
_SP = 64


@functools.lru_cache(maxsize=None)
def _build(NB, S, V):
    info = plsc.get_sparse_core_info()
    NW = info.num_cores * info.num_subcores
    NBB = NB // _BB
    BPW = NBB // NW
    WX = NB // NW
    assert BPW == _NSLOT
    mesh = plsc.VectorSubcoreMesh(core_axis_name="c", subcore_axis_name="s")

    @functools.partial(
        pl.kernel,
        mesh=mesh,
        out_type=jax.ShapeDtypeStruct((S, _D // 8, NBB, 8, 128), jnp.float32),
        scratch_types=[
            pltpu.VMEM((WX, _SP), jnp.int32),
            pltpu.VMEM((_SP, WX + 1), jnp.int32),
            pltpu.VMEM((_NSLOT, _BB, _D), jnp.float32),
            pltpu.VMEM((_NSLOT, _D // 8, 8, 129), jnp.float32),
            [pltpu.SemaphoreType.DMA] * _NSLOT,
            [pltpu.SemaphoreType.DMA] * _NSLOT,
        ],
        compiler_params=pltpu.CompilerParams(
            use_tc_tiling_on_sc=False, needs_layout_passes=False
        ),
    )
    def k(x_hbm, table_hbm, out_hbm, xv, cv, rows_v, tiles_v, gsems, ssems):
        cid = lax.axis_index("c")
        sid = lax.axis_index("s")
        wid = sid * info.num_cores + cid
        xbase = wid * WX
        pltpu.sync_copy(x_hbm.at[pl.ds(xbase, WX)], xv)

        jj = lax.iota(jnp.int32, 16)
        jb_lo = jj >> 3
        jb_hi = jb_lo + 2
        jr = jj & 7

        @plsc.parallel_loop(0, WX, 1, unroll=4)
        def _(r):
            rvec = jnp.full((16,), r, jnp.int32)
            for c in range(_SP // 16):
                plsc.store_scatter(
                    cv, [c * 16 + jj, rvec], xv[r, pl.ds(c * 16, 16)]
                )

        def fire_gather(s, bbl, slot):
            pltpu.async_copy(
                table_hbm.at[cv.at[s, pl.ds(bbl * _BB, _BB)]],
                rows_v.at[slot],
                gsems[slot],
            )

        def wait_gather(slot):
            pltpu.make_async_copy(
                table_hbm.at[cv.at[0, pl.ds(0, _BB)]],
                rows_v.at[slot],
                gsems[slot],
            ).wait()

        def scale_transpose(slot):
            @plsc.parallel_loop(0, _BB, 1, unroll=2)
            def _(r):
                rvec = jnp.full((16,), r, jnp.int32)
                v0 = rows_v[slot, r, pl.ds(0, 16)] * _SCALE
                plsc.store_scatter(tiles_v.at[slot], [jb_lo, jr, rvec], v0)
                v1 = rows_v[slot, r, pl.ds(16, 16)] * _SCALE
                plsc.store_scatter(tiles_v.at[slot], [jb_hi, jr, rvec], v1)

        def fire_stores(s, slot):
            bb = wid * BPW + slot
            for jb in range(_D // 8):
                pltpu.async_copy(
                    tiles_v.at[slot, jb, :, pl.ds(0, 128)],
                    out_hbm.at[s, jb, bb],
                    ssems[slot],
                )

        def wait_stores(slot):
            for jb in range(_D // 8):
                pltpu.make_async_copy(
                    tiles_v.at[slot, jb, :, pl.ds(0, 128)],
                    out_hbm.at[0, 0, 0],
                    ssems[slot],
                ).wait()

        for b in range(_NSLOT - 1):
            fire_gather(0, b, b)

        def outer(g2, _):
            for ph in range(_NSLOT):
                sp = (ph + _NSLOT - 1) % _NSLOT
                s_t = g2 if ph == 0 else g2 + 1

                if ph == 0:

                    @pl.when(g2 >= 1)
                    def _():
                        wait_stores(sp)

                    fire_gather(s_t, sp, sp)
                else:

                    @pl.when(g2 < S - 1)
                    def _():
                        wait_stores(sp)
                        fire_gather(s_t, sp, sp)

                wait_gather(ph)
                scale_transpose(ph)
                fire_stores(g2, ph)
            return 0

        lax.fori_loop(0, S, outer, 0)

        for b in range(_NSLOT):
            wait_stores(b)

    return k


@jax.jit
def kernel(x, weight):
    NB, S = x.shape
    xpad = jnp.pad(x.astype(jnp.int32), ((0, 0), (0, _SP - S)))
    out5 = _build(NB, S, weight.shape[0])(xpad, weight)
    return out5.transpose(2, 4, 0, 1, 3).reshape(NB, S, _D)

# --- scband reference (transcript-rebuilt; emitter-appended) ---
"""Pipeline reference for scband-scaled-embedding-51531017617539 (READ-ONLY COPY).

The authoritative reference and input builder live on the scoring server;
editing this copy changes nothing except your own understanding.
"""

import jax, jax.numpy as jnp
import numpy as np

NUM_EMBEDDINGS = 1000000
EMBEDDING_DIM = 32
SCALE = 10.0

def setup_inputs(seed: int = 0) -> dict:
    key = jax.random.key(seed)
    k_idx, k_w = jax.random.split(key)
    x = jax.random.randint(k_idx, (16384, 50), 0, NUM_EMBEDDINGS, dtype=jnp.int64 if jax.config.jax_enable_x64 else jnp.int32)
    # nn.Embedding default init: N(0,1); then weight /= scale at init time
    weight = jax.random.normal(k_w, (NUM_EMBEDDINGS, EMBEDDING_DIM), dtype=jnp.float32) / SCALE
    return {"x": x, "weight": weight}

def reference(x, weight) -> jnp.ndarray:
    # ScaledEmbedding.forward: embedding(x) * scale
    out = jnp.take(weight, x, axis=0) * SCALE
    return out

if __name__ == "__main__":
    import jax
    _d = setup_inputs()
    print(jax.jit(kernel)(*tuple(_d.values())))

</pallas_src>

<mosaic_0001>
#map = affine_map<(d0, d1) -> (0, 0)>
#map1 = affine_map<(d0, d1) -> (0, 0, 0, 0, 0)>
module attributes {stable_mosaic.version = 14 : i64} {
  func.func @k(%arg0: i32, %arg1: i32, %arg2: memref<16384x64xi32, #tpu.memory_space<hbm>>, %arg3: memref<1000000x32xf32, #tpu.memory_space<hbm>>, %arg4: memref<50x4x128x8x128xf32, #tpu.memory_space<hbm>>, %arg5: memref<512x64xi32, #tpu.memory_space<vmem>>, %arg6: memref<64x513xi32, #tpu.memory_space<vmem>>, %arg7: memref<4x128x32xf32, #tpu.memory_space<vmem>>, %arg8: memref<4x4x8x129xf32, #tpu.memory_space<vmem>>, %arg9: memref<!tpu.dma_semaphore, #tpu.memory_space<semaphore_mem>>, %arg10: memref<!tpu.dma_semaphore, #tpu.memory_space<semaphore_mem>>, %arg11: memref<!tpu.dma_semaphore, #tpu.memory_space<semaphore_mem>>, %arg12: memref<!tpu.dma_semaphore, #tpu.memory_space<semaphore_mem>>, %arg13: memref<!tpu.dma_semaphore, #tpu.memory_space<semaphore_mem>>, %arg14: memref<!tpu.dma_semaphore, #tpu.memory_space<semaphore_mem>>, %arg15: memref<!tpu.dma_semaphore, #tpu.memory_space<semaphore_mem>>, %arg16: memref<!tpu.dma_semaphore, #tpu.memory_space<semaphore_mem>>) attributes {dimension_semantics = [#tpu.dimension_semantics<core_parallel>, #tpu.dimension_semantics<subcore_parallel>], iteration_bounds = array<i64: 2, 16>, scalar_prefetch = 0 : i64, scratch_operands = 12 : i64, tpu.core_type = #tpu.core_type<sc_vector_subcore>, window_params = [{transform_indices = #map}, {transform_indices = #map}, {transform_indices = #map1}]} {
    %mul3A = arith.constant 2 : i32
    %mul3A_0 = arith.muli %arg1, %mul3A : i32
    %add3A = arith.addi %mul3A_0, %arg0 : i32
    %mul3A_1 = arith.constant 512 : i32
    %mul3A_2 = arith.muli %add3A, %mul3A_1 : i32
    "tpu.region"() ({
      %run_scoped3A = tpu.sem_alloc : memref<!tpu.dma_semaphore, #tpu.memory_space<semaphore_mem>>
      %dma_start3A_388 = arith.constant 0 : i32
      %dma_start3A_389 = tpu.memref_slice %arg2[%mul3A_2, %dma_start3A_388] : memref<16384x64xi32, #tpu.memory_space<hbm>> -> memref<512x64xi32, #tpu.memory_space<hbm>>
      %dma_start3A_390 = arith.constant 0 : i32
      %dma_start3A_391 = tpu.memref_slice %arg2[%mul3A_2, %dma_start3A_390] : memref<16384x64xi32, #tpu.memory_space<hbm>> -> memref<512x64xi32, #tpu.memory_space<hbm>>
      tpu.enqueue_dma source(%dma_start3A_391 : memref<512x64xi32, #tpu.memory_space<hbm>>) target(%arg5 : memref<512x64xi32, #tpu.memory_space<vmem>>) target_semaphore(%run_scoped3A : memref<!tpu.dma_semaphore, #tpu.memory_space<semaphore_mem>>)
      %dma_wait3A_392 = arith.constant 0 : i32
      %dma_wait3A_393 = tpu.memref_slice %arg2[%mul3A_2, %dma_wait3A_392] : memref<16384x64xi32, #tpu.memory_space<hbm>> -> memref<512x64xi32, #tpu.memory_space<hbm>>
      %dma_wait3A_394 = arith.constant 0 : i32
      %dma_wait3A_395 = tpu.memref_slice %arg2[%mul3A_2, %dma_wait3A_394] : memref<16384x64xi32, #tpu.memory_space<hbm>> -> memref<512x64xi32, #tpu.memory_space<hbm>>
      tpu.wait_dma2 semaphore(%run_scoped3A : memref<!tpu.dma_semaphore, #tpu.memory_space<semaphore_mem>>) src(%dma_wait3A_395 : memref<512x64xi32, #tpu.memory_space<hbm>>) dst(%arg5 : memref<512x64xi32, #tpu.memory_space<vmem>>)
      tpu.yield
    }) : () -> ()
    %iota3A = tpu.iota {dimensions = array<i32: 0>} : vector<16xi32>
    %shift_right_arithmetic3A = arith.constant 3 : i32
    %shift_right_arithmetic3A_3 = vector.broadcast %shift_right_arithmetic3A : i32 to vector<16xi32>
    %shift_right_arithmetic3A_4 = arith.shrsi %iota3A, %shift_right_arithmetic3A_3 : vector<16xi32>
    %add3A_5 = arith.constant 2 : i32
    %add3A_6 = vector.broadcast %add3A_5 : i32 to vector<16xi32>
    %add3A_7 = arith.addi %shift_right_arithmetic3A_4, %add3A_6 : vector<16xi32>
    %and3A = arith.constant 7 : i32
    %and3A_8 = vector.broadcast %and3A : i32 to vector<16xi32>
    %and3A_9 = arith.andi %iota3A, %and3A_8 : vector<16xi32>
    %parallel_loop3A = arith.constant 0 : i32
    %parallel_loop3A_10 = arith.constant 512 : i32
    %parallel_loop3A_11 = arith.constant 1 : i32
    scf.for %parallel_loop3A_388 = %parallel_loop3A to %parallel_loop3A_10 step %parallel_loop3A_11  : i32 {
      %parallel_loop3A_389 = vector.broadcast %parallel_loop3A_388 : i32 to vector<16xi32>
      %parallel_loop3A_390 = arith.constant 0 : i32
      %parallel_loop3A_391 = vector.broadcast %parallel_loop3A_390 : i32 to vector<16xi32>
      %parallel_loop3A_392 = arith.addi %parallel_loop3A_391, %iota3A : vector<16xi32>
      %parallel_loop3A_393 = arith.index_cast %parallel_loop3A_388 : i32 to index
      %parallel_loop3A_394 = arith.constant 0 : index
      %parallel_loop3A_395 = tpu.vector_load %arg5[%parallel_loop3A_393, %parallel_loop3A_394] {strides = array<i32>} : memref<512x64xi32, #tpu.memory_space<vmem>>, vector<16xi32>,
      tpu.vector_store_idx %arg6[%parallel_loop3A_392, %parallel_loop3A_389], %parallel_loop3A_395 : memref<64x513xi32, #tpu.memory_space<vmem>>[vector<16xi32>, vector<16xi32>], vector<16xi32>,
      %parallel_loop3A_396 = arith.constant 16 : i32
      %parallel_loop3A_397 = vector.broadcast %parallel_loop3A_396 : i32 to vector<16xi32>
      %parallel_loop3A_398 = arith.addi %parallel_loop3A_397, %iota3A : vector<16xi32>
      %parallel_loop3A_399 = arith.index_cast %parallel_loop3A_388 : i32 to index
      %parallel_loop3A_400 = arith.constant 16 : index
      %parallel_loop3A_401 = tpu.vector_load %arg5[%parallel_loop3A_399, %parallel_loop3A_400] {strides = array<i32>} : memref<512x64xi32, #tpu.memory_space<vmem>>, vector<16xi32>,
      tpu.vector_store_idx %arg6[%parallel_loop3A_398, %parallel_loop3A_389], %parallel_loop3A_401 : memref<64x513xi32, #tpu.memory_space<vmem>>[vector<16xi32>, vector<16xi32>], vector<16xi32>,
      %parallel_loop3A_402 = arith.constant 32 : i32
      %parallel_loop3A_403 = vector.broadcast %parallel_loop3A_402 : i32 to vector<16xi32>
      %parallel_loop3A_404 = arith.addi %parallel_loop3A_403, %iota3A : vector<16xi32>
      %parallel_loop3A_405 = arith.index_cast %parallel_loop3A_388 : i32 to index
      %parallel_loop3A_406 = arith.constant 32 : index
      %parallel_loop3A_407 = tpu.vector_load %arg5[%parallel_loop3A_405, %parallel_loop3A_406] {strides = array<i32>} : memref<512x64xi32, #tpu.memory_space<vmem>>, vector<16xi32>,
      tpu.vector_store_idx %arg6[%parallel_loop3A_404, %parallel_loop3A_389], %parallel_loop3A_407 : memref<64x513xi32, #tpu.memory_space<vmem>>[vector<16xi32>, vector<16xi32>], vector<16xi32>,
      %parallel_loop3A_408 = arith.constant 48 : i32
      %parallel_loop3A_409 = vector.broadcast %parallel_loop3A_408 : i32 to vector<16xi32>
      %parallel_loop3A_410 = arith.addi %parallel_loop3A_409, %iota3A : vector<16xi32>
      %parallel_loop3A_411 = arith.index_cast %parallel_loop3A_388 : i32 to index
      %parallel_loop3A_412 = arith.constant 48 : index
      %parallel_loop3A_413 = tpu.vector_load %arg5[%parallel_loop3A_411, %parallel_loop3A_412] {strides = array<i32>} : memref<512x64xi32, #tpu.memory_space<vmem>>, vector<16xi32>,
      tpu.vector_store_idx %arg6[%parallel_loop3A_410, %parallel_loop3A_389], %parallel_loop3A_413 : memref<64x513xi32, #tpu.memory_space<vmem>>[vector<16xi32>, vector<16xi32>], vector<16xi32>,
    } {sc.loop_unroll_factor = 4 : i64, sc.parallel_access}
    %dma_start3A = arith.constant 0 : i32
    %dma_start3A_12 = arith.constant 0 : i32
    %dma_start3A_13 = arith.constant 0 : i32
    %dma_start3A_14 = arith.constant 0 : i32
    %dma_start3A_15 = tpu.memref_slice %arg7[%dma_start3A_12, %dma_start3A_13, %dma_start3A_14] : memref<4x128x32xf32, #tpu.memory_space<vmem>> -> memref<1x128x32xf32, #tpu.memory_space<vmem>>
    %dma_start3A_16 = tpu.memref_squeeze %dma_start3A_15 : memref<1x128x32xf32, #tpu.memory_space<vmem>> -> memref<128x32xf32, #tpu.memory_space<vmem>>
    %dma_start3A_17 = arith.constant 0 : i32
    %dma_start3A_18 = tpu.memref_slice %arg6[%dma_start3A, %dma_start3A_17] : memref<64x513xi32, #tpu.memory_space<vmem>> -> memref<1x128xi32, #tpu.memory_space<vmem>>
    %dma_start3A_19 = tpu.memref_squeeze %dma_start3A_18 : memref<1x128xi32, #tpu.memory_space<vmem>> -> memref<128xi32, #tpu.memory_space<vmem>>
    %dma_start3A_20 = arith.constant 0 : i32
    %dma_start3A_21 = arith.constant 0 : i32
    %dma_start3A_22 = tpu.memref_slice %arg3[%dma_start3A_20, %dma_start3A_21] : memref<1000000x32xf32, #tpu.memory_space<hbm>> -> memref<1000000x32xf32, #tpu.memory_space<hbm>>
    tpu.enqueue_indirect_dma source(%dma_start3A_22 : memref<1000000x32xf32, #tpu.memory_space<hbm>>) target(%dma_start3A_16 : memref<128x32xf32, #tpu.memory_space<vmem>>) offsets(%dma_start3A_19 : memref<128xi32, #tpu.memory_space<vmem>>) semaphore(%arg9 : memref<!tpu.dma_semaphore, #tpu.memory_space<semaphore_mem>>)
    %dma_start3A_23 = arith.constant 0 : i32
    %dma_start3A_24 = arith.constant 1 : i32
    %dma_start3A_25 = arith.constant 0 : i32
    %dma_start3A_26 = arith.constant 0 : i32
    %dma_start3A_27 = tpu.memref_slice %arg7[%dma_start3A_24, %dma_start3A_25, %dma_start3A_26] : memref<4x128x32xf32, #tpu.memory_space<vmem>> -> memref<1x128x32xf32, #tpu.memory_space<vmem>>
    %dma_start3A_28 = tpu.memref_squeeze %dma_start3A_27 : memref<1x128x32xf32, #tpu.memory_space<vmem>> -> memref<128x32xf32, #tpu.memory_space<vmem>>
    %dma_start3A_29 = arith.constant 128 : i32
    %dma_start3A_30 = tpu.memref_slice %arg6[%dma_start3A_23, %dma_start3A_29] : memref<64x513xi32, #tpu.memory_space<vmem>> -> memref<1x128xi32, #tpu.memory_space<vmem>>
    %dma_start3A_31 = tpu.memref_squeeze %dma_start3A_30 : memref<1x128xi32, #tpu.memory_space<vmem>> -> memref<128xi32, #tpu.memory_space<vmem>>
    %dma_start3A_32 = arith.constant 0 : i32
    %dma_start3A_33 = arith.constant 0 : i32
    %dma_start3A_34 = tpu.memref_slice %arg3[%dma_start3A_32, %dma_start3A_33] : memref<1000000x32xf32, #tpu.memory_space<hbm>> -> memref<1000000x32xf32, #tpu.memory_space<hbm>>
    tpu.enqueue_indirect_dma source(%dma_start3A_34 : memref<1000000x32xf32, #tpu.memory_space<hbm>>) target(%dma_start3A_28 : memref<128x32xf32, #tpu.memory_space<vmem>>) offsets(%dma_start3A_31 : memref<128xi32, #tpu.memory_space<vmem>>) semaphore(%arg10 : memref<!tpu.dma_semaphore, #tpu.memory_space<semaphore_mem>>)
    %dma_start3A_35 = arith.constant 0 : i32
    %dma_start3A_36 = arith.constant 2 : i32
    %dma_start3A_37 = arith.constant 0 : i32
    %dma_start3A_38 = arith.constant 0 : i32
    %dma_start3A_39 = tpu.memref_slice %arg7[%dma_start3A_36, %dma_start3A_37, %dma_start3A_38] : memref<4x128x32xf32, #tpu.memory_space<vmem>> -> memref<1x128x32xf32, #tpu.memory_space<vmem>>
    %dma_start3A_40 = tpu.memref_squeeze %dma_start3A_39 : memref<1x128x32xf32, #tpu.memory_space<vmem>> -> memref<128x32xf32, #tpu.memory_space<vmem>>
    %dma_start3A_41 = arith.constant 256 : i32
    %dma_start3A_42 = tpu.memref_slice %arg6[%dma_start3A_35, %dma_start3A_41] : memref<64x513xi32, #tpu.memory_space<vmem>> -> memref<1x128xi32, #tpu.memory_space<vmem>>
    %dma_start3A_43 = tpu.memref_squeeze %dma_start3A_42 : memref<1x128xi32, #tpu.memory_space<vmem>> -> memref<128xi32, #tpu.memory_space<vmem>>
    %dma_start3A_44 = arith.constant 0 : i32
    %dma_start3A_45 = arith.constant 0 : i32
    %dma_start3A_46 = tpu.memref_slice %arg3[%dma_start3A_44, %dma_start3A_45] : memref<1000000x32xf32, #tpu.memory_space<hbm>> -> memref<1000000x32xf32, #tpu.memory_space<hbm>>
    tpu.enqueue_indirect_dma source(%dma_start3A_46 : memref<1000000x32xf32, #tpu.memory_space<hbm>>) target(%dma_start3A_40 : memref<128x32xf32, #tpu.memory_space<vmem>>) offsets(%dma_start3A_43 : memref<128xi32, #tpu.memory_space<vmem>>) semaphore(%arg11 : memref<!tpu.dma_semaphore, #tpu.memory_space<semaphore_mem>>)
    %scan3A = arith.constant 0 : i32
    %scan3A_47 = arith.constant 0 : i32
    %scan3A_48 = arith.constant 50 : i32
    %scan3A_49 = arith.addi %scan3A_47, %scan3A_48 : i32
    %scan3A_50 = arith.constant 1 : i32
    %scan3A_51 = scf.for %scan3A_388 = %scan3A_47 to %scan3A_49 step %scan3A_50 iter_args(%scan3A_389 = %scan3A) -> (i32)  : i32 {
      %ge3A = arith.constant 1 : i32
      %ge3A_390 = arith.cmpi sge, %scan3A_388, %ge3A : i32
      %convert_element_type3A = arith.extui %ge3A_390 : i1 to i32
      %cond3A = arith.constant 0 : i32
      %cond3A_391 = arith.cmpi ne, %convert_element_type3A, %cond3A : i32
      scf.if %cond3A_391 {
        %dma_wait3A_804 = arith.constant 3 : i32
        %dma_wait3A_805 = arith.constant 0 : i32
        %dma_wait3A_806 = arith.constant 0 : i32
        %dma_wait3A_807 = arith.constant 0 : i32
        %dma_wait3A_808 = arith.constant 0 : i32
        %dma_wait3A_809 = arith.constant 0 : i32
        %dma_wait3A_810 = arith.constant 0 : i32
        %dma_wait3A_811 = tpu.memref_slice %arg8[%dma_wait3A_804, %dma_wait3A_805, %dma_wait3A_809, %dma_wait3A_810] : memref<4x4x8x129xf32, #tpu.memory_space<vmem>> -> memref<1x1x8x128xf32, #tpu.memory_space<vmem>>
        %dma_wait3A_812 = tpu.memref_squeeze %dma_wait3A_811 : memref<1x1x8x128xf32, #tpu.memory_space<vmem>> -> memref<8x128xf32, #tpu.memory_space<vmem>>
        %dma_wait3A_813 = arith.constant 0 : i32
        %dma_wait3A_814 = arith.constant 0 : i32
        %dma_wait3A_815 = tpu.memref_slice %arg4[%dma_wait3A_806, %dma_wait3A_807, %dma_wait3A_808, %dma_wait3A_813, %dma_wait3A_814] : memref<50x4x128x8x128xf32, #tpu.memory_space<hbm>> -> memref<1x1x1x8x128xf32, #tpu.memory_space<hbm>>
        %dma_wait3A_816 = tpu.memref_squeeze %dma_wait3A_815 : memref<1x1x1x8x128xf32, #tpu.memory_space<hbm>> -> memref<8x128xf32, #tpu.memory_space<hbm>>
        %dma_wait3A_817 = arith.constant 0 : i32
        %dma_wait3A_818 = arith.constant 0 : i32
        %dma_wait3A_819 = tpu.memref_slice %arg4[%dma_wait3A_806, %dma_wait3A_807, %dma_wait3A_808, %dma_wait3A_817, %dma_wait3A_818] : memref<50x4x128x8x128xf32, #tpu.memory_space<hbm>> -> memref<1x1x1x8x128xf32, #tpu.memory_space<hbm>>
        %dma_wait3A_820 = tpu.memref_squeeze %dma_wait3A_819 : memref<1x1x1x8x128xf32, #tpu.memory_space<hbm>> -> memref<8x128xf32, #tpu.memory_space<hbm>>
        %dma_wait3A_821 = arith.constant 0 : i32
        %dma_wait3A_822 = arith.constant 0 : i32
        %dma_wait3A_823 = tpu.memref_slice %arg8[%dma_wait3A_804, %dma_wait3A_805, %dma_wait3A_821, %dma_wait3A_822] : memref<4x4x8x129xf32, #tpu.memory_space<vmem>> -> memref<1x1x8x128xf32, #tpu.memory_space<vmem>>
        %dma_wait3A_824 = tpu.memref_squeeze %dma_wait3A_823 : memref<1x1x8x128xf32, #tpu.memory_space<vmem>> -> memref<8x128xf32, #tpu.memory_space<vmem>>
        tpu.wait_dma2 semaphore(%arg16 : memref<!tpu.dma_semaphore, #tpu.memory_space<semaphore_mem>>) src(%dma_wait3A_824 : memref<8x128xf32, #tpu.memory_space<vmem>>) dst(%dma_wait3A_820 : memref<8x128xf32, #tpu.memory_space<hbm>>)
        %dma_wait3A_825 = arith.constant 3 : i32
        %dma_wait3A_826 = arith.constant 1 : i32
        %dma_wait3A_827 = arith.constant 0 : i32
        %dma_wait3A_828 = arith.constant 0 : i32
        %dma_wait3A_829 = arith.constant 0 : i32
        %dma_wait3A_830 = arith.constant 0 : i32
        %dma_wait3A_831 = arith.constant 0 : i32
        %dma_wait3A_832 = tpu.memref_slice %arg8[%dma_wait3A_825, %dma_wait3A_826, %dma_wait3A_830, %dma_wait3A_831] : memref<4x4x8x129xf32, #tpu.memory_space<vmem>> -> memref<1x1x8x128xf32, #tpu.memory_space<vmem>>
        %dma_wait3A_833 = tpu.memref_squeeze %dma_wait3A_832 : memref<1x1x8x128xf32, #tpu.memory_space<vmem>> -> memref<8x128xf32, #tpu.memory_space<vmem>>
        %dma_wait3A_834 = arith.constant 0 : i32
        %dma_wait3A_835 = arith.constant 0 : i32
        %dma_wait3A_836 = tpu.memref_slice %arg4[%dma_wait3A_827, %dma_wait3A_828, %dma_wait3A_829, %dma_wait3A_834, %dma_wait3A_835] : memref<50x4x128x8x128xf32, #tpu.memory_space<hbm>> -> memref<1x1x1x8x128xf32, #tpu.memory_space<hbm>>
        %dma_wait3A_837 = tpu.memref_squeeze %dma_wait3A_836 : memref<1x1x1x8x128xf32, #tpu.memory_space<hbm>> -> memref<8x128xf32, #tpu.memory_space<hbm>>
        %dma_wait3A_838 = arith.constant 0 : i32
        %dma_wait3A_839 = arith.constant 0 : i32
        %dma_wait3A_840 = tpu.memref_slice %arg4[%dma_wait3A_827, %dma_wait3A_828, %dma_wait3A_829, %dma_wait3A_838, %dma_wait3A_839] : memref<50x4x128x8x128xf32, #tpu.memory_space<hbm>> -> memref<1x1x1x8x128xf32, #tpu.memory_space<hbm>>
        %dma_wait3A_841 = tpu.memref_squeeze %dma_wait3A_840 : memref<1x1x1x8x128xf32, #tpu.memory_space<hbm>> -> memref<8x128xf32, #tpu.memory_space<hbm>>
        %dma_wait3A_842 = arith.constant 0 : i32
        %dma_wait3A_843 = arith.constant 0 : i32
        %dma_wait3A_844 = tpu.memref_slice %arg8[%dma_wait3A_825, %dma_wait3A_826, %dma_wait3A_842, %dma_wait3A_843] : memref<4x4x8x129xf32, #tpu.memory_space<vmem>> -> memref<1x1x8x128xf32, #tpu.memory_space<vmem>>
        %dma_wait3A_845 = tpu.memref_squeeze %dma_wait3A_844 : memref<1x1x8x128xf32, #tpu.memory_space<vmem>> -> memref<8x128xf32, #tpu.memory_space<vmem>>
        tpu.wait_dma2 semaphore(%arg16 : memref<!tpu.dma_semaphore, #tpu.memory_space<semaphore_mem>>) src(%dma_wait3A_845 : memref<8x128xf32, #tpu.memory_space<vmem>>) dst(%dma_wait3A_841 : memref<8x128xf32, #tpu.memory_space<hbm>>)
        %dma_wait3A_846 = arith.constant 3 : i32
        %dma_wait3A_847 = arith.constant 2 : i32
        %dma_wait3A_848 = arith.constant 0 : i32
        %dma_wait3A_849 = arith.constant 0 : i32
        %dma_wait3A_850 = arith.constant 0 : i32
        %dma_wait3A_851 = arith.constant 0 : i32
        %dma_wait3A_852 = arith.constant 0 : i32
        %dma_wait3A_853 = tpu.memref_slice %arg8[%dma_wait3A_846, %dma_wait3A_847, %dma_wait3A_851, %dma_wait3A_852] : memref<4x4x8x129xf32, #tpu.memory_space<vmem>> -> memref<1x1x8x128xf32, #tpu.memory_space<vmem>>
        %dma_wait3A_854 = tpu.memref_squeeze %dma_wait3A_853 : memref<1x1x8x128xf32, #tpu.memory_space<vmem>> -> memref<8x128xf32, #tpu.memory_space<vmem>>
        %dma_wait3A_855 = arith.constant 0 : i32
        %dma_wait3A_856 = arith.constant 0 : i32
        %dma_wait3A_857 = tpu.memref_slice %arg4[%dma_wait3A_848, %dma_wait3A_849, %dma_wait3A_850, %dma_wait3A_855, %dma_wait3A_856] : memref<50x4x128x8x128xf32, #tpu.memory_space<hbm>> -> memref<1x1x1x8x128xf32, #tpu.memory_space<hbm>>
        %dma_wait3A_858 = tpu.memref_squeeze %dma_wait3A_857 : memref<1x1x1x8x128xf32, #tpu.memory_space<hbm>> -> memref<8x128xf32, #tpu.memory_space<hbm>>
        %dma_wait3A_859 = arith.constant 0 : i32
        %dma_wait3A_860 = arith.constant 0 : i32
        %dma_wait3A_861 = tpu.memref_slice %arg4[%dma_wait3A_848, %dma_wait3A_849, %dma_wait3A_850, %dma_wait3A_859, %dma_wait3A_860] : memref<50x4x128x8x128xf32, #tpu.memory_space<hbm>> -> memref<1x1x1x8x128xf32, #tpu.memory_space<hbm>>
        %dma_wait3A_862 = tpu.memref_squeeze %dma_wait3A_861 : memref<1x1x1x8x128xf32, #tpu.memory_space<hbm>> -> memref<8x128xf32, #tpu.memory_space<hbm>>
        %dma_wait3A_863 = arith.constant 0 : i32
        %dma_wait3A_864 = arith.constant 0 : i32
        %dma_wait3A_865 = tpu.memref_slice %arg8[%dma_wait3A_846, %dma_wait3A_847, %dma_wait3A_863, %dma_wait3A_864] : memref<4x4x8x129xf32, #tpu.memory_space<vmem>> -> memref<1x1x8x128xf32, #tpu.memory_space<vmem>>
        %dma_wait3A_866 = tpu.memref_squeeze %dma_wait3A_865 : memref<1x1x8x128xf32, #tpu.memory_space<vmem>> -> memref<8x128xf32, #tpu.memory_space<vmem>>
        tpu.wait_dma2 semaphore(%arg16 : memref<!tpu.dma_semaphore, #tpu.memory_space<semaphore_mem>>) src(%dma_wait3A_866 : memref<8x128xf32, #tpu.memory_space<vmem>>) dst(%dma_wait3A_862 : memref<8x128xf32, #tpu.memory_space<hbm>>)
        %dma_wait3A_867 = arith.constant 3 : i32
        %dma_wait3A_868 = arith.constant 3 : i32
        %dma_wait3A_869 = arith.constant 0 : i32
        %dma_wait3A_870 = arith.constant 0 : i32
        %dma_wait3A_871 = arith.constant 0 : i32
        %dma_wait3A_872 = arith.constant 0 : i32
        %dma_wait3A_873 = arith.constant 0 : i32
        %dma_wait3A_874 = tpu.memref_slice %arg8[%dma_wait3A_867, %dma_wait3A_868, %dma_wait3A_872, %dma_wait3A_873] : memref<4x4x8x129xf32, #tpu.memory_space<vmem>> -> memref<1x1x8x128xf32, #tpu.memory_space<vmem>>
        %dma_wait3A_875 = tpu.memref_squeeze %dma_wait3A_874 : memref<1x1x8x128xf32, #tpu.memory_space<vmem>> -> memref<8x128xf32, #tpu.memory_space<vmem>>
        %dma_wait3A_876 = arith.constant 0 : i32
        %dma_wait3A_877 = arith.constant 0 : i32
        %dma_wait3A_878 = tpu.memref_slice %arg4[%dma_wait3A_869, %dma_wait3A_870, %dma_wait3A_871, %dma_wait3A_876, %dma_wait3A_877] : memref<50x4x128x8x128xf32, #tpu.memory_space<hbm>> -> memref<1x1x1x8x128xf32, #tpu.memory_space<hbm>>
        %dma_wait3A_879 = tpu.memref_squeeze %dma_wait3A_878 : memref<1x1x1x8x128xf32, #tpu.memory_space<hbm>> -> memref<8x128xf32, #tpu.memory_space<hbm>>
        %dma_wait3A_880 = arith.constant 0 : i32
        %dma_wait3A_881 = arith.constant 0 : i32
        %dma_wait3A_882 = tpu.memref_slice %arg4[%dma_wait3A_869, %dma_wait3A_870, %dma_wait3A_871, %dma_wait3A_880, %dma_wait3A_881] : memref<50x4x128x8x128xf32, #tpu.memory_space<hbm>> -> memref<1x1x1x8x128xf32, #tpu.memory_space<hbm>>
        %dma_wait3A_883 = tpu.memref_squeeze %dma_wait3A_882 : memref<1x1x1x8x128xf32, #tpu.memory_space<hbm>> -> memref<8x128xf32, #tpu.memory_space<hbm>>
        %dma_wait3A_884 = arith.constant 0 : i32
        %dma_wait3A_885 = arith.constant 0 : i32
        %dma_wait3A_886 = tpu.memref_slice %arg8[%dma_wait3A_867, %dma_wait3A_868, %dma_wait3A_884, %dma_wait3A_885] : memref<4x4x8x129xf32, #tpu.memory_space<vmem>> -> memref<1x1x8x128xf32, #tpu.memory_space<vmem>>
        %dma_wait3A_887 = tpu.memref_squeeze %dma_wait3A_886 : memref<1x1x8x128xf32, #tpu.memory_space<vmem>> -> memref<8x128xf32, #tpu.memory_space<vmem>>
        tpu.wait_dma2 semaphore(%arg16 : memref<!tpu.dma_semaphore, #tpu.memory_space<semaphore_mem>>) src(%dma_wait3A_887 : memref<8x128xf32, #tpu.memory_space<vmem>>) dst(%dma_wait3A_883 : memref<8x128xf32, #tpu.memory_space<hbm>>)
      } else {
      }
      %dma_start3A_392 = arith.constant 3 : i32
      %dma_start3A_393 = arith.constant 0 : i32
      %dma_start3A_394 = arith.constant 0 : i32
      %dma_start3A_395 = tpu.memref_slice %arg7[%dma_start3A_392, %dma_start3A_393, %dma_start3A_394] : memref<4x128x32xf32, #tpu.memory_space<vmem>> -> memref<1x128x32xf32, #tpu.memory_space<vmem>>
      %dma_start3A_396 = tpu.memref_squeeze %dma_start3A_395 : memref<1x128x32xf32, #tpu.memory_space<vmem>> -> memref<128x32xf32, #tpu.memory_space<vmem>>
      %dma_start3A_397 = arith.constant 384 : i32
      %dma_start3A_398 = tpu.memref_slice %arg6[%scan3A_388, %dma_start3A_397] : memref<64x513xi32, #tpu.memory_space<vmem>> -> memref<1x128xi32, #tpu.memory_space<vmem>>
      %dma_start3A_399 = tpu.memref_squeeze %dma_start3A_398 : memref<1x128xi32, #tpu.memory_space<vmem>> -> memref<128xi32, #tpu.memory_space<vmem>>
      %dma_start3A_400 = arith.constant 0 : i32
      %dma_start3A_401 = arith.constant 0 : i32
      %dma_start3A_402 = tpu.memref_slice %arg3[%dma_start3A_400, %dma_start3A_401] : memref<1000000x32xf32, #tpu.memory_space<hbm>> -> memref<1000000x32xf32, #tpu.memory_space<hbm>>
      tpu.enqueue_indirect_dma source(%dma_start3A_402 : memref<1000000x32xf32, #tpu.memory_space<hbm>>) target(%dma_start3A_396 : memref<128x32xf32, #tpu.memory_space<vmem>>) offsets(%dma_start3A_399 : memref<128xi32, #tpu.memory_space<vmem>>) semaphore(%arg12 : memref<!tpu.dma_semaphore, #tpu.memory_space<semaphore_mem>>)
      %dma_wait3A_403 = arith.constant 0 : i32
      %dma_wait3A_404 = arith.constant 0 : i32
      %dma_wait3A_405 = arith.constant 0 : i32
      %dma_wait3A_406 = arith.constant 0 : i32
      %dma_wait3A_407 = tpu.memref_slice %arg7[%dma_wait3A_404, %dma_wait3A_405, %dma_wait3A_406] : memref<4x128x32xf32, #tpu.memory_space<vmem>> -> memref<1x128x32xf32, #tpu.memory_space<vmem>>
      %dma_wait3A_408 = tpu.memref_squeeze %dma_wait3A_407 : memref<1x128x32xf32, #tpu.memory_space<vmem>> -> memref<128x32xf32, #tpu.memory_space<vmem>>
      %dma_wait3A_409 = arith.constant 0 : i32
      %dma_wait3A_410 = tpu.memref_slice %arg6[%dma_wait3A_403, %dma_wait3A_409] : memref<64x513xi32, #tpu.memory_space<vmem>> -> memref<1x128xi32, #tpu.memory_space<vmem>>
      %dma_wait3A_411 = tpu.memref_squeeze %dma_wait3A_410 : memref<1x128xi32, #tpu.memory_space<vmem>> -> memref<128xi32, #tpu.memory_space<vmem>>
      %dma_wait3A_412 = arith.constant 0 : i32
      %dma_wait3A_413 = arith.constant 0 : i32
      %dma_wait3A_414 = tpu.memref_slice %arg3[%dma_wait3A_412, %dma_wait3A_413] : memref<1000000x32xf32, #tpu.memory_space<hbm>> -> memref<1000000x32xf32, #tpu.memory_space<hbm>>
      tpu.wait_indirect_dma semaphore(%arg9 : memref<!tpu.dma_semaphore, #tpu.memory_space<semaphore_mem>>) src(%dma_wait3A_414 : memref<1000000x32xf32, #tpu.memory_space<hbm>>) dst(%dma_wait3A_408 : memref<128x32xf32, #tpu.memory_space<vmem>>)
      %parallel_loop3A_415 = arith.constant 0 : i32
      %parallel_loop3A_416 = arith.constant 128 : i32
      %parallel_loop3A_417 = arith.constant 1 : i32
      scf.for %parallel_loop3A_804 = %parallel_loop3A_415 to %parallel_loop3A_416 step %parallel_loop3A_417  : i32 {
        %parallel_loop3A_805 = vector.broadcast %parallel_loop3A_804 : i32 to vector<16xi32>
        %parallel_loop3A_806 = arith.constant 0 : i32
        %parallel_loop3A_807 = arith.index_cast %parallel_loop3A_806 : i32 to index
        %parallel_loop3A_808 = arith.index_cast %parallel_loop3A_804 : i32 to index
        %parallel_loop3A_809 = arith.constant 0 : index
        %parallel_loop3A_810 = tpu.vector_load %arg7[%parallel_loop3A_807, %parallel_loop3A_808, %parallel_loop3A_809] {strides = array<i32>} : memref<4x128x32xf32, #tpu.memory_space<vmem>>, vector<16xf32>,
        %parallel_loop3A_811 = arith.constant 1.000000e+01 : f32
        %parallel_loop3A_812 = vector.broadcast %parallel_loop3A_811 : f32 to vector<16xf32>
        %parallel_loop3A_813 = arith.mulf %parallel_loop3A_810, %parallel_loop3A_812 : vector<16xf32>
        %parallel_loop3A_814 = arith.constant 0 : i32
        %parallel_loop3A_815 = arith.constant 0 : i32
        %parallel_loop3A_816 = arith.constant 0 : i32
        %parallel_loop3A_817 = arith.constant 0 : i32
        %parallel_loop3A_818 = tpu.memref_slice %arg8[%parallel_loop3A_814, %parallel_loop3A_815, %parallel_loop3A_816, %parallel_loop3A_817] : memref<4x4x8x129xf32, #tpu.memory_space<vmem>> -> memref<1x4x8x129xf32, #tpu.memory_space<vmem>>
        %parallel_loop3A_819 = tpu.memref_squeeze %parallel_loop3A_818 : memref<1x4x8x129xf32, #tpu.memory_space<vmem>> -> memref<4x8x129xf32, #tpu.memory_space<vmem>>
        tpu.vector_store_idx %parallel_loop3A_819[%shift_right_arithmetic3A_4, %and3A_9, %parallel_loop3A_805], %parallel_loop3A_813 : memref<4x8x129xf32, #tpu.memory_space<vmem>>[vector<16xi32>, vector<16xi32>, vector<16xi32>], vector<16xf32>,
        %parallel_loop3A_820 = arith.constant 0 : i32
        %parallel_loop3A_821 = arith.index_cast %parallel_loop3A_820 : i32 to index
        %parallel_loop3A_822 = arith.index_cast %parallel_loop3A_804 : i32 to index
        %parallel_loop3A_823 = arith.constant 16 : index
        %parallel_loop3A_824 = tpu.vector_load %arg7[%parallel_loop3A_821, %parallel_loop3A_822, %parallel_loop3A_823] {strides = array<i32>} : memref<4x128x32xf32, #tpu.memory_space<vmem>>, vector<16xf32>,
        %parallel_loop3A_825 = arith.constant 1.000000e+01 : f32
        %parallel_loop3A_826 = vector.broadcast %parallel_loop3A_825 : f32 to vector<16xf32>
        %parallel_loop3A_827 = arith.mulf %parallel_loop3A_824, %parallel_loop3A_826 : vector<16xf32>
        %parallel_loop3A_828 = arith.constant 0 : i32
        %parallel_loop3A_829 = arith.constant 0 : i32
        %parallel_loop3A_830 = arith.constant 0 : i32
        %parallel_loop3A_831 = arith.constant 0 : i32
        %parallel_loop3A_832 = tpu.memref_slice %arg8[%parallel_loop3A_828, %parallel_loop3A_829, %parallel_loop3A_830, %parallel_loop3A_831] : memref<4x4x8x129xf32, #tpu.memory_space<vmem>> -> memref<1x4x8x129xf32, #tpu.memory_space<vmem>>
        %parallel_loop3A_833 = tpu.memref_squeeze %parallel_loop3A_832 : memref<1x4x8x129xf32, #tpu.memory_space<vmem>> -> memref<4x8x129xf32, #tpu.memory_space<vmem>>
        tpu.vector_store_idx %parallel_loop3A_833[%add3A_7, %and3A_9, %parallel_loop3A_805], %parallel_loop3A_827 : memref<4x8x129xf32, #tpu.memory_space<vmem>>[vector<16xi32>, vector<16xi32>, vector<16xi32>], vector<16xf32>,
      } {sc.loop_unroll_factor = 2 : i64, sc.parallel_access}
      %mul3A_418 = arith.constant 4 : i32
      %mul3A_419 = arith.muli %add3A, %mul3A_418 : i32
      %add3A_420 = arith.constant 0 : i32
      %add3A_421 = arith.addi %mul3A_419, %add3A_420 : i32
      %dma_start3A_422 = arith.constant 0 : i32
      %dma_start3A_423 = arith.constant 0 : i32
      %dma_start3A_424 = arith.constant 0 : i32
      %dma_start3A_425 = arith.constant 0 : i32
      %dma_start3A_426 = arith.constant 0 : i32
      %dma_start3A_427 = tpu.memref_slice %arg8[%dma_start3A_422, %dma_start3A_423, %dma_start3A_425, %dma_start3A_426] : memref<4x4x8x129xf32, #tpu.memory_space<vmem>> -> memref<1x1x8x128xf32, #tpu.memory_space<vmem>>
      %dma_start3A_428 = tpu.memref_squeeze %dma_start3A_427 : memref<1x1x8x128xf32, #tpu.memory_space<vmem>> -> memref<8x128xf32, #tpu.memory_space<vmem>>
      %dma_start3A_429 = arith.constant 0 : i32
      %dma_start3A_430 = arith.constant 0 : i32
      %dma_start3A_431 = tpu.memref_slice %arg4[%scan3A_388, %dma_start3A_424, %add3A_421, %dma_start3A_429, %dma_start3A_430] : memref<50x4x128x8x128xf32, #tpu.memory_space<hbm>> -> memref<1x1x1x8x128xf32, #tpu.memory_space<hbm>>
      %dma_start3A_432 = tpu.memref_squeeze %dma_start3A_431 : memref<1x1x1x8x128xf32, #tpu.memory_space<hbm>> -> memref<8x128xf32, #tpu.memory_space<hbm>>
      %dma_start3A_433 = arith.constant 0 : i32
      %dma_start3A_434 = arith.constant 0 : i32
      %dma_start3A_435 = tpu.memref_slice %arg4[%scan3A_388, %dma_start3A_424, %add3A_421, %dma_start3A_433, %dma_start3A_434] : memref<50x4x128x8x128xf32, #tpu.memory_space<hbm>> -> memref<1x1x1x8x128xf32, #tpu.memory_space<hbm>>
      %dma_start3A_436 = tpu.memref_squeeze %dma_start3A_435 : memref<1x1x1x8x128xf32, #tpu.memory_space<hbm>> -> memref<8x128xf32, #tpu.memory_space<hbm>>
      %dma_start3A_437 = arith.constant 0 : i32
      %dma_start3A_438 = arith.constant 0 : i32
      %dma_start3A_439 = tpu.memref_slice %arg8[%dma_start3A_422, %dma_start3A_423, %dma_start3A_437, %dma_start3A_438] : memref<4x4x8x129xf32, #tpu.memory_space<vmem>> -> memref<1x1x8x128xf32, #tpu.memory_space<vmem>>
      %dma_start3A_440 = tpu.memref_squeeze %dma_start3A_439 : memref<1x1x8x128xf32, #tpu.memory_space<vmem>> -> memref<8x128xf32, #tpu.memory_space<vmem>>
      tpu.enqueue_dma source(%dma_start3A_440 : memref<8x128xf32, #tpu.memory_space<vmem>>) target(%dma_start3A_436 : memref<8x128xf32, #tpu.memory_space<hbm>>) target_semaphore(%arg13 : memref<!tpu.dma_semaphore, #tpu.memory_space<semaphore_mem>>)
      %dma_start3A_441 = arith.constant 0 : i32
      %dma_start3A_442 = arith.constant 1 : i32
      %dma_start3A_443 = arith.constant 1 : i32
      %dma_start3A_444 = arith.constant 0 : i32
      %dma_start3A_445 = arith.constant 0 : i32
      %dma_start3A_446 = tpu.memref_slice %arg8[%dma_start3A_441, %dma_start3A_442, %dma_start3A_444, %dma_start3A_445] : memref<4x4x8x129xf32, #tpu.memory_space<vmem>> -> memref<1x1x8x128xf32, #tpu.memory_space<vmem>>
      %dma_start3A_447 = tpu.memref_squeeze %dma_start3A_446 : memref<1x1x8x128xf32, #tpu.memory_space<vmem>> -> memref<8x128xf32, #tpu.memory_space<vmem>>
      %dma_start3A_448 = arith.constant 0 : i32
      %dma_start3A_449 = arith.constant 0 : i32
      %dma_start3A_450 = tpu.memref_slice %arg4[%scan3A_388, %dma_start3A_443, %add3A_421, %dma_start3A_448, %dma_start3A_449] : memref<50x4x128x8x128xf32, #tpu.memory_space<hbm>> -> memref<1x1x1x8x128xf32, #tpu.memory_space<hbm>>
      %dma_start3A_451 = tpu.memref_squeeze %dma_start3A_450 : memref<1x1x1x8x128xf32, #tpu.memory_space<hbm>> -> memref<8x128xf32, #tpu.memory_space<hbm>>
      %dma_start3A_452 = arith.constant 0 : i32
      %dma_start3A_453 = arith.constant 0 : i32
      %dma_start3A_454 = tpu.memref_slice %arg4[%scan3A_388, %dma_start3A_443, %add3A_421, %dma_start3A_452, %dma_start3A_453] : memref<50x4x128x8x128xf32, #tpu.memory_space<hbm>> -> memref<1x1x1x8x128xf32, #tpu.memory_space<hbm>>
      %dma_start3A_455 = tpu.memref_squeeze %dma_start3A_454 : memref<1x1x1x8x128xf32, #tpu.memory_space<hbm>> -> memref<8x128xf32, #tpu.memory_space<hbm>>
      %dma_start3A_456 = arith.constant 0 : i32
      %dma_start3A_457 = arith.constant 0 : i32
      %dma_start3A_458 = tpu.memref_slice %arg8[%dma_start3A_441, %dma_start3A_442, %dma_start3A_456, %dma_start3A_457] : memref<4x4x8x129xf32, #tpu.memory_space<vmem>> -> memref<1x1x8x128xf32, #tpu.memory_space<vmem>>
      %dma_start3A_459 = tpu.memref_squeeze %dma_start3A_458 : memref<1x1x8x128xf32, #tpu.memory_space<vmem>> -> memref<8x128xf32, #tpu.memory_space<vmem>>
      tpu.enqueue_dma source(%dma_start3A_459 : memref<8x128xf32, #tpu.memory_space<vmem>>) target(%dma_start3A_455 : memref<8x128xf32, #tpu.memory_space<hbm>>) target_semaphore(%arg13 : memref<!tpu.dma_semaphore, #tpu.memory_space<semaphore_mem>>)
      %dma_start3A_460 = arith.constant 0 : i32
      %dma_start3A_461 = arith.constant 2 : i32
      %dma_start3A_462 = arith.constant 2 : i32
      %dma_start3A_463 = arith.constant 0 : i32
      %dma_start3A_464 = arith.constant 0 : i32
      %dma_start3A_465 = tpu.memref_slice %arg8[%dma_start3A_460, %dma_start3A_461, %dma_start3A_463, %dma_start3A_464] : memref<4x4x8x129xf32, #tpu.memory_space<vmem>> -> memref<1x1x8x128xf32, #tpu.memory_space<vmem>>
      %dma_start3A_466 = tpu.memref_squeeze %dma_start3A_465 : memref<1x1x8x128xf32, #tpu.memory_space<vmem>> -> memref<8x128xf32, #tpu.memory_space<vmem>>
      %dma_start3A_467 = arith.constant 0 : i32
      %dma_start3A_468 = arith.constant 0 : i32
      %dma_start3A_469 = tpu.memref_slice %arg4[%scan3A_388, %dma_start3A_462, %add3A_421, %dma_start3A_467, %dma_start3A_468] : memref<50x4x128x8x128xf32, #tpu.memory_space<hbm>> -> memref<1x1x1x8x128xf32, #tpu.memory_space<hbm>>
      %dma_start3A_470 = tpu.memref_squeeze %dma_start3A_469 : memref<1x1x1x8x128xf32, #tpu.memory_space<hbm>> -> memref<8x128xf32, #tpu.memory_space<hbm>>
      %dma_start3A_471 = arith.constant 0 : i32
      %dma_start3A_472 = arith.constant 0 : i32
      %dma_start3A_473 = tpu.memref_slice %arg4[%scan3A_388, %dma_start3A_462, %add3A_421, %dma_start3A_471, %dma_start3A_472] : memref<50x4x128x8x128xf32, #tpu.memory_space<hbm>> -> memref<1x1x1x8x128xf32, #tpu.memory_space<hbm>>
      %dma_start3A_474 = tpu.memref_squeeze %dma_start3A_473 : memref<1x1x1x8x128xf32, #tpu.memory_space<hbm>> -> memref<8x128xf32, #tpu.memory_space<hbm>>
      %dma_start3A_475 = arith.constant 0 : i32
      %dma_start3A_476 = arith.constant 0 : i32
      %dma_start3A_477 = tpu.memref_slice %arg8[%dma_start3A_460, %dma_start3A_461, %dma_start3A_475, %dma_start3A_476] : memref<4x4x8x129xf32, #tpu.memory_space<vmem>> -> memref<1x1x8x128xf32, #tpu.memory_space<vmem>>
      %dma_start3A_478 = tpu.memref_squeeze %dma_start3A_477 : memref<1x1x8x128xf32, #tpu.memory_space<vmem>> -> memref<8x128xf32, #tpu.memory_space<vmem>>
      tpu.enqueue_dma source(%dma_start3A_478 : memref<8x128xf32, #tpu.memory_space<vmem>>) target(%dma_start3A_474 : memref<8x128xf32, #tpu.memory_space<hbm>>) target_semaphore(%arg13 : memref<!tpu.dma_semaphore, #tpu.memory_space<semaphore_mem>>)
      %dma_start3A_479 = arith.constant 0 : i32
      %dma_start3A_480 = arith.constant 3 : i32
      %dma_start3A_481 = arith.constant 3 : i32
      %dma_start3A_482 = arith.constant 0 : i32
      %dma_start3A_483 = arith.constant 0 : i32
      %dma_start3A_484 = tpu.memref_slice %arg8[%dma_start3A_479, %dma_start3A_480, %dma_start3A_482, %dma_start3A_483] : memref<4x4x8x129xf32, #tpu.memory_space<vmem>> -> memref<1x1x8x128xf32, #tpu.memory_space<vmem>>
      %dma_start3A_485 = tpu.memref_squeeze %dma_start3A_484 : memref<1x1x8x128xf32, #tpu.memory_space<vmem>> -> memref<8x128xf32, #tpu.memory_space<vmem>>
      %dma_start3A_486 = arith.constant 0 : i32
      %dma_start3A_487 = arith.constant 0 : i32
      %dma_start3A_488 = tpu.memref_slice %arg4[%scan3A_388, %dma_start3A_481, %add3A_421, %dma_start3A_486, %dma_start3A_487] : memref<50x4x128x8x128xf32, #tpu.memory_space<hbm>> -> memref<1x1x1x8x128xf32, #tpu.memory_space<hbm>>
      %dma_start3A_489 = tpu.memref_squeeze %dma_start3A_488 : memref<1x1x1x8x128xf32, #tpu.memory_space<hbm>> -> memref<8x128xf32, #tpu.memory_space<hbm>>
      %dma_start3A_490 = arith.constant 0 : i32
      %dma_start3A_491 = arith.constant 0 : i32
      %dma_start3A_492 = tpu.memref_slice %arg4[%scan3A_388, %dma_start3A_481, %add3A_421, %dma_start3A_490, %dma_start3A_491] : memref<50x4x128x8x128xf32, #tpu.memory_space<hbm>> -> memref<1x1x1x8x128xf32, #tpu.memory_space<hbm>>
      %dma_start3A_493 = tpu.memref_squeeze %dma_start3A_492 : memref<1x1x1x8x128xf32, #tpu.memory_space<hbm>> -> memref<8x128xf32, #tpu.memory_space<hbm>>
      %dma_start3A_494 = arith.constant 0 : i32
      %dma_start3A_495 = arith.constant 0 : i32
      %dma_start3A_496 = tpu.memref_slice %arg8[%dma_start3A_479, %dma_start3A_480, %dma_start3A_494, %dma_start3A_495] : memref<4x4x8x129xf32, #tpu.memory_space<vmem>> -> memref<1x1x8x128xf32, #tpu.memory_space<vmem>>
      %dma_start3A_497 = tpu.memref_squeeze %dma_start3A_496 : memref<1x1x8x128xf32, #tpu.memory_space<vmem>> -> memref<8x128xf32, #tpu.memory_space<vmem>>
      tpu.enqueue_dma source(%dma_start3A_497 : memref<8x128xf32, #tpu.memory_space<vmem>>) target(%dma_start3A_493 : memref<8x128xf32, #tpu.memory_space<hbm>>) target_semaphore(%arg13 : memref<!tpu.dma_semaphore, #tpu.memory_space<semaphore_mem>>)
      %add3A_498 = arith.constant 1 : i32
      %add3A_499 = arith.addi %scan3A_388, %add3A_498 : i32
      %lt3A = arith.constant 49 : i32
      %lt3A_500 = arith.cmpi slt, %scan3A_388, %lt3A : i32
      %convert_element_type3A_501 = arith.extui %lt3A_500 : i1 to i32
      %cond3A_502 = arith.constant 0 : i32
      %cond3A_503 = arith.cmpi ne, %convert_element_type3A_501, %cond3A_502 : i32
      scf.if %cond3A_503 {
        %dma_wait3A_804 = arith.constant 0 : i32
        %dma_wait3A_805 = arith.constant 0 : i32
        %dma_wait3A_806 = arith.constant 0 : i32
        %dma_wait3A_807 = arith.constant 0 : i32
        %dma_wait3A_808 = arith.constant 0 : i32
        %dma_wait3A_809 = arith.constant 0 : i32
        %dma_wait3A_810 = arith.constant 0 : i32
        %dma_wait3A_811 = tpu.memref_slice %arg8[%dma_wait3A_804, %dma_wait3A_805, %dma_wait3A_809, %dma_wait3A_810] : memref<4x4x8x129xf32, #tpu.memory_space<vmem>> -> memref<1x1x8x128xf32, #tpu.memory_space<vmem>>
        %dma_wait3A_812 = tpu.memref_squeeze %dma_wait3A_811 : memref<1x1x8x128xf32, #tpu.memory_space<vmem>> -> memref<8x128xf32, #tpu.memory_space<vmem>>
        %dma_wait3A_813 = arith.constant 0 : i32
        %dma_wait3A_814 = arith.constant 0 : i32
        %dma_wait3A_815 = tpu.memref_slice %arg4[%dma_wait3A_806, %dma_wait3A_807, %dma_wait3A_808, %dma_wait3A_813, %dma_wait3A_814] : memref<50x4x128x8x128xf32, #tpu.memory_space<hbm>> -> memref<1x1x1x8x128xf32, #tpu.memory_space<hbm>>
        %dma_wait3A_816 = tpu.memref_squeeze %dma_wait3A_815 : memref<1x1x1x8x128xf32, #tpu.memory_space<hbm>> -> memref<8x128xf32, #tpu.memory_space<hbm>>
        %dma_wait3A_817 = arith.constant 0 : i32
        %dma_wait3A_818 = arith.constant 0 : i32
        %dma_wait3A_819 = tpu.memref_slice %arg4[%dma_wait3A_806, %dma_wait3A_807, %dma_wait3A_808, %dma_wait3A_817, %dma_wait3A_818] : memref<50x4x128x8x128xf32, #tpu.memory_space<hbm>> -> memref<1x1x1x8x128xf32, #tpu.memory_space<hbm>>
        %dma_wait3A_820 = tpu.memref_squeeze %dma_wait3A_819 : memref<1x1x1x8x128xf32, #tpu.memory_space<hbm>> -> memref<8x128xf32, #tpu.memory_space<hbm>>
        %dma_wait3A_821 = arith.constant 0 : i32
        %dma_wait3A_822 = arith.constant 0 : i32
        %dma_wait3A_823 = tpu.memref_slice %arg8[%dma_wait3A_804, %dma_wait3A_805, %dma_wait3A_821, %dma_wait3A_822] : memref<4x4x8x129xf32, #tpu.memory_space<vmem>> -> memref<1x1x8x128xf32, #tpu.memory_space<vmem>>
        %dma_wait3A_824 = tpu.memref_squeeze %dma_wait3A_823 : memref<1x1x8x128xf32, #tpu.memory_space<vmem>> -> memref<8x128xf32, #tpu.memory_space<vmem>>
        tpu.wait_dma2 semaphore(%arg13 : memref<!tpu.dma_semaphore, #tpu.memory_space<semaphore_mem>>) src(%dma_wait3A_824 : memref<8x128xf32, #tpu.memory_space<vmem>>) dst(%dma_wait3A_820 : memref<8x128xf32, #tpu.memory_space<hbm>>)
        %dma_wait3A_825 = arith.constant 0 : i32
        %dma_wait3A_826 = arith.constant 1 : i32
        %dma_wait3A_827 = arith.constant 0 : i32
        %dma_wait3A_828 = arith.constant 0 : i32
        %dma_wait3A_829 = arith.constant 0 : i32
        %dma_wait3A_830 = arith.constant 0 : i32
        %dma_wait3A_831 = arith.constant 0 : i32
        %dma_wait3A_832 = tpu.memref_slice %arg8[%dma_wait3A_825, %dma_wait3A_826, %dma_wait3A_830, %dma_wait3A_831] : memref<4x4x8x129xf32, #tpu.memory_space<vmem>> -> memref<1x1x8x128xf32, #tpu.memory_space<vmem>>
        %dma_wait3A_833 = tpu.memref_squeeze %dma_wait3A_832 : memref<1x1x8x128xf32, #tpu.memory_space<vmem>> -> memref<8x128xf32, #tpu.memory_space<vmem>>
        %dma_wait3A_834 = arith.constant 0 : i32
        %dma_wait3A_835 = arith.constant 0 : i32
        %dma_wait3A_836 = tpu.memref_slice %arg4[%dma_wait3A_827, %dma_wait3A_828, %dma_wait3A_829, %dma_wait3A_834, %dma_wait3A_835] : memref<50x4x128x8x128xf32, #tpu.memory_space<hbm>> -> memref<1x1x1x8x128xf32, #tpu.memory_space<hbm>>
        %dma_wait3A_837 = tpu.memref_squeeze %dma_wait3A_836 : memref<1x1x1x8x128xf32, #tpu.memory_space<hbm>> -> memref<8x128xf32, #tpu.memory_space<hbm>>
        %dma_wait3A_838 = arith.constant 0 : i32
        %dma_wait3A_839 = arith.constant 0 : i32
        %dma_wait3A_840 = tpu.memref_slice %arg4[%dma_wait3A_827, %dma_wait3A_828, %dma_wait3A_829, %dma_wait3A_838, %dma_wait3A_839] : memref<50x4x128x8x128xf32, #tpu.memory_space<hbm>> -> memref<1x1x1x8x128xf32, #tpu.memory_space<hbm>>
        %dma_wait3A_841 = tpu.memref_squeeze %dma_wait3A_840 : memref<1x1x1x8x128xf32, #tpu.memory_space<hbm>> -> memref<8x128xf32, #tpu.memory_space<hbm>>
        %dma_wait3A_842 = arith.constant 0 : i32
        %dma_wait3A_843 = arith.constant 0 : i32
        %dma_wait3A_844 = tpu.memref_slice %arg8[%dma_wait3A_825, %dma_wait3A_826, %dma_wait3A_842, %dma_wait3A_843] : memref<4x4x8x129xf32, #tpu.memory_space<vmem>> -> memref<1x1x8x128xf32, #tpu.memory_space<vmem>>
        %dma_wait3A_845 = tpu.memref_squeeze %dma_wait3A_844 : memref<1x1x8x128xf32, #tpu.memory_space<vmem>> -> memref<8x128xf32, #tpu.memory_space<vmem>>
        tpu.wait_dma2 semaphore(%arg13 : memref<!tpu.dma_semaphore, #tpu.memory_space<semaphore_mem>>) src(%dma_wait3A_845 : memref<8x128xf32, #tpu.memory_space<vmem>>) dst(%dma_wait3A_841 : memref<8x128xf32, #tpu.memory_space<hbm>>)
        %dma_wait3A_846 = arith.constant 0 : i32
        %dma_wait3A_847 = arith.constant 2 : i32
        %dma_wait3A_848 = arith.constant 0 : i32
        %dma_wait3A_849 = arith.constant 0 : i32
        %dma_wait3A_850 = arith.constant 0 : i32
        %dma_wait3A_851 = arith.constant 0 : i32
        %dma_wait3A_852 = arith.constant 0 : i32
        %dma_wait3A_853 = tpu.memref_slice %arg8[%dma_wait3A_846, %dma_wait3A_847, %dma_wait3A_851, %dma_wait3A_852] : memref<4x4x8x129xf32, #tpu.memory_space<vmem>> -> memref<1x1x8x128xf32, #tpu.memory_space<vmem>>
        %dma_wait3A_854 = tpu.memref_squeeze %dma_wait3A_853 : memref<1x1x8x128xf32, #tpu.memory_space<vmem>> -> memref<8x128xf32, #tpu.memory_space<vmem>>
        %dma_wait3A_855 = arith.constant 0 : i32
        %dma_wait3A_856 = arith.constant 0 : i32
        %dma_wait3A_857 = tpu.memref_slice %arg4[%dma_wait3A_848, %dma_wait3A_849, %dma_wait3A_850, %dma_wait3A_855, %dma_wait3A_856] : memref<50x4x128x8x128xf32, #tpu.memory_space<hbm>> -> memref<1x1x1x8x128xf32, #tpu.memory_space<hbm>>
        %dma_wait3A_858 = tpu.memref_squeeze %dma_wait3A_857 : memref<1x1x1x8x128xf32, #tpu.memory_space<hbm>> -> memref<8x128xf32, #tpu.memory_space<hbm>>
        %dma_wait3A_859 = arith.constant 0 : i32
        %dma_wait3A_860 = arith.constant 0 : i32
        %dma_wait3A_861 = tpu.memref_slice %arg4[%dma_wait3A_848, %dma_wait3A_849, %dma_wait3A_850, %dma_wait3A_859, %dma_wait3A_860] : memref<50x4x128x8x128xf32, #tpu.memory_space<hbm>> -> memref<1x1x1x8x128xf32, #tpu.memory_space<hbm>>
        %dma_wait3A_862 = tpu.memref_squeeze %dma_wait3A_861 : memref<1x1x1x8x128xf32, #tpu.memory_space<hbm>> -> memref<8x128xf32, #tpu.memory_space<hbm>>
        %dma_wait3A_863 = arith.constant 0 : i32
        %dma_wait3A_864 = arith.constant 0 : i32
        %dma_wait3A_865 = tpu.memref_slice %arg8[%dma_wait3A_846, %dma_wait3A_847, %dma_wait3A_863, %dma_wait3A_864] : memref<4x4x8x129xf32, #tpu.memory_space<vmem>> -> memref<1x1x8x128xf32, #tpu.memory_space<vmem>>
        %dma_wait3A_866 = tpu.memref_squeeze %dma_wait3A_865 : memref<1x1x8x128xf32, #tpu.memory_space<vmem>> -> memref<8x128xf32, #tpu.memory_space<vmem>>
        tpu.wait_dma2 semaphore(%arg13 : memref<!tpu.dma_semaphore, #tpu.memory_space<semaphore_mem>>) src(%dma_wait3A_866 : memref<8x128xf32, #tpu.memory_space<vmem>>) dst(%dma_wait3A_862 : memref<8x128xf32, #tpu.memory_space<hbm>>)
        %dma_wait3A_867 = arith.constant 0 : i32
        %dma_wait3A_868 = arith.constant 3 : i32
        %dma_wait3A_869 = arith.constant 0 : i32
        %dma_wait3A_870 = arith.constant 0 : i32
        %dma_wait3A_871 = arith.constant 0 : i32
        %dma_wait3A_872 = arith.constant 0 : i32
        %dma_wait3A_873 = arith.constant 0 : i32
        %dma_wait3A_874 = tpu.memref_slice %arg8[%dma_wait3A_867, %dma_wait3A_868, %dma_wait3A_872, %dma_wait3A_873] : memref<4x4x8x129xf32, #tpu.memory_space<vmem>> -> memref<1x1x8x128xf32, #tpu.memory_space<vmem>>
        %dma_wait3A_875 = tpu.memref_squeeze %dma_wait3A_874 : memref<1x1x8x128xf32, #tpu.memory_space<vmem>> -> memref<8x128xf32, #tpu.memory_space<vmem>>
        %dma_wait3A_876 = arith.constant 0 : i32
        %dma_wait3A_877 = arith.constant 0 : i32
        %dma_wait3A_878 = tpu.memref_slice %arg4[%dma_wait3A_869, %dma_wait3A_870, %dma_wait3A_871, %dma_wait3A_876, %dma_wait3A_877] : memref<50x4x128x8x128xf32, #tpu.memory_space<hbm>> -> memref<1x1x1x8x128xf32, #tpu.memory_space<hbm>>
        %dma_wait3A_879 = tpu.memref_squeeze %dma_wait3A_878 : memref<1x1x1x8x128xf32, #tpu.memory_space<hbm>> -> memref<8x128xf32, #tpu.memory_space<hbm>>
        %dma_wait3A_880 = arith.constant 0 : i32
        %dma_wait3A_881 = arith.constant 0 : i32
        %dma_wait3A_882 = tpu.memref_slice %arg4[%dma_wait3A_869, %dma_wait3A_870, %dma_wait3A_871, %dma_wait3A_880, %dma_wait3A_881] : memref<50x4x128x8x128xf32, #tpu.memory_space<hbm>> -> memref<1x1x1x8x128xf32, #tpu.memory_space<hbm>>
        %dma_wait3A_883 = tpu.memref_squeeze %dma_wait3A_882 : memref<1x1x1x8x128xf32, #tpu.memory_space<hbm>> -> memref<8x128xf32, #tpu.memory_space<hbm>>
        %dma_wait3A_884 = arith.constant 0 : i32
        %dma_wait3A_885 = arith.constant 0 : i32
        %dma_wait3A_886 = tpu.memref_slice %arg8[%dma_wait3A_867, %dma_wait3A_868, %dma_wait3A_884, %dma_wait3A_885] : memref<4x4x8x129xf32, #tpu.memory_space<vmem>> -> memref<1x1x8x128xf32, #tpu.memory_space<vmem>>
        %dma_wait3A_887 = tpu.memref_squeeze %dma_wait3A_886 : memref<1x1x8x128xf32, #tpu.memory_space<vmem>> -> memref<8x128xf32, #tpu.memory_space<vmem>>
        tpu.wait_dma2 semaphore(%arg13 : memref<!tpu.dma_semaphore, #tpu.memory_space<semaphore_mem>>) src(%dma_wait3A_887 : memref<8x128xf32, #tpu.memory_space<vmem>>) dst(%dma_wait3A_883 : memref<8x128xf32, #tpu.memory_space<hbm>>)
        %dma_start3A_888 = arith.constant 0 : i32
        %dma_start3A_889 = arith.constant 0 : i32
        %dma_start3A_890 = arith.constant 0 : i32
        %dma_start3A_891 = tpu.memref_slice %arg7[%dma_start3A_888, %dma_start3A_889, %dma_start3A_890] : memref<4x128x32xf32, #tpu.memory_space<vmem>> -> memref<1x128x32xf32, #tpu.memory_space<vmem>>
        %dma_start3A_892 = tpu.memref_squeeze %dma_start3A_891 : memref<1x128x32xf32, #tpu.memory_space<vmem>> -> memref<128x32xf32, #tpu.memory_space<vmem>>
        %dma_start3A_893 = arith.constant 0 : i32
        %dma_start3A_894 = tpu.memref_slice %arg6[%add3A_499, %dma_start3A_893] : memref<64x513xi32, #tpu.memory_space<vmem>> -> memref<1x128xi32, #tpu.memory_space<vmem>>
        %dma_start3A_895 = tpu.memref_squeeze %dma_start3A_894 : memref<1x128xi32, #tpu.memory_space<vmem>> -> memref<128xi32, #tpu.memory_space<vmem>>
        %dma_start3A_896 = arith.constant 0 : i32
        %dma_start3A_897 = arith.constant 0 : i32
        %dma_start3A_898 = tpu.memref_slice %arg3[%dma_start3A_896, %dma_start3A_897] : memref<1000000x32xf32, #tpu.memory_space<hbm>> -> memref<1000000x32xf32, #tpu.memory_space<hbm>>
        tpu.enqueue_indirect_dma source(%dma_start3A_898 : memref<1000000x32xf32, #tpu.memory_space<hbm>>) target(%dma_start3A_892 : memref<128x32xf32, #tpu.memory_space<vmem>>) offsets(%dma_start3A_895 : memref<128xi32, #tpu.memory_space<vmem>>) semaphore(%arg9 : memref<!tpu.dma_semaphore, #tpu.memory_space<semaphore_mem>>)
      } else {
      }
      %dma_wait3A_504 = arith.constant 0 : i32
      %dma_wait3A_505 = arith.constant 1 : i32
      %dma_wait3A_506 = arith.constant 0 : i32
      %dma_wait3A_507 = arith.constant 0 : i32
      %dma_wait3A_508 = tpu.memref_slice %arg7[%dma_wait3A_505, %dma_wait3A_506, %dma_wait3A_507] : memref<4x128x32xf32, #tpu.memory_space<vmem>> -> memref<1x128x32xf32, #tpu.memory_space<vmem>>
      %dma_wait3A_509 = tpu.memref_squeeze %dma_wait3A_508 : memref<1x128x32xf32, #tpu.memory_space<vmem>> -> memref<128x32xf32, #tpu.memory_space<vmem>>
      %dma_wait3A_510 = arith.constant 0 : i32
      %dma_wait3A_511 = tpu.memref_slice %arg6[%dma_wait3A_504, %dma_wait3A_510] : memref<64x513xi32, #tpu.memory_space<vmem>> -> memref<1x128xi32, #tpu.memory_space<vmem>>
      %dma_wait3A_512 = tpu.memref_squeeze %dma_wait3A_511 : memref<1x128xi32, #tpu.memory_space<vmem>> -> memref<128xi32, #tpu.memory_space<vmem>>
      %dma_wait3A_513 = arith.constant 0 : i32
      %dma_wait3A_514 = arith.constant 0 : i32
      %dma_wait3A_515 = tpu.memref_slice %arg3[%dma_wait3A_513, %dma_wait3A_514] : memref<1000000x32xf32, #tpu.memory_space<hbm>> -> memref<1000000x32xf32, #tpu.memory_space<hbm>>
      tpu.wait_indirect_dma semaphore(%arg10 : memref<!tpu.dma_semaphore, #tpu.memory_space<semaphore_mem>>) src(%dma_wait3A_515 : memref<1000000x32xf32, #tpu.memory_space<hbm>>) dst(%dma_wait3A_509 : memref<128x32xf32, #tpu.memory_space<vmem>>)
      %parallel_loop3A_516 = arith.constant 0 : i32
      %parallel_loop3A_517 = arith.constant 128 : i32
      %parallel_loop3A_518 = arith.constant 1 : i32
      scf.for %parallel_loop3A_804 = %parallel_loop3A_516 to %parallel_loop3A_517 step %parallel_loop3A_518  : i32 {
        %parallel_loop3A_805 = vector.broadcast %parallel_loop3A_804 : i32 to vector<16xi32>
        %parallel_loop3A_806 = arith.constant 1 : i32
        %parallel_loop3A_807 = arith.index_cast %parallel_loop3A_806 : i32 to index
        %parallel_loop3A_808 = arith.index_cast %parallel_loop3A_804 : i32 to index
        %parallel_loop3A_809 = arith.constant 0 : index
        %parallel_loop3A_810 = tpu.vector_load %arg7[%parallel_loop3A_807, %parallel_loop3A_808, %parallel_loop3A_809] {strides = array<i32>} : memref<4x128x32xf32, #tpu.memory_space<vmem>>, vector<16xf32>,
        %parallel_loop3A_811 = arith.constant 1.000000e+01 : f32
        %parallel_loop3A_812 = vector.broadcast %parallel_loop3A_811 : f32 to vector<16xf32>
        %parallel_loop3A_813 = arith.mulf %parallel_loop3A_810, %parallel_loop3A_812 : vector<16xf32>
        %parallel_loop3A_814 = arith.constant 1 : i32
        %parallel_loop3A_815 = arith.constant 0 : i32
        %parallel_loop3A_816 = arith.constant 0 : i32
        %parallel_loop3A_817 = arith.constant 0 : i32
        %parallel_loop3A_818 = tpu.memref_slice %arg8[%parallel_loop3A_814, %parallel_loop3A_815, %parallel_loop3A_816, %parallel_loop3A_817] : memref<4x4x8x129xf32, #tpu.memory_space<vmem>> -> memref<1x4x8x129xf32, #tpu.memory_space<vmem>>
        %parallel_loop3A_819 = tpu.memref_squeeze %parallel_loop3A_818 : memref<1x4x8x129xf32, #tpu.memory_space<vmem>> -> memref<4x8x129xf32, #tpu.memory_space<vmem>>
        tpu.vector_store_idx %parallel_loop3A_819[%shift_right_arithmetic3A_4, %and3A_9, %parallel_loop3A_805], %parallel_loop3A_813 : memref<4x8x129xf32, #tpu.memory_space<vmem>>[vector<16xi32>, vector<16xi32>, vector<16xi32>], vector<16xf32>,
        %parallel_loop3A_820 = arith.constant 1 : i32
        %parallel_loop3A_821 = arith.index_cast %parallel_loop3A_820 : i32 to index
        %parallel_loop3A_822 = arith.index_cast %parallel_loop3A_804 : i32 to index
        %parallel_loop3A_823 = arith.constant 16 : index
        %parallel_loop3A_824 = tpu.vector_load %arg7[%parallel_loop3A_821, %parallel_loop3A_822, %parallel_loop3A_823] {strides = array<i32>} : memref<4x128x32xf32, #tpu.memory_space<vmem>>, vector<16xf32>,
        %parallel_loop3A_825 = arith.constant 1.000000e+01 : f32
        %parallel_loop3A_826 = vector.broadcast %parallel_loop3A_825 : f32 to vector<16xf32>
        %parallel_loop3A_827 = arith.mulf %parallel_loop3A_824, %parallel_loop3A_826 : vector<16xf32>
        %parallel_loop3A_828 = arith.constant 1 : i32
        %parallel_loop3A_829 = arith.constant 0 : i32
        %parallel_loop3A_830 = arith.constant 0 : i32
        %parallel_loop3A_831 = arith.constant 0 : i32
        %parallel_loop3A_832 = tpu.memref_slice %arg8[%parallel_loop3A_828, %parallel_loop3A_829, %parallel_loop3A_830, %parallel_loop3A_831] : memref<4x4x8x129xf32, #tpu.memory_space<vmem>> -> memref<1x4x8x129xf32, #tpu.memory_space<vmem>>
        %parallel_loop3A_833 = tpu.memref_squeeze %parallel_loop3A_832 : memref<1x4x8x129xf32, #tpu.memory_space<vmem>> -> memref<4x8x129xf32, #tpu.memory_space<vmem>>
        tpu.vector_store_idx %parallel_loop3A_833[%add3A_7, %and3A_9, %parallel_loop3A_805], %parallel_loop3A_827 : memref<4x8x129xf32, #tpu.memory_space<vmem>>[vector<16xi32>, vector<16xi32>, vector<16xi32>], vector<16xf32>,
      } {sc.loop_unroll_factor = 2 : i64, sc.parallel_access}
      %mul3A_519 = arith.constant 4 : i32
      %mul3A_520 = arith.muli %add3A, %mul3A_519 : i32
      %add3A_521 = arith.constant 1 : i32
      %add3A_522 = arith.addi %mul3A_520, %add3A_521 : i32
      %dma_start3A_523 = arith.constant 1 : i32
      %dma_start3A_524 = arith.constant 0 : i32
      %dma_start3A_525 = arith.constant 0 : i32
      %dma_start3A_526 = arith.constant 0 : i32
      %dma_start3A_527 = arith.constant 0 : i32
      %dma_start3A_528 = tpu.memref_slice %arg8[%dma_start3A_523, %dma_start3A_524, %dma_start3A_526, %dma_start3A_527] : memref<4x4x8x129xf32, #tpu.memory_space<vmem>> -> memref<1x1x8x128xf32, #tpu.memory_space<vmem>>
      %dma_start3A_529 = tpu.memref_squeeze %dma_start3A_528 : memref<1x1x8x128xf32, #tpu.memory_space<vmem>> -> memref<8x128xf32, #tpu.memory_space<vmem>>
      %dma_start3A_530 = arith.constant 0 : i32
      %dma_start3A_531 = arith.constant 0 : i32
      %dma_start3A_532 = tpu.memref_slice %arg4[%scan3A_388, %dma_start3A_525, %add3A_522, %dma_start3A_530, %dma_start3A_531] : memref<50x4x128x8x128xf32, #tpu.memory_space<hbm>> -> memref<1x1x1x8x128xf32, #tpu.memory_space<hbm>>
      %dma_start3A_533 = tpu.memref_squeeze %dma_start3A_532 : memref<1x1x1x8x128xf32, #tpu.memory_space<hbm>> -> memref<8x128xf32, #tpu.memory_space<hbm>>
      %dma_start3A_534 = arith.constant 0 : i32
      %dma_start3A_535 = arith.constant 0 : i32
      %dma_start3A_536 = tpu.memref_slice %arg4[%scan3A_388, %dma_start3A_525, %add3A_522, %dma_start3A_534, %dma_start3A_535] : memref<50x4x128x8x128xf32, #tpu.memory_space<hbm>> -> memref<1x1x1x8x128xf32, #tpu.memory_space<hbm>>
      %dma_start3A_537 = tpu.memref_squeeze %dma_start3A_536 : memref<1x1x1x8x128xf32, #tpu.memory_space<hbm>> -> memref<8x128xf32, #tpu.memory_space<hbm>>
      %dma_start3A_538 = arith.constant 0 : i32
      %dma_start3A_539 = arith.constant 0 : i32
      %dma_start3A_540 = tpu.memref_slice %arg8[%dma_start3A_523, %dma_start3A_524, %dma_start3A_538, %dma_start3A_539] : memref<4x4x8x129xf32, #tpu.memory_space<vmem>> -> memref<1x1x8x128xf32, #tpu.memory_space<vmem>>
      %dma_start3A_541 = tpu.memref_squeeze %dma_start3A_540 : memref<1x1x8x128xf32, #tpu.memory_space<vmem>> -> memref<8x128xf32, #tpu.memory_space<vmem>>
      tpu.enqueue_dma source(%dma_start3A_541 : memref<8x128xf32, #tpu.memory_space<vmem>>) target(%dma_start3A_537 : memref<8x128xf32, #tpu.memory_space<hbm>>) target_semaphore(%arg14 : memref<!tpu.dma_semaphore, #tpu.memory_space<semaphore_mem>>)
      %dma_start3A_542 = arith.constant 1 : i32
      %dma_start3A_543 = arith.constant 1 : i32
      %dma_start3A_544 = arith.constant 1 : i32
      %dma_start3A_545 = arith.constant 0 : i32
      %dma_start3A_546 = arith.constant 0 : i32
      %dma_start3A_547 = tpu.memref_slice %arg8[%dma_start3A_542, %dma_start3A_543, %dma_start3A_545, %dma_start3A_546] : memref<4x4x8x129xf32, #tpu.memory_space<vmem>> -> memref<1x1x8x128xf32, #tpu.memory_space<vmem>>
      %dma_start3A_548 = tpu.memref_squeeze %dma_start3A_547 : memref<1x1x8x128xf32, #tpu.memory_space<vmem>> -> memref<8x128xf32, #tpu.memory_space<vmem>>
      %dma_start3A_549 = arith.constant 0 : i32
      %dma_start3A_550 = arith.constant 0 : i32
      %dma_start3A_551 = tpu.memref_slice %arg4[%scan3A_388, %dma_start3A_544, %add3A_522, %dma_start3A_549, %dma_start3A_550] : memref<50x4x128x8x128xf32, #tpu.memory_space<hbm>> -> memref<1x1x1x8x128xf32, #tpu.memory_space<hbm>>
      %dma_start3A_552 = tpu.memref_squeeze %dma_start3A_551 : memref<1x1x1x8x128xf32, #tpu.memory_space<hbm>> -> memref<8x128xf32, #tpu.memory_space<hbm>>
      %dma_start3A_553 = arith.constant 0 : i32
      %dma_start3A_554 = arith.constant 0 : i32
      %dma_start3A_555 = tpu.memref_slice %arg4[%scan3A_388, %dma_start3A_544, %add3A_522, %dma_start3A_553, %dma_start3A_554] : memref<50x4x128x8x128xf32, #tpu.memory_space<hbm>> -> memref<1x1x1x8x128xf32, #tpu.memory_space<hbm>>
      %dma_start3A_556 = tpu.memref_squeeze %dma_start3A_555 : memref<1x1x1x8x128xf32, #tpu.memory_space<hbm>> -> memref<8x128xf32, #tpu.memory_space<hbm>>
      %dma_start3A_557 = arith.constant 0 : i32
      %dma_start3A_558 = arith.constant 0 : i32
      %dma_start3A_559 = tpu.memref_slice %arg8[%dma_start3A_542, %dma_start3A_543, %dma_start3A_557, %dma_start3A_558] : memref<4x4x8x129xf32, #tpu.memory_space<vmem>> -> memref<1x1x8x128xf32, #tpu.memory_space<vmem>>
      %dma_start3A_560 = tpu.memref_squeeze %dma_start3A_559 : memref<1x1x8x128xf32, #tpu.memory_space<vmem>> -> memref<8x128xf32, #tpu.memory_space<vmem>>
      tpu.enqueue_dma source(%dma_start3A_560 : memref<8x128xf32, #tpu.memory_space<vmem>>) target(%dma_start3A_556 : memref<8x128xf32, #tpu.memory_space<hbm>>) target_semaphore(%arg14 : memref<!tpu.dma_semaphore, #tpu.memory_space<semaphore_mem>>)
      %dma_start3A_561 = arith.constant 1 : i32
      %dma_start3A_562 = arith.constant 2 : i32
      %dma_start3A_563 = arith.constant 2 : i32
      %dma_start3A_564 = arith.constant 0 : i32
      %dma_start3A_565 = arith.constant 0 : i32
      %dma_start3A_566 = tpu.memref_slice %arg8[%dma_start3A_561, %dma_start3A_562, %dma_start3A_564, %dma_start3A_565] : memref<4x4x8x129xf32, #tpu.memory_space<vmem>> -> memref<1x1x8x128xf32, #tpu.memory_space<vmem>>
      %dma_start3A_567 = tpu.memref_squeeze %dma_start3A_566 : memref<1x1x8x128xf32, #tpu.memory_space<vmem>> -> memref<8x128xf32, #tpu.memory_space<vmem>>
      %dma_start3A_568 = arith.constant 0 : i32
      %dma_start3A_569 = arith.constant 0 : i32
      %dma_start3A_570 = tpu.memref_slice %arg4[%scan3A_388, %dma_start3A_563, %add3A_522, %dma_start3A_568, %dma_start3A_569] : memref<50x4x128x8x128xf32, #tpu.memory_space<hbm>> -> memref<1x1x1x8x128xf32, #tpu.memory_space<hbm>>
      %dma_start3A_571 = tpu.memref_squeeze %dma_start3A_570 : memref<1x1x1x8x128xf32, #tpu.memory_space<hbm>> -> memref<8x128xf32, #tpu.memory_space<hbm>>
      %dma_start3A_572 = arith.constant 0 : i32
      %dma_start3A_573 = arith.constant 0 : i32
      %dma_start3A_574 = tpu.memref_slice %arg4[%scan3A_388, %dma_start3A_563, %add3A_522, %dma_start3A_572, %dma_start3A_573] : memref<50x4x128x8x128xf32, #tpu.memory_space<hbm>> -> memref<1x1x1x8x128xf32, #tpu.memory_space<hbm>>
      %dma_start3A_575 = tpu.memref_squeeze %dma_start3A_574 : memref<1x1x1x8x128xf32, #tpu.memory_space<hbm>> -> memref<8x128xf32, #tpu.memory_space<hbm>>
      %dma_start3A_576 = arith.constant 0 : i32
      %dma_start3A_577 = arith.constant 0 : i32
      %dma_start3A_578 = tpu.memref_slice %arg8[%dma_start3A_561, %dma_start3A_562, %dma_start3A_576, %dma_start3A_577] : memref<4x4x8x129xf32, #tpu.memory_space<vmem>> -> memref<1x1x8x128xf32, #tpu.memory_space<vmem>>
      %dma_start3A_579 = tpu.memref_squeeze %dma_start3A_578 : memref<1x1x8x128xf32, #tpu.memory_space<vmem>> -> memref<8x128xf32, #tpu.memory_space<vmem>>
      tpu.enqueue_dma source(%dma_start3A_579 : memref<8x128xf32, #tpu.memory_space<vmem>>) target(%dma_start3A_575 : memref<8x128xf32, #tpu.memory_space<hbm>>) target_semaphore(%arg14 : memref<!tpu.dma_semaphore, #tpu.memory_space<semaphore_mem>>)
      %dma_start3A_580 = arith.constant 1 : i32
      %dma_start3A_581 = arith.constant 3 : i32
      %dma_start3A_582 = arith.constant 3 : i32
      %dma_start3A_583 = arith.constant 0 : i32
      %dma_start3A_584 = arith.constant 0 : i32
      %dma_start3A_585 = tpu.memref_slice %arg8[%dma_start3A_580, %dma_start3A_581, %dma_start3A_583, %dma_start3A_584] : memref<4x4x8x129xf32, #tpu.memory_space<vmem>> -> memref<1x1x8x128xf32, #tpu.memory_space<vmem>>
      %dma_start3A_586 = tpu.memref_squeeze %dma_start3A_585 : memref<1x1x8x128xf32, #tpu.memory_space<vmem>> -> memref<8x128xf32, #tpu.memory_space<vmem>>
      %dma_start3A_587 = arith.constant 0 : i32
      %dma_start3A_588 = arith.constant 0 : i32
      %dma_start3A_589 = tpu.memref_slice %arg4[%scan3A_388, %dma_start3A_582, %add3A_522, %dma_start3A_587, %dma_start3A_588] : memref<50x4x128x8x128xf32, #tpu.memory_space<hbm>> -> memref<1x1x1x8x128xf32, #tpu.memory_space<hbm>>
      %dma_start3A_590 = tpu.memref_squeeze %dma_start3A_589 : memref<1x1x1x8x128xf32, #tpu.memory_space<hbm>> -> memref<8x128xf32, #tpu.memory_space<hbm>>
      %dma_start3A_591 = arith.constant 0 : i32
      %dma_start3A_592 = arith.constant 0 : i32
      %dma_start3A_593 = tpu.memref_slice %arg4[%scan3A_388, %dma_start3A_582, %add3A_522, %dma_start3A_591, %dma_start3A_592] : memref<50x4x128x8x128xf32, #tpu.memory_space<hbm>> -> memref<1x1x1x8x128xf32, #tpu.memory_space<hbm>>
      %dma_start3A_594 = tpu.memref_squeeze %dma_start3A_593 : memref<1x1x1x8x128xf32, #tpu.memory_space<hbm>> -> memref<8x128xf32, #tpu.memory_space<hbm>>
      %dma_start3A_595 = arith.constant 0 : i32
      %dma_start3A_596 = arith.constant 0 : i32
      %dma_start3A_597 = tpu.memref_slice %arg8[%dma_start3A_580, %dma_start3A_581, %dma_start3A_595, %dma_start3A_596] : memref<4x4x8x129xf32, #tpu.memory_space<vmem>> -> memref<1x1x8x128xf32, #tpu.memory_space<vmem>>
      %dma_start3A_598 = tpu.memref_squeeze %dma_start3A_597 : memref<1x1x8x128xf32, #tpu.memory_space<vmem>> -> memref<8x128xf32, #tpu.memory_space<vmem>>
      tpu.enqueue_dma source(%dma_start3A_598 : memref<8x128xf32, #tpu.memory_space<vmem>>) target(%dma_start3A_594 : memref<8x128xf32, #tpu.memory_space<hbm>>) target_semaphore(%arg14 : memref<!tpu.dma_semaphore, #tpu.memory_space<semaphore_mem>>)
      %add3A_599 = arith.constant 1 : i32
      %add3A_600 = arith.addi %scan3A_388, %add3A_599 : i32
      %lt3A_601 = arith.constant 49 : i32
      %lt3A_602 = arith.cmpi slt, %scan3A_388, %lt3A_601 : i32
      %convert_element_type3A_603 = arith.extui %lt3A_602 : i1 to i32
      %cond3A_604 = arith.constant 0 : i32
      %cond3A_605 = arith.cmpi ne, %convert_element_type3A_603, %cond3A_604 : i32
      scf.if %cond3A_605 {
        %dma_wait3A_804 = arith.constant 1 : i32
        %dma_wait3A_805 = arith.constant 0 : i32
        %dma_wait3A_806 = arith.constant 0 : i32
        %dma_wait3A_807 = arith.constant 0 : i32
        %dma_wait3A_808 = arith.constant 0 : i32
        %dma_wait3A_809 = arith.constant 0 : i32
        %dma_wait3A_810 = arith.constant 0 : i32
        %dma_wait3A_811 = tpu.memref_slice %arg8[%dma_wait3A_804, %dma_wait3A_805, %dma_wait3A_809, %dma_wait3A_810] : memref<4x4x8x129xf32, #tpu.memory_space<vmem>> -> memref<1x1x8x128xf32, #tpu.memory_space<vmem>>
        %dma_wait3A_812 = tpu.memref_squeeze %dma_wait3A_811 : memref<1x1x8x128xf32, #tpu.memory_space<vmem>> -> memref<8x128xf32, #tpu.memory_space<vmem>>
        %dma_wait3A_813 = arith.constant 0 : i32
        %dma_wait3A_814 = arith.constant 0 : i32
        %dma_wait3A_815 = tpu.memref_slice %arg4[%dma_wait3A_806, %dma_wait3A_807, %dma_wait3A_808, %dma_wait3A_813, %dma_wait3A_814] : memref<50x4x128x8x128xf32, #tpu.memory_space<hbm>> -> memref<1x1x1x8x128xf32, #tpu.memory_space<hbm>>
        %dma_wait3A_816 = tpu.memref_squeeze %dma_wait3A_815 : memref<1x1x1x8x128xf32, #tpu.memory_space<hbm>> -> memref<8x128xf32, #tpu.memory_space<hbm>>
        %dma_wait3A_817 = arith.constant 0 : i32
        %dma_wait3A_818 = arith.constant 0 : i32
        %dma_wait3A_819 = tpu.memref_slice %arg4[%dma_wait3A_806, %dma_wait3A_807, %dma_wait3A_808, %dma_wait3A_817, %dma_wait3A_818] : memref<50x4x128x8x128xf32, #tpu.memory_space<hbm>> -> memref<1x1x1x8x128xf32, #tpu.memory_space<hbm>>
        %dma_wait3A_820 = tpu.memref_squeeze %dma_wait3A_819 : memref<1x1x1x8x128xf32, #tpu.memory_space<hbm>> -> memref<8x128xf32, #tpu.memory_space<hbm>>
        %dma_wait3A_821 = arith.constant 0 : i32
        %dma_wait3A_822 = arith.constant 0 : i32
        %dma_wait3A_823 = tpu.memref_slice %arg8[%dma_wait3A_804, %dma_wait3A_805, %dma_wait3A_821, %dma_wait3A_822] : memref<4x4x8x129xf32, #tpu.memory_space<vmem>> -> memref<1x1x8x128xf32, #tpu.memory_space<vmem>>
        %dma_wait3A_824 = tpu.memref_squeeze %dma_wait3A_823 : memref<1x1x8x128xf32, #tpu.memory_space<vmem>> -> memref<8x128xf32, #tpu.memory_space<vmem>>
        tpu.wait_dma2 semaphore(%arg14 : memref<!tpu.dma_semaphore, #tpu.memory_space<semaphore_mem>>) src(%dma_wait3A_824 : memref<8x128xf32, #tpu.memory_space<vmem>>) dst(%dma_wait3A_820 : memref<8x128xf32, #tpu.memory_space<hbm>>)
        %dma_wait3A_825 = arith.constant 1 : i32
        %dma_wait3A_826 = arith.constant 1 : i32
        %dma_wait3A_827 = arith.constant 0 : i32
        %dma_wait3A_828 = arith.constant 0 : i32
        %dma_wait3A_829 = arith.constant 0 : i32
        %dma_wait3A_830 = arith.constant 0 : i32
        %dma_wait3A_831 = arith.constant 0 : i32
        %dma_wait3A_832 = tpu.memref_slice %arg8[%dma_wait3A_825, %dma_wait3A_826, %dma_wait3A_830, %dma_wait3A_831] : memref<4x4x8x129xf32, #tpu.memory_space<vmem>> -> memref<1x1x8x128xf32, #tpu.memory_space<vmem>>
        %dma_wait3A_833 = tpu.memref_squeeze %dma_wait3A_832 : memref<1x1x8x128xf32, #tpu.memory_space<vmem>> -> memref<8x128xf32, #tpu.memory_space<vmem>>
        %dma_wait3A_834 = arith.constant 0 : i32
        %dma_wait3A_835 = arith.constant 0 : i32
        %dma_wait3A_836 = tpu.memref_slice %arg4[%dma_wait3A_827, %dma_wait3A_828, %dma_wait3A_829, %dma_wait3A_834, %dma_wait3A_835] : memref<50x4x128x8x128xf32, #tpu.memory_space<hbm>> -> memref<1x1x1x8x128xf32, #tpu.memory_space<hbm>>
        %dma_wait3A_837 = tpu.memref_squeeze %dma_wait3A_836 : memref<1x1x1x8x128xf32, #tpu.memory_space<hbm>> -> memref<8x128xf32, #tpu.memory_space<hbm>>
        %dma_wait3A_838 = arith.constant 0 : i32
        %dma_wait3A_839 = arith.constant 0 : i32
        %dma_wait3A_840 = tpu.memref_slice %arg4[%dma_wait3A_827, %dma_wait3A_828, %dma_wait3A_829, %dma_wait3A_838, %dma_wait3A_839] : memref<50x4x128x8x128xf32, #tpu.memory_space<hbm>> -> memref<1x1x1x8x128xf32, #tpu.memory_space<hbm>>
        %dma_wait3A_841 = tpu.memref_squeeze %dma_wait3A_840 : memref<1x1x1x8x128xf32, #tpu.memory_space<hbm>> -> memref<8x128xf32, #tpu.memory_space<hbm>>
        %dma_wait3A_842 = arith.constant 0 : i32
        %dma_wait3A_843 = arith.constant 0 : i32
        %dma_wait3A_844 = tpu.memref_slice %arg8[%dma_wait3A_825, %dma_wait3A_826, %dma_wait3A_842, %dma_wait3A_843] : memref<4x4x8x129xf32, #tpu.memory_space<vmem>> -> memref<1x1x8x128xf32, #tpu.memory_space<vmem>>
        %dma_wait3A_845 = tpu.memref_squeeze %dma_wait3A_844 : memref<1x1x8x128xf32, #tpu.memory_space<vmem>> -> memref<8x128xf32, #tpu.memory_space<vmem>>
        tpu.wait_dma2 semaphore(%arg14 : memref<!tpu.dma_semaphore, #tpu.memory_space<semaphore_mem>>) src(%dma_wait3A_845 : memref<8x128xf32, #tpu.memory_space<vmem>>) dst(%dma_wait3A_841 : memref<8x128xf32, #tpu.memory_space<hbm>>)
        %dma_wait3A_846 = arith.constant 1 : i32
        %dma_wait3A_847 = arith.constant 2 : i32
        %dma_wait3A_848 = arith.constant 0 : i32
        %dma_wait3A_849 = arith.constant 0 : i32
        %dma_wait3A_850 = arith.constant 0 : i32
        %dma_wait3A_851 = arith.constant 0 : i32
        %dma_wait3A_852 = arith.constant 0 : i32
        %dma_wait3A_853 = tpu.memref_slice %arg8[%dma_wait3A_846, %dma_wait3A_847, %dma_wait3A_851, %dma_wait3A_852] : memref<4x4x8x129xf32, #tpu.memory_space<vmem>> -> memref<1x1x8x128xf32, #tpu.memory_space<vmem>>
        %dma_wait3A_854 = tpu.memref_squeeze %dma_wait3A_853 : memref<1x1x8x128xf32, #tpu.memory_space<vmem>> -> memref<8x128xf32, #tpu.memory_space<vmem>>
        %dma_wait3A_855 = arith.constant 0 : i32
        %dma_wait3A_856 = arith.constant 0 : i32
        %dma_wait3A_857 = tpu.memref_slice %arg4[%dma_wait3A_848, %dma_wait3A_849, %dma_wait3A_850, %dma_wait3A_855, %dma_wait3A_856] : memref<50x4x128x8x128xf32, #tpu.memory_space<hbm>> -> memref<1x1x1x8x128xf32, #tpu.memory_space<hbm>>
        %dma_wait3A_858 = tpu.memref_squeeze %dma_wait3A_857 : memref<1x1x1x8x128xf32, #tpu.memory_space<hbm>> -> memref<8x128xf32, #tpu.memory_space<hbm>>
        %dma_wait3A_859 = arith.constant 0 : i32
        %dma_wait3A_860 = arith.constant 0 : i32
        %dma_wait3A_861 = tpu.memref_slice %arg4[%dma_wait3A_848, %dma_wait3A_849, %dma_wait3A_850, %dma_wait3A_859, %dma_wait3A_860] : memref<50x4x128x8x128xf32, #tpu.memory_space<hbm>> -> memref<1x1x1x8x128xf32, #tpu.memory_space<hbm>>
        %dma_wait3A_862 = tpu.memref_squeeze %dma_wait3A_861 : memref<1x1x1x8x128xf32, #tpu.memory_space<hbm>> -> memref<8x128xf32, #tpu.memory_space<hbm>>
        %dma_wait3A_863 = arith.constant 0 : i32
        %dma_wait3A_864 = arith.constant 0 : i32
        %dma_wait3A_865 = tpu.memref_slice %arg8[%dma_wait3A_846, %dma_wait3A_847, %dma_wait3A_863, %dma_wait3A_864] : memref<4x4x8x129xf32, #tpu.memory_space<vmem>> -> memref<1x1x8x128xf32, #tpu.memory_space<vmem>>
        %dma_wait3A_866 = tpu.memref_squeeze %dma_wait3A_865 : memref<1x1x8x128xf32, #tpu.memory_space<vmem>> -> memref<8x128xf32, #tpu.memory_space<vmem>>
        tpu.wait_dma2 semaphore(%arg14 : memref<!tpu.dma_semaphore, #tpu.memory_space<semaphore_mem>>) src(%dma_wait3A_866 : memref<8x128xf32, #tpu.memory_space<vmem>>) dst(%dma_wait3A_862 : memref<8x128xf32, #tpu.memory_space<hbm>>)
        %dma_wait3A_867 = arith.constant 1 : i32
        %dma_wait3A_868 = arith.constant 3 : i32
        %dma_wait3A_869 = arith.constant 0 : i32
        %dma_wait3A_870 = arith.constant 0 : i32
        %dma_wait3A_871 = arith.constant 0 : i32
        %dma_wait3A_872 = arith.constant 0 : i32
        %dma_wait3A_873 = arith.constant 0 : i32
        %dma_wait3A_874 = tpu.memref_slice %arg8[%dma_wait3A_867, %dma_wait3A_868, %dma_wait3A_872, %dma_wait3A_873] : memref<4x4x8x129xf32, #tpu.memory_space<vmem>> -> memref<1x1x8x128xf32, #tpu.memory_space<vmem>>
        %dma_wait3A_875 = tpu.memref_squeeze %dma_wait3A_874 : memref<1x1x8x128xf32, #tpu.memory_space<vmem>> -> memref<8x128xf32, #tpu.memory_space<vmem>>
        %dma_wait3A_876 = arith.constant 0 : i32
        %dma_wait3A_877 = arith.constant 0 : i32
        %dma_wait3A_878 = tpu.memref_slice %arg4[%dma_wait3A_869, %dma_wait3A_870, %dma_wait3A_871, %dma_wait3A_876, %dma_wait3A_877] : memref<50x4x128x8x128xf32, #tpu.memory_space<hbm>> -> memref<1x1x1x8x128xf32, #tpu.memory_space<hbm>>
        %dma_wait3A_879 = tpu.memref_squeeze %dma_wait3A_878 : memref<1x1x1x8x128xf32, #tpu.memory_space<hbm>> -> memref<8x128xf32, #tpu.memory_space<hbm>>
        %dma_wait3A_880 = arith.constant 0 : i32
        %dma_wait3A_881 = arith.constant 0 : i32
        %dma_wait3A_882 = tpu.memref_slice %arg4[%dma_wait3A_869, %dma_wait3A_870, %dma_wait3A_871, %dma_wait3A_880, %dma_wait3A_881] : memref<50x4x128x8x128xf32, #tpu.memory_space<hbm>> -> memref<1x1x1x8x128xf32, #tpu.memory_space<hbm>>
        %dma_wait3A_883 = tpu.memref_squeeze %dma_wait3A_882 : memref<1x1x1x8x128xf32, #tpu.memory_space<hbm>> -> memref<8x128xf32, #tpu.memory_space<hbm>>
        %dma_wait3A_884 = arith.constant 0 : i32
        %dma_wait3A_885 = arith.constant 0 : i32
        %dma_wait3A_886 = tpu.memref_slice %arg8[%dma_wait3A_867, %dma_wait3A_868, %dma_wait3A_884, %dma_wait3A_885] : memref<4x4x8x129xf32, #tpu.memory_space<vmem>> -> memref<1x1x8x128xf32, #tpu.memory_space<vmem>>
        %dma_wait3A_887 = tpu.memref_squeeze %dma_wait3A_886 : memref<1x1x8x128xf32, #tpu.memory_space<vmem>> -> memref<8x128xf32, #tpu.memory_space<vmem>>
        tpu.wait_dma2 semaphore(%arg14 : memref<!tpu.dma_semaphore, #tpu.memory_space<semaphore_mem>>) src(%dma_wait3A_887 : memref<8x128xf32, #tpu.memory_space<vmem>>) dst(%dma_wait3A_883 : memref<8x128xf32, #tpu.memory_space<hbm>>)
        %dma_start3A_888 = arith.constant 1 : i32
        %dma_start3A_889 = arith.constant 0 : i32
        %dma_start3A_890 = arith.constant 0 : i32
        %dma_start3A_891 = tpu.memref_slice %arg7[%dma_start3A_888, %dma_start3A_889, %dma_start3A_890] : memref<4x128x32xf32, #tpu.memory_space<vmem>> -> memref<1x128x32xf32, #tpu.memory_space<vmem>>
        %dma_start3A_892 = tpu.memref_squeeze %dma_start3A_891 : memref<1x128x32xf32, #tpu.memory_space<vmem>> -> memref<128x32xf32, #tpu.memory_space<vmem>>
        %dma_start3A_893 = arith.constant 128 : i32
        %dma_start3A_894 = tpu.memref_slice %arg6[%add3A_600, %dma_start3A_893] : memref<64x513xi32, #tpu.memory_space<vmem>> -> memref<1x128xi32, #tpu.memory_space<vmem>>
        %dma_start3A_895 = tpu.memref_squeeze %dma_start3A_894 : memref<1x128xi32, #tpu.memory_space<vmem>> -> memref<128xi32, #tpu.memory_space<vmem>>
        %dma_start3A_896 = arith.constant 0 : i32
        %dma_start3A_897 = arith.constant 0 : i32
        %dma_start3A_898 = tpu.memref_slice %arg3[%dma_start3A_896, %dma_start3A_897] : memref<1000000x32xf32, #tpu.memory_space<hbm>> -> memref<1000000x32xf32, #tpu.memory_space<hbm>>
        tpu.enqueue_indirect_dma source(%dma_start3A_898 : memref<1000000x32xf32, #tpu.memory_space<hbm>>) target(%dma_start3A_892 : memref<128x32xf32, #tpu.memory_space<vmem>>) offsets(%dma_start3A_895 : memref<128xi32, #tpu.memory_space<vmem>>) semaphore(%arg10 : memref<!tpu.dma_semaphore, #tpu.memory_space<semaphore_mem>>)
      } else {
      }
      %dma_wait3A_606 = arith.constant 0 : i32
      %dma_wait3A_607 = arith.constant 2 : i32
      %dma_wait3A_608 = arith.constant 0 : i32
      %dma_wait3A_609 = arith.constant 0 : i32
      %dma_wait3A_610 = tpu.memref_slice %arg7[%dma_wait3A_607, %dma_wait3A_608, %dma_wait3A_609] : memref<4x128x32xf32, #tpu.memory_space<vmem>> -> memref<1x128x32xf32, #tpu.memory_space<vmem>>
      %dma_wait3A_611 = tpu.memref_squeeze %dma_wait3A_610 : memref<1x128x32xf32, #tpu.memory_space<vmem>> -> memref<128x32xf32, #tpu.memory_space<vmem>>
      %dma_wait3A_612 = arith.constant 0 : i32
      %dma_wait3A_613 = tpu.memref_slice %arg6[%dma_wait3A_606, %dma_wait3A_612] : memref<64x513xi32, #tpu.memory_space<vmem>> -> memref<1x128xi32, #tpu.memory_space<vmem>>
      %dma_wait3A_614 = tpu.memref_squeeze %dma_wait3A_613 : memref<1x128xi32, #tpu.memory_space<vmem>> -> memref<128xi32, #tpu.memory_space<vmem>>
      %dma_wait3A_615 = arith.constant 0 : i32
      %dma_wait3A_616 = arith.constant 0 : i32
      %dma_wait3A_617 = tpu.memref_slice %arg3[%dma_wait3A_615, %dma_wait3A_616] : memref<1000000x32xf32, #tpu.memory_space<hbm>> -> memref<1000000x32xf32, #tpu.memory_space<hbm>>
      tpu.wait_indirect_dma semaphore(%arg11 : memref<!tpu.dma_semaphore, #tpu.memory_space<semaphore_mem>>) src(%dma_wait3A_617 : memref<1000000x32xf32, #tpu.memory_space<hbm>>) dst(%dma_wait3A_611 : memref<128x32xf32, #tpu.memory_space<vmem>>)
      %parallel_loop3A_618 = arith.constant 0 : i32
      %parallel_loop3A_619 = arith.constant 128 : i32
      %parallel_loop3A_620 = arith.constant 1 : i32
      scf.for %parallel_loop3A_804 = %parallel_loop3A_618 to %parallel_loop3A_619 step %parallel_loop3A_620  : i32 {
        %parallel_loop3A_805 = vector.broadcast %parallel_loop3A_804 : i32 to vector<16xi32>
        %parallel_loop3A_806 = arith.constant 2 : i32
        %parallel_loop3A_807 = arith.index_cast %parallel_loop3A_806 : i32 to index
        %parallel_loop3A_808 = arith.index_cast %parallel_loop3A_804 : i32 to index
        %parallel_loop3A_809 = arith.constant 0 : index
        %parallel_loop3A_810 = tpu.vector_load %arg7[%parallel_loop3A_807, %parallel_loop3A_808, %parallel_loop3A_809] {strides = array<i32>} : memref<4x128x32xf32, #tpu.memory_space<vmem>>, vector<16xf32>,
        %parallel_loop3A_811 = arith.constant 1.000000e+01 : f32
        %parallel_loop3A_812 = vector.broadcast %parallel_loop3A_811 : f32 to vector<16xf32>
        %parallel_loop3A_813 = arith.mulf %parallel_loop3A_810, %parallel_loop3A_812 : vector<16xf32>
        %parallel_loop3A_814 = arith.constant 2 : i32
        %parallel_loop3A_815 = arith.constant 0 : i32
        %parallel_loop3A_816 = arith.constant 0 : i32
        %parallel_loop3A_817 = arith.constant 0 : i32
        %parallel_loop3A_818 = tpu.memref_slice %arg8[%parallel_loop3A_814, %parallel_loop3A_815, %parallel_loop3A_816, %parallel_loop3A_817] : memref<4x4x8x129xf32, #tpu.memory_space<vmem>> -> memref<1x4x8x129xf32, #tpu.memory_space<vmem>>
        %parallel_loop3A_819 = tpu.memref_squeeze %parallel_loop3A_818 : memref<1x4x8x129xf32, #tpu.memory_space<vmem>> -> memref<4x8x129xf32, #tpu.memory_space<vmem>>
        tpu.vector_store_idx %parallel_loop3A_819[%shift_right_arithmetic3A_4, %and3A_9, %parallel_loop3A_805], %parallel_loop3A_813 : memref<4x8x129xf32, #tpu.memory_space<vmem>>[vector<16xi32>, vector<16xi32>, vector<16xi32>], vector<16xf32>,
        %parallel_loop3A_820 = arith.constant 2 : i32
        %parallel_loop3A_821 = arith.index_cast %parallel_loop3A_820 : i32 to index
        %parallel_loop3A_822 = arith.index_cast %parallel_loop3A_804 : i32 to index
        %parallel_loop3A_823 = arith.constant 16 : index
        %parallel_loop3A_824 = tpu.vector_load %arg7[%parallel_loop3A_821, %parallel_loop3A_822, %parallel_loop3A_823] {strides = array<i32>} : memref<4x128x32xf32, #tpu.memory_space<vmem>>, vector<16xf32>,
        %parallel_loop3A_825 = arith.constant 1.000000e+01 : f32
        %parallel_loop3A_826 = vector.broadcast %parallel_loop3A_825 : f32 to vector<16xf32>
        %parallel_loop3A_827 = arith.mulf %parallel_loop3A_824, %parallel_loop3A_826 : vector<16xf32>
        %parallel_loop3A_828 = arith.constant 2 : i32
        %parallel_loop3A_829 = arith.constant 0 : i32
        %parallel_loop3A_830 = arith.constant 0 : i32
        %parallel_loop3A_831 = arith.constant 0 : i32
        %parallel_loop3A_832 = tpu.memref_slice %arg8[%parallel_loop3A_828, %parallel_loop3A_829, %parallel_loop3A_830, %parallel_loop3A_831] : memref<4x4x8x129xf32, #tpu.memory_space<vmem>> -> memref<1x4x8x129xf32, #tpu.memory_space<vmem>>
        %parallel_loop3A_833 = tpu.memref_squeeze %parallel_loop3A_832 : memref<1x4x8x129xf32, #tpu.memory_space<vmem>> -> memref<4x8x129xf32, #tpu.memory_space<vmem>>
        tpu.vector_store_idx %parallel_loop3A_833[%add3A_7, %and3A_9, %parallel_loop3A_805], %parallel_loop3A_827 : memref<4x8x129xf32, #tpu.memory_space<vmem>>[vector<16xi32>, vector<16xi32>, vector<16xi32>], vector<16xf32>,
      } {sc.loop_unroll_factor = 2 : i64, sc.parallel_access}
      %mul3A_621 = arith.constant 4 : i32
      %mul3A_622 = arith.muli %add3A, %mul3A_621 : i32
      %add3A_623 = arith.constant 2 : i32
      %add3A_624 = arith.addi %mul3A_622, %add3A_623 : i32
      %dma_start3A_625 = arith.constant 2 : i32
      %dma_start3A_626 = arith.constant 0 : i32
      %dma_start3A_627 = arith.constant 0 : i32
      %dma_start3A_628 = arith.constant 0 : i32
      %dma_start3A_629 = arith.constant 0 : i32
      %dma_start3A_630 = tpu.memref_slice %arg8[%dma_start3A_625, %dma_start3A_626, %dma_start3A_628, %dma_start3A_629] : memref<4x4x8x129xf32, #tpu.memory_space<vmem>> -> memref<1x1x8x128xf32, #tpu.memory_space<vmem>>
      %dma_start3A_631 = tpu.memref_squeeze %dma_start3A_630 : memref<1x1x8x128xf32, #tpu.memory_space<vmem>> -> memref<8x128xf32, #tpu.memory_space<vmem>>
      %dma_start3A_632 = arith.constant 0 : i32
      %dma_start3A_633 = arith.constant 0 : i32
      %dma_start3A_634 = tpu.memref_slice %arg4[%scan3A_388, %dma_start3A_627, %add3A_624, %dma_start3A_632, %dma_start3A_633] : memref<50x4x128x8x128xf32, #tpu.memory_space<hbm>> -> memref<1x1x1x8x128xf32, #tpu.memory_space<hbm>>
      %dma_start3A_635 = tpu.memref_squeeze %dma_start3A_634 : memref<1x1x1x8x128xf32, #tpu.memory_space<hbm>> -> memref<8x128xf32, #tpu.memory_space<hbm>>
      %dma_start3A_636 = arith.constant 0 : i32
      %dma_start3A_637 = arith.constant 0 : i32
      %dma_start3A_638 = tpu.memref_slice %arg4[%scan3A_388, %dma_start3A_627, %add3A_624, %dma_start3A_636, %dma_start3A_637] : memref<50x4x128x8x128xf32, #tpu.memory_space<hbm>> -> memref<1x1x1x8x128xf32, #tpu.memory_space<hbm>>
      %dma_start3A_639 = tpu.memref_squeeze %dma_start3A_638 : memref<1x1x1x8x128xf32, #tpu.memory_space<hbm>> -> memref<8x128xf32, #tpu.memory_space<hbm>>
      %dma_start3A_640 = arith.constant 0 : i32
      %dma_start3A_641 = arith.constant 0 : i32
      %dma_start3A_642 = tpu.memref_slice %arg8[%dma_start3A_625, %dma_start3A_626, %dma_start3A_640, %dma_start3A_641] : memref<4x4x8x129xf32, #tpu.memory_space<vmem>> -> memref<1x1x8x128xf32, #tpu.memory_space<vmem>>
      %dma_start3A_643 = tpu.memref_squeeze %dma_start3A_642 : memref<1x1x8x128xf32, #tpu.memory_space<vmem>> -> memref<8x128xf32, #tpu.memory_space<vmem>>
      tpu.enqueue_dma source(%dma_start3A_643 : memref<8x128xf32, #tpu.memory_space<vmem>>) target(%dma_start3A_639 : memref<8x128xf32, #tpu.memory_space<hbm>>) target_semaphore(%arg15 : memref<!tpu.dma_semaphore, #tpu.memory_space<semaphore_mem>>)
      %dma_start3A_644 = arith.constant 2 : i32
      %dma_start3A_645 = arith.constant 1 : i32
      %dma_start3A_646 = arith.constant 1 : i32
      %dma_start3A_647 = arith.constant 0 : i32
      %dma_start3A_648 = arith.constant 0 : i32
      %dma_start3A_649 = tpu.memref_slice %arg8[%dma_start3A_644, %dma_start3A_645, %dma_start3A_647, %dma_start3A_648] : memref<4x4x8x129xf32, #tpu.memory_space<vmem>> -> memref<1x1x8x128xf32, #tpu.memory_space<vmem>>
      %dma_start3A_650 = tpu.memref_squeeze %dma_start3A_649 : memref<1x1x8x128xf32, #tpu.memory_space<vmem>> -> memref<8x128xf32, #tpu.memory_space<vmem>>
      %dma_start3A_651 = arith.constant 0 : i32
      %dma_start3A_652 = arith.constant 0 : i32
      %dma_start3A_653 = tpu.memref_slice %arg4[%scan3A_388, %dma_start3A_646, %add3A_624, %dma_start3A_651, %dma_start3A_652] : memref<50x4x128x8x128xf32, #tpu.memory_space<hbm>> -> memref<1x1x1x8x128xf32, #tpu.memory_space<hbm>>
      %dma_start3A_654 = tpu.memref_squeeze %dma_start3A_653 : memref<1x1x1x8x128xf32, #tpu.memory_space<hbm>> -> memref<8x128xf32, #tpu.memory_space<hbm>>
      %dma_start3A_655 = arith.constant 0 : i32
      %dma_start3A_656 = arith.constant 0 : i32
      %dma_start3A_657 = tpu.memref_slice %arg4[%scan3A_388, %dma_start3A_646, %add3A_624, %dma_start3A_655, %dma_start3A_656] : memref<50x4x128x8x128xf32, #tpu.memory_space<hbm>> -> memref<1x1x1x8x128xf32, #tpu.memory_space<hbm>>
      %dma_start3A_658 = tpu.memref_squeeze %dma_start3A_657 : memref<1x1x1x8x128xf32, #tpu.memory_space<hbm>> -> memref<8x128xf32, #tpu.memory_space<hbm>>
      %dma_start3A_659 = arith.constant 0 : i32
      %dma_start3A_660 = arith.constant 0 : i32
      %dma_start3A_661 = tpu.memref_slice %arg8[%dma_start3A_644, %dma_start3A_645, %dma_start3A_659, %dma_start3A_660] : memref<4x4x8x129xf32, #tpu.memory_space<vmem>> -> memref<1x1x8x128xf32, #tpu.memory_space<vmem>>
      %dma_start3A_662 = tpu.memref_squeeze %dma_start3A_661 : memref<1x1x8x128xf32, #tpu.memory_space<vmem>> -> memref<8x128xf32, #tpu.memory_space<vmem>>
      tpu.enqueue_dma source(%dma_start3A_662 : memref<8x128xf32, #tpu.memory_space<vmem>>) target(%dma_start3A_658 : memref<8x128xf32, #tpu.memory_space<hbm>>) target_semaphore(%arg15 : memref<!tpu.dma_semaphore, #tpu.memory_space<semaphore_mem>>)
      %dma_start3A_663 = arith.constant 2 : i32
      %dma_start3A_664 = arith.constant 2 : i32
      %dma_start3A_665 = arith.constant 2 : i32
      %dma_start3A_666 = arith.constant 0 : i32
      %dma_start3A_667 = arith.constant 0 : i32
      %dma_start3A_668 = tpu.memref_slice %arg8[%dma_start3A_663, %dma_start3A_664, %dma_start3A_666, %dma_start3A_667] : memref<4x4x8x129xf32, #tpu.memory_space<vmem>> -> memref<1x1x8x128xf32, #tpu.memory_space<vmem>>
      %dma_start3A_669 = tpu.memref_squeeze %dma_start3A_668 : memref<1x1x8x128xf32, #tpu.memory_space<vmem>> -> memref<8x128xf32, #tpu.memory_space<vmem>>
      %dma_start3A_670 = arith.constant 0 : i32
      %dma_start3A_671 = arith.constant 0 : i32
      %dma_start3A_672 = tpu.memref_slice %arg4[%scan3A_388, %dma_start3A_665, %add3A_624, %dma_start3A_670, %dma_start3A_671] : memref<50x4x128x8x128xf32, #tpu.memory_space<hbm>> -> memref<1x1x1x8x128xf32, #tpu.memory_space<hbm>>
      %dma_start3A_673 = tpu.memref_squeeze %dma_start3A_672 : memref<1x1x1x8x128xf32, #tpu.memory_space<hbm>> -> memref<8x128xf32, #tpu.memory_space<hbm>>
      %dma_start3A_674 = arith.constant 0 : i32
      %dma_start3A_675 = arith.constant 0 : i32
      %dma_start3A_676 = tpu.memref_slice %arg4[%scan3A_388, %dma_start3A_665, %add3A_624, %dma_start3A_674, %dma_start3A_675] : memref<50x4x128x8x128xf32, #tpu.memory_space<hbm>> -> memref<1x1x1x8x128xf32, #tpu.memory_space<hbm>>
      %dma_start3A_677 = tpu.memref_squeeze %dma_start3A_676 : memref<1x1x1x8x128xf32, #tpu.memory_space<hbm>> -> memref<8x128xf32, #tpu.memory_space<hbm>>
      %dma_start3A_678 = arith.constant 0 : i32
      %dma_start3A_679 = arith.constant 0 : i32
      %dma_start3A_680 = tpu.memref_slice %arg8[%dma_start3A_663, %dma_start3A_664, %dma_start3A_678, %dma_start3A_679] : memref<4x4x8x129xf32, #tpu.memory_space<vmem>> -> memref<1x1x8x128xf32, #tpu.memory_space<vmem>>
      %dma_start3A_681 = tpu.memref_squeeze %dma_start3A_680 : memref<1x1x8x128xf32, #tpu.memory_space<vmem>> -> memref<8x128xf32, #tpu.memory_space<vmem>>
      tpu.enqueue_dma source(%dma_start3A_681 : memref<8x128xf32, #tpu.memory_space<vmem>>) target(%dma_start3A_677 : memref<8x128xf32, #tpu.memory_space<hbm>>) target_semaphore(%arg15 : memref<!tpu.dma_semaphore, #tpu.memory_space<semaphore_mem>>)
      %dma_start3A_682 = arith.constant 2 : i32
      %dma_start3A_683 = arith.constant 3 : i32
      %dma_start3A_684 = arith.constant 3 : i32
      %dma_start3A_685 = arith.constant 0 : i32
      %dma_start3A_686 = arith.constant 0 : i32
      %dma_start3A_687 = tpu.memref_slice %arg8[%dma_start3A_682, %dma_start3A_683, %dma_start3A_685, %dma_start3A_686] : memref<4x4x8x129xf32, #tpu.memory_space<vmem>> -> memref<1x1x8x128xf32, #tpu.memory_space<vmem>>
      %dma_start3A_688 = tpu.memref_squeeze %dma_start3A_687 : memref<1x1x8x128xf32, #tpu.memory_space<vmem>> -> memref<8x128xf32, #tpu.memory_space<vmem>>
      %dma_start3A_689 = arith.constant 0 : i32
      %dma_start3A_690 = arith.constant 0 : i32
      %dma_start3A_691 = tpu.memref_slice %arg4[%scan3A_388, %dma_start3A_684, %add3A_624, %dma_start3A_689, %dma_start3A_690] : memref<50x4x128x8x128xf32, #tpu.memory_space<hbm>> -> memref<1x1x1x8x128xf32, #tpu.memory_space<hbm>>
      %dma_start3A_692 = tpu.memref_squeeze %dma_start3A_691 : memref<1x1x1x8x128xf32, #tpu.memory_space<hbm>> -> memref<8x128xf32, #tpu.memory_space<hbm>>
      %dma_start3A_693 = arith.constant 0 : i32
      %dma_start3A_694 = arith.constant 0 : i32
      %dma_start3A_695 = tpu.memref_slice %arg4[%scan3A_388, %dma_start3A_684, %add3A_624, %dma_start3A_693, %dma_start3A_694] : memref<50x4x128x8x128xf32, #tpu.memory_space<hbm>> -> memref<1x1x1x8x128xf32, #tpu.memory_space<hbm>>
      %dma_start3A_696 = tpu.memref_squeeze %dma_start3A_695 : memref<1x1x1x8x128xf32, #tpu.memory_space<hbm>> -> memref<8x128xf32, #tpu.memory_space<hbm>>
      %dma_start3A_697 = arith.constant 0 : i32
      %dma_start3A_698 = arith.constant 0 : i32
      %dma_start3A_699 = tpu.memref_slice %arg8[%dma_start3A_682, %dma_start3A_683, %dma_start3A_697, %dma_start3A_698] : memref<4x4x8x129xf32, #tpu.memory_space<vmem>> -> memref<1x1x8x128xf32, #tpu.memory_space<vmem>>
      %dma_start3A_700 = tpu.memref_squeeze %dma_start3A_699 : memref<1x1x8x128xf32, #tpu.memory_space<vmem>> -> memref<8x128xf32, #tpu.memory_space<vmem>>
      tpu.enqueue_dma source(%dma_start3A_700 : memref<8x128xf32, #tpu.memory_space<vmem>>) target(%dma_start3A_696 : memref<8x128xf32, #tpu.memory_space<hbm>>) target_semaphore(%arg15 : memref<!tpu.dma_semaphore, #tpu.memory_space<semaphore_mem>>)
      %add3A_701 = arith.constant 1 : i32
      %add3A_702 = arith.addi %scan3A_388, %add3A_701 : i32
      %lt3A_703 = arith.constant 49 : i32
      %lt3A_704 = arith.cmpi slt, %scan3A_388, %lt3A_703 : i32
      %convert_element_type3A_705 = arith.extui %lt3A_704 : i1 to i32
      %cond3A_706 = arith.constant 0 : i32
      %cond3A_707 = arith.cmpi ne, %convert_element_type3A_705, %cond3A_706 : i32
      scf.if %cond3A_707 {
        %dma_wait3A_804 = arith.constant 2 : i32
        %dma_wait3A_805 = arith.constant 0 : i32
        %dma_wait3A_806 = arith.constant 0 : i32
        %dma_wait3A_807 = arith.constant 0 : i32
        %dma_wait3A_808 = arith.constant 0 : i32
        %dma_wait3A_809 = arith.constant 0 : i32
        %dma_wait3A_810 = arith.constant 0 : i32
        %dma_wait3A_811 = tpu.memref_slice %arg8[%dma_wait3A_804, %dma_wait3A_805, %dma_wait3A_809, %dma_wait3A_810] : memref<4x4x8x129xf32, #tpu.memory_space<vmem>> -> memref<1x1x8x128xf32, #tpu.memory_space<vmem>>
        %dma_wait3A_812 = tpu.memref_squeeze %dma_wait3A_811 : memref<1x1x8x128xf32, #tpu.memory_space<vmem>> -> memref<8x128xf32, #tpu.memory_space<vmem>>
        %dma_wait3A_813 = arith.constant 0 : i32
        %dma_wait3A_814 = arith.constant 0 : i32
        %dma_wait3A_815 = tpu.memref_slice %arg4[%dma_wait3A_806, %dma_wait3A_807, %dma_wait3A_808, %dma_wait3A_813, %dma_wait3A_814] : memref<50x4x128x8x128xf32, #tpu.memory_space<hbm>> -> memref<1x1x1x8x128xf32, #tpu.memory_space<hbm>>
        %dma_wait3A_816 = tpu.memref_squeeze %dma_wait3A_815 : memref<1x1x1x8x128xf32, #tpu.memory_space<hbm>> -> memref<8x128xf32, #tpu.memory_space<hbm>>
        %dma_wait3A_817 = arith.constant 0 : i32
        %dma_wait3A_818 = arith.constant 0 : i32
        %dma_wait3A_819 = tpu.memref_slice %arg4[%dma_wait3A_806, %dma_wait3A_807, %dma_wait3A_808, %dma_wait3A_817, %dma_wait3A_818] : memref<50x4x128x8x128xf32, #tpu.memory_space<hbm>> -> memref<1x1x1x8x128xf32, #tpu.memory_space<hbm>>
        %dma_wait3A_820 = tpu.memref_squeeze %dma_wait3A_819 : memref<1x1x1x8x128xf32, #tpu.memory_space<hbm>> -> memref<8x128xf32, #tpu.memory_space<hbm>>
        %dma_wait3A_821 = arith.constant 0 : i32
        %dma_wait3A_822 = arith.constant 0 : i32
        %dma_wait3A_823 = tpu.memref_slice %arg8[%dma_wait3A_804, %dma_wait3A_805, %dma_wait3A_821, %dma_wait3A_822] : memref<4x4x8x129xf32, #tpu.memory_space<vmem>> -> memref<1x1x8x128xf32, #tpu.memory_space<vmem>>
        %dma_wait3A_824 = tpu.memref_squeeze %dma_wait3A_823 : memref<1x1x8x128xf32, #tpu.memory_space<vmem>> -> memref<8x128xf32, #tpu.memory_space<vmem>>
        tpu.wait_dma2 semaphore(%arg15 : memref<!tpu.dma_semaphore, #tpu.memory_space<semaphore_mem>>) src(%dma_wait3A_824 : memref<8x128xf32, #tpu.memory_space<vmem>>) dst(%dma_wait3A_820 : memref<8x128xf32, #tpu.memory_space<hbm>>)
        %dma_wait3A_825 = arith.constant 2 : i32
        %dma_wait3A_826 = arith.constant 1 : i32
        %dma_wait3A_827 = arith.constant 0 : i32
        %dma_wait3A_828 = arith.constant 0 : i32
        %dma_wait3A_829 = arith.constant 0 : i32
        %dma_wait3A_830 = arith.constant 0 : i32
        %dma_wait3A_831 = arith.constant 0 : i32
        %dma_wait3A_832 = tpu.memref_slice %arg8[%dma_wait3A_825, %dma_wait3A_826, %dma_wait3A_830, %dma_wait3A_831] : memref<4x4x8x129xf32, #tpu.memory_space<vmem>> -> memref<1x1x8x128xf32, #tpu.memory_space<vmem>>
        %dma_wait3A_833 = tpu.memref_squeeze %dma_wait3A_832 : memref<1x1x8x128xf32, #tpu.memory_space<vmem>> -> memref<8x128xf32, #tpu.memory_space<vmem>>
        %dma_wait3A_834 = arith.constant 0 : i32
        %dma_wait3A_835 = arith.constant 0 : i32
        %dma_wait3A_836 = tpu.memref_slice %arg4[%dma_wait3A_827, %dma_wait3A_828, %dma_wait3A_829, %dma_wait3A_834, %dma_wait3A_835] : memref<50x4x128x8x128xf32, #tpu.memory_space<hbm>> -> memref<1x1x1x8x128xf32, #tpu.memory_space<hbm>>
        %dma_wait3A_837 = tpu.memref_squeeze %dma_wait3A_836 : memref<1x1x1x8x128xf32, #tpu.memory_space<hbm>> -> memref<8x128xf32, #tpu.memory_space<hbm>>
        %dma_wait3A_838 = arith.constant 0 : i32
        %dma_wait3A_839 = arith.constant 0 : i32
        %dma_wait3A_840 = tpu.memref_slice %arg4[%dma_wait3A_827, %dma_wait3A_828, %dma_wait3A_829, %dma_wait3A_838, %dma_wait3A_839] : memref<50x4x128x8x128xf32, #tpu.memory_space<hbm>> -> memref<1x1x1x8x128xf32, #tpu.memory_space<hbm>>
        %dma_wait3A_841 = tpu.memref_squeeze %dma_wait3A_840 : memref<1x1x1x8x128xf32, #tpu.memory_space<hbm>> -> memref<8x128xf32, #tpu.memory_space<hbm>>
        %dma_wait3A_842 = arith.constant 0 : i32
        %dma_wait3A_843 = arith.constant 0 : i32
        %dma_wait3A_844 = tpu.memref_slice %arg8[%dma_wait3A_825, %dma_wait3A_826, %dma_wait3A_842, %dma_wait3A_843] : memref<4x4x8x129xf32, #tpu.memory_space<vmem>> -> memref<1x1x8x128xf32, #tpu.memory_space<vmem>>
        %dma_wait3A_845 = tpu.memref_squeeze %dma_wait3A_844 : memref<1x1x8x128xf32, #tpu.memory_space<vmem>> -> memref<8x128xf32, #tpu.memory_space<vmem>>
        tpu.wait_dma2 semaphore(%arg15 : memref<!tpu.dma_semaphore, #tpu.memory_space<semaphore_mem>>) src(%dma_wait3A_845 : memref<8x128xf32, #tpu.memory_space<vmem>>) dst(%dma_wait3A_841 : memref<8x128xf32, #tpu.memory_space<hbm>>)
        %dma_wait3A_846 = arith.constant 2 : i32
        %dma_wait3A_847 = arith.constant 2 : i32
        %dma_wait3A_848 = arith.constant 0 : i32
        %dma_wait3A_849 = arith.constant 0 : i32
        %dma_wait3A_850 = arith.constant 0 : i32
        %dma_wait3A_851 = arith.constant 0 : i32
        %dma_wait3A_852 = arith.constant 0 : i32
        %dma_wait3A_853 = tpu.memref_slice %arg8[%dma_wait3A_846, %dma_wait3A_847, %dma_wait3A_851, %dma_wait3A_852] : memref<4x4x8x129xf32, #tpu.memory_space<vmem>> -> memref<1x1x8x128xf32, #tpu.memory_space<vmem>>
        %dma_wait3A_854 = tpu.memref_squeeze %dma_wait3A_853 : memref<1x1x8x128xf32, #tpu.memory_space<vmem>> -> memref<8x128xf32, #tpu.memory_space<vmem>>
        %dma_wait3A_855 = arith.constant 0 : i32
        %dma_wait3A_856 = arith.constant 0 : i32
        %dma_wait3A_857 = tpu.memref_slice %arg4[%dma_wait3A_848, %dma_wait3A_849, %dma_wait3A_850, %dma_wait3A_855, %dma_wait3A_856] : memref<50x4x128x8x128xf32, #tpu.memory_space<hbm>> -> memref<1x1x1x8x128xf32, #tpu.memory_space<hbm>>
        %dma_wait3A_858 = tpu.memref_squeeze %dma_wait3A_857 : memref<1x1x1x8x128xf32, #tpu.memory_space<hbm>> -> memref<8x128xf32, #tpu.memory_space<hbm>>
        %dma_wait3A_859 = arith.constant 0 : i32
        %dma_wait3A_860 = arith.constant 0 : i32
        %dma_wait3A_861 = tpu.memref_slice %arg4[%dma_wait3A_848, %dma_wait3A_849, %dma_wait3A_850, %dma_wait3A_859, %dma_wait3A_860] : memref<50x4x128x8x128xf32, #tpu.memory_space<hbm>> -> memref<1x1x1x8x128xf32, #tpu.memory_space<hbm>>
        %dma_wait3A_862 = tpu.memref_squeeze %dma_wait3A_861 : memref<1x1x1x8x128xf32, #tpu.memory_space<hbm>> -> memref<8x128xf32, #tpu.memory_space<hbm>>
        %dma_wait3A_863 = arith.constant 0 : i32
        %dma_wait3A_864 = arith.constant 0 : i32
        %dma_wait3A_865 = tpu.memref_slice %arg8[%dma_wait3A_846, %dma_wait3A_847, %dma_wait3A_863, %dma_wait3A_864] : memref<4x4x8x129xf32, #tpu.memory_space<vmem>> -> memref<1x1x8x128xf32, #tpu.memory_space<vmem>>
        %dma_wait3A_866 = tpu.memref_squeeze %dma_wait3A_865 : memref<1x1x8x128xf32, #tpu.memory_space<vmem>> -> memref<8x128xf32, #tpu.memory_space<vmem>>
        tpu.wait_dma2 semaphore(%arg15 : memref<!tpu.dma_semaphore, #tpu.memory_space<semaphore_mem>>) src(%dma_wait3A_866 : memref<8x128xf32, #tpu.memory_space<vmem>>) dst(%dma_wait3A_862 : memref<8x128xf32, #tpu.memory_space<hbm>>)
        %dma_wait3A_867 = arith.constant 2 : i32
        %dma_wait3A_868 = arith.constant 3 : i32
        %dma_wait3A_869 = arith.constant 0 : i32
        %dma_wait3A_870 = arith.constant 0 : i32
        %dma_wait3A_871 = arith.constant 0 : i32
        %dma_wait3A_872 = arith.constant 0 : i32
        %dma_wait3A_873 = arith.constant 0 : i32
        %dma_wait3A_874 = tpu.memref_slice %arg8[%dma_wait3A_867, %dma_wait3A_868, %dma_wait3A_872, %dma_wait3A_873] : memref<4x4x8x129xf32, #tpu.memory_space<vmem>> -> memref<1x1x8x128xf32, #tpu.memory_space<vmem>>
        %dma_wait3A_875 = tpu.memref_squeeze %dma_wait3A_874 : memref<1x1x8x128xf32, #tpu.memory_space<vmem>> -> memref<8x128xf32, #tpu.memory_space<vmem>>
        %dma_wait3A_876 = arith.constant 0 : i32
        %dma_wait3A_877 = arith.constant 0 : i32
        %dma_wait3A_878 = tpu.memref_slice %arg4[%dma_wait3A_869, %dma_wait3A_870, %dma_wait3A_871, %dma_wait3A_876, %dma_wait3A_877] : memref<50x4x128x8x128xf32, #tpu.memory_space<hbm>> -> memref<1x1x1x8x128xf32, #tpu.memory_space<hbm>>
        %dma_wait3A_879 = tpu.memref_squeeze %dma_wait3A_878 : memref<1x1x1x8x128xf32, #tpu.memory_space<hbm>> -> memref<8x128xf32, #tpu.memory_space<hbm>>
        %dma_wait3A_880 = arith.constant 0 : i32
        %dma_wait3A_881 = arith.constant 0 : i32
        %dma_wait3A_882 = tpu.memref_slice %arg4[%dma_wait3A_869, %dma_wait3A_870, %dma_wait3A_871, %dma_wait3A_880, %dma_wait3A_881] : memref<50x4x128x8x128xf32, #tpu.memory_space<hbm>> -> memref<1x1x1x8x128xf32, #tpu.memory_space<hbm>>
        %dma_wait3A_883 = tpu.memref_squeeze %dma_wait3A_882 : memref<1x1x1x8x128xf32, #tpu.memory_space<hbm>> -> memref<8x128xf32, #tpu.memory_space<hbm>>
        %dma_wait3A_884 = arith.constant 0 : i32
        %dma_wait3A_885 = arith.constant 0 : i32
        %dma_wait3A_886 = tpu.memref_slice %arg8[%dma_wait3A_867, %dma_wait3A_868, %dma_wait3A_884, %dma_wait3A_885] : memref<4x4x8x129xf32, #tpu.memory_space<vmem>> -> memref<1x1x8x128xf32, #tpu.memory_space<vmem>>
        %dma_wait3A_887 = tpu.memref_squeeze %dma_wait3A_886 : memref<1x1x8x128xf32, #tpu.memory_space<vmem>> -> memref<8x128xf32, #tpu.memory_space<vmem>>
        tpu.wait_dma2 semaphore(%arg15 : memref<!tpu.dma_semaphore, #tpu.memory_space<semaphore_mem>>) src(%dma_wait3A_887 : memref<8x128xf32, #tpu.memory_space<vmem>>) dst(%dma_wait3A_883 : memref<8x128xf32, #tpu.memory_space<hbm>>)
        %dma_start3A_888 = arith.constant 2 : i32
        %dma_start3A_889 = arith.constant 0 : i32
        %dma_start3A_890 = arith.constant 0 : i32
        %dma_start3A_891 = tpu.memref_slice %arg7[%dma_start3A_888, %dma_start3A_889, %dma_start3A_890] : memref<4x128x32xf32, #tpu.memory_space<vmem>> -> memref<1x128x32xf32, #tpu.memory_space<vmem>>
        %dma_start3A_892 = tpu.memref_squeeze %dma_start3A_891 : memref<1x128x32xf32, #tpu.memory_space<vmem>> -> memref<128x32xf32, #tpu.memory_space<vmem>>
        %dma_start3A_893 = arith.constant 256 : i32
        %dma_start3A_894 = tpu.memref_slice %arg6[%add3A_702, %dma_start3A_893] : memref<64x513xi32, #tpu.memory_space<vmem>> -> memref<1x128xi32, #tpu.memory_space<vmem>>
        %dma_start3A_895 = tpu.memref_squeeze %dma_start3A_894 : memref<1x128xi32, #tpu.memory_space<vmem>> -> memref<128xi32, #tpu.memory_space<vmem>>
        %dma_start3A_896 = arith.constant 0 : i32
        %dma_start3A_897 = arith.constant 0 : i32
        %dma_start3A_898 = tpu.memref_slice %arg3[%dma_start3A_896, %dma_start3A_897] : memref<1000000x32xf32, #tpu.memory_space<hbm>> -> memref<1000000x32xf32, #tpu.memory_space<hbm>>
        tpu.enqueue_indirect_dma source(%dma_start3A_898 : memref<1000000x32xf32, #tpu.memory_space<hbm>>) target(%dma_start3A_892 : memref<128x32xf32, #tpu.memory_space<vmem>>) offsets(%dma_start3A_895 : memref<128xi32, #tpu.memory_space<vmem>>) semaphore(%arg11 : memref<!tpu.dma_semaphore, #tpu.memory_space<semaphore_mem>>)
      } else {
      }
      %dma_wait3A_708 = arith.constant 0 : i32
      %dma_wait3A_709 = arith.constant 3 : i32
      %dma_wait3A_710 = arith.constant 0 : i32
      %dma_wait3A_711 = arith.constant 0 : i32
      %dma_wait3A_712 = tpu.memref_slice %arg7[%dma_wait3A_709, %dma_wait3A_710, %dma_wait3A_711] : memref<4x128x32xf32, #tpu.memory_space<vmem>> -> memref<1x128x32xf32, #tpu.memory_space<vmem>>
      %dma_wait3A_713 = tpu.memref_squeeze %dma_wait3A_712 : memref<1x128x32xf32, #tpu.memory_space<vmem>> -> memref<128x32xf32, #tpu.memory_space<vmem>>
      %dma_wait3A_714 = arith.constant 0 : i32
      %dma_wait3A_715 = tpu.memref_slice %arg6[%dma_wait3A_708, %dma_wait3A_714] : memref<64x513xi32, #tpu.memory_space<vmem>> -> memref<1x128xi32, #tpu.memory_space<vmem>>
      %dma_wait3A_716 = tpu.memref_squeeze %dma_wait3A_715 : memref<1x128xi32, #tpu.memory_space<vmem>> -> memref<128xi32, #tpu.memory_space<vmem>>
      %dma_wait3A_717 = arith.constant 0 : i32
      %dma_wait3A_718 = arith.constant 0 : i32
      %dma_wait3A_719 = tpu.memref_slice %arg3[%dma_wait3A_717, %dma_wait3A_718] : memref<1000000x32xf32, #tpu.memory_space<hbm>> -> memref<1000000x32xf32, #tpu.memory_space<hbm>>
      tpu.wait_indirect_dma semaphore(%arg12 : memref<!tpu.dma_semaphore, #tpu.memory_space<semaphore_mem>>) src(%dma_wait3A_719 : memref<1000000x32xf32, #tpu.memory_space<hbm>>) dst(%dma_wait3A_713 : memref<128x32xf32, #tpu.memory_space<vmem>>)
      %parallel_loop3A_720 = arith.constant 0 : i32
      %parallel_loop3A_721 = arith.constant 128 : i32
      %parallel_loop3A_722 = arith.constant 1 : i32
      scf.for %parallel_loop3A_804 = %parallel_loop3A_720 to %parallel_loop3A_721 step %parallel_loop3A_722  : i32 {
        %parallel_loop3A_805 = vector.broadcast %parallel_loop3A_804 : i32 to vector<16xi32>
        %parallel_loop3A_806 = arith.constant 3 : i32
        %parallel_loop3A_807 = arith.index_cast %parallel_loop3A_806 : i32 to index
        %parallel_loop3A_808 = arith.index_cast %parallel_loop3A_804 : i32 to index
        %parallel_loop3A_809 = arith.constant 0 : index
        %parallel_loop3A_810 = tpu.vector_load %arg7[%parallel_loop3A_807, %parallel_loop3A_808, %parallel_loop3A_809] {strides = array<i32>} : memref<4x128x32xf32, #tpu.memory_space<vmem>>, vector<16xf32>,
        %parallel_loop3A_811 = arith.constant 1.000000e+01 : f32
        %parallel_loop3A_812 = vector.broadcast %parallel_loop3A_811 : f32 to vector<16xf32>
        %parallel_loop3A_813 = arith.mulf %parallel_loop3A_810, %parallel_loop3A_812 : vector<16xf32>
        %parallel_loop3A_814 = arith.constant 3 : i32
        %parallel_loop3A_815 = arith.constant 0 : i32
        %parallel_loop3A_816 = arith.constant 0 : i32
        %parallel_loop3A_817 = arith.constant 0 : i32
        %parallel_loop3A_818 = tpu.memref_slice %arg8[%parallel_loop3A_814, %parallel_loop3A_815, %parallel_loop3A_816, %parallel_loop3A_817] : memref<4x4x8x129xf32, #tpu.memory_space<vmem>> -> memref<1x4x8x129xf32, #tpu.memory_space<vmem>>
        %parallel_loop3A_819 = tpu.memref_squeeze %parallel_loop3A_818 : memref<1x4x8x129xf32, #tpu.memory_space<vmem>> -> memref<4x8x129xf32, #tpu.memory_space<vmem>>
        tpu.vector_store_idx %parallel_loop3A_819[%shift_right_arithmetic3A_4, %and3A_9, %parallel_loop3A_805], %parallel_loop3A_813 : memref<4x8x129xf32, #tpu.memory_space<vmem>>[vector<16xi32>, vector<16xi32>, vector<16xi32>], vector<16xf32>,
        %parallel_loop3A_820 = arith.constant 3 : i32
        %parallel_loop3A_821 = arith.index_cast %parallel_loop3A_820 : i32 to index
        %parallel_loop3A_822 = arith.index_cast %parallel_loop3A_804 : i32 to index
        %parallel_loop3A_823 = arith.constant 16 : index
        %parallel_loop3A_824 = tpu.vector_load %arg7[%parallel_loop3A_821, %parallel_loop3A_822, %parallel_loop3A_823] {strides = array<i32>} : memref<4x128x32xf32, #tpu.memory_space<vmem>>, vector<16xf32>,
        %parallel_loop3A_825 = arith.constant 1.000000e+01 : f32
        %parallel_loop3A_826 = vector.broadcast %parallel_loop3A_825 : f32 to vector<16xf32>
        %parallel_loop3A_827 = arith.mulf %parallel_loop3A_824, %parallel_loop3A_826 : vector<16xf32>
        %parallel_loop3A_828 = arith.constant 3 : i32
        %parallel_loop3A_829 = arith.constant 0 : i32
        %parallel_loop3A_830 = arith.constant 0 : i32
        %parallel_loop3A_831 = arith.constant 0 : i32
        %parallel_loop3A_832 = tpu.memref_slice %arg8[%parallel_loop3A_828, %parallel_loop3A_829, %parallel_loop3A_830, %parallel_loop3A_831] : memref<4x4x8x129xf32, #tpu.memory_space<vmem>> -> memref<1x4x8x129xf32, #tpu.memory_space<vmem>>
        %parallel_loop3A_833 = tpu.memref_squeeze %parallel_loop3A_832 : memref<1x4x8x129xf32, #tpu.memory_space<vmem>> -> memref<4x8x129xf32, #tpu.memory_space<vmem>>
        tpu.vector_store_idx %parallel_loop3A_833[%add3A_7, %and3A_9, %parallel_loop3A_805], %parallel_loop3A_827 : memref<4x8x129xf32, #tpu.memory_space<vmem>>[vector<16xi32>, vector<16xi32>, vector<16xi32>], vector<16xf32>,
      } {sc.loop_unroll_factor = 2 : i64, sc.parallel_access}
      %mul3A_723 = arith.constant 4 : i32
      %mul3A_724 = arith.muli %add3A, %mul3A_723 : i32
      %add3A_725 = arith.constant 3 : i32
      %add3A_726 = arith.addi %mul3A_724, %add3A_725 : i32
      %dma_start3A_727 = arith.constant 3 : i32
      %dma_start3A_728 = arith.constant 0 : i32
      %dma_start3A_729 = arith.constant 0 : i32
      %dma_start3A_730 = arith.constant 0 : i32
      %dma_start3A_731 = arith.constant 0 : i32
      %dma_start3A_732 = tpu.memref_slice %arg8[%dma_start3A_727, %dma_start3A_728, %dma_start3A_730, %dma_start3A_731] : memref<4x4x8x129xf32, #tpu.memory_space<vmem>> -> memref<1x1x8x128xf32, #tpu.memory_space<vmem>>
      %dma_start3A_733 = tpu.memref_squeeze %dma_start3A_732 : memref<1x1x8x128xf32, #tpu.memory_space<vmem>> -> memref<8x128xf32, #tpu.memory_space<vmem>>
      %dma_start3A_734 = arith.constant 0 : i32
      %dma_start3A_735 = arith.constant 0 : i32
      %dma_start3A_736 = tpu.memref_slice %arg4[%scan3A_388, %dma_start3A_729, %add3A_726, %dma_start3A_734, %dma_start3A_735] : memref<50x4x128x8x128xf32, #tpu.memory_space<hbm>> -> memref<1x1x1x8x128xf32, #tpu.memory_space<hbm>>
      %dma_start3A_737 = tpu.memref_squeeze %dma_start3A_736 : memref<1x1x1x8x128xf32, #tpu.memory_space<hbm>> -> memref<8x128xf32, #tpu.memory_space<hbm>>
      %dma_start3A_738 = arith.constant 0 : i32
      %dma_start3A_739 = arith.constant 0 : i32
      %dma_start3A_740 = tpu.memref_slice %arg4[%scan3A_388, %dma_start3A_729, %add3A_726, %dma_start3A_738, %dma_start3A_739] : memref<50x4x128x8x128xf32, #tpu.memory_space<hbm>> -> memref<1x1x1x8x128xf32, #tpu.memory_space<hbm>>
      %dma_start3A_741 = tpu.memref_squeeze %dma_start3A_740 : memref<1x1x1x8x128xf32, #tpu.memory_space<hbm>> -> memref<8x128xf32, #tpu.memory_space<hbm>>
      %dma_start3A_742 = arith.constant 0 : i32
      %dma_start3A_743 = arith.constant 0 : i32
      %dma_start3A_744 = tpu.memref_slice %arg8[%dma_start3A_727, %dma_start3A_728, %dma_start3A_742, %dma_start3A_743] : memref<4x4x8x129xf32, #tpu.memory_space<vmem>> -> memref<1x1x8x128xf32, #tpu.memory_space<vmem>>
      %dma_start3A_745 = tpu.memref_squeeze %dma_start3A_744 : memref<1x1x8x128xf32, #tpu.memory_space<vmem>> -> memref<8x128xf32, #tpu.memory_space<vmem>>
      tpu.enqueue_dma source(%dma_start3A_745 : memref<8x128xf32, #tpu.memory_space<vmem>>) target(%dma_start3A_741 : memref<8x128xf32, #tpu.memory_space<hbm>>) target_semaphore(%arg16 : memref<!tpu.dma_semaphore, #tpu.memory_space<semaphore_mem>>)
      %dma_start3A_746 = arith.constant 3 : i32
      %dma_start3A_747 = arith.constant 1 : i32
      %dma_start3A_748 = arith.constant 1 : i32
      %dma_start3A_749 = arith.constant 0 : i32
      %dma_start3A_750 = arith.constant 0 : i32
      %dma_start3A_751 = tpu.memref_slice %arg8[%dma_start3A_746, %dma_start3A_747, %dma_start3A_749, %dma_start3A_750] : memref<4x4x8x129xf32, #tpu.memory_space<vmem>> -> memref<1x1x8x128xf32, #tpu.memory_space<vmem>>
      %dma_start3A_752 = tpu.memref_squeeze %dma_start3A_751 : memref<1x1x8x128xf32, #tpu.memory_space<vmem>> -> memref<8x128xf32, #tpu.memory_space<vmem>>
      %dma_start3A_753 = arith.constant 0 : i32
      %dma_start3A_754 = arith.constant 0 : i32
      %dma_start3A_755 = tpu.memref_slice %arg4[%scan3A_388, %dma_start3A_748, %add3A_726, %dma_start3A_753, %dma_start3A_754] : memref<50x4x128x8x128xf32, #tpu.memory_space<hbm>> -> memref<1x1x1x8x128xf32, #tpu.memory_space<hbm>>
      %dma_start3A_756 = tpu.memref_squeeze %dma_start3A_755 : memref<1x1x1x8x128xf32, #tpu.memory_space<hbm>> -> memref<8x128xf32, #tpu.memory_space<hbm>>
      %dma_start3A_757 = arith.constant 0 : i32
      %dma_start3A_758 = arith.constant 0 : i32
      %dma_start3A_759 = tpu.memref_slice %arg4[%scan3A_388, %dma_start3A_748, %add3A_726, %dma_start3A_757, %dma_start3A_758] : memref<50x4x128x8x128xf32, #tpu.memory_space<hbm>> -> memref<1x1x1x8x128xf32, #tpu.memory_space<hbm>>
      %dma_start3A_760 = tpu.memref_squeeze %dma_start3A_759 : memref<1x1x1x8x128xf32, #tpu.memory_space<hbm>> -> memref<8x128xf32, #tpu.memory_space<hbm>>
      %dma_start3A_761 = arith.constant 0 : i32
      %dma_start3A_762 = arith.constant 0 : i32
      %dma_start3A_763 = tpu.memref_slice %arg8[%dma_start3A_746, %dma_start3A_747, %dma_start3A_761, %dma_start3A_762] : memref<4x4x8x129xf32, #tpu.memory_space<vmem>> -> memref<1x1x8x128xf32, #tpu.memory_space<vmem>>
      %dma_start3A_764 = tpu.memref_squeeze %dma_start3A_763 : memref<1x1x8x128xf32, #tpu.memory_space<vmem>> -> memref<8x128xf32, #tpu.memory_space<vmem>>
      tpu.enqueue_dma source(%dma_start3A_764 : memref<8x128xf32, #tpu.memory_space<vmem>>) target(%dma_start3A_760 : memref<8x128xf32, #tpu.memory_space<hbm>>) target_semaphore(%arg16 : memref<!tpu.dma_semaphore, #tpu.memory_space<semaphore_mem>>)
      %dma_start3A_765 = arith.constant 3 : i32
      %dma_start3A_766 = arith.constant 2 : i32
      %dma_start3A_767 = arith.constant 2 : i32
      %dma_start3A_768 = arith.constant 0 : i32
      %dma_start3A_769 = arith.constant 0 : i32
      %dma_start3A_770 = tpu.memref_slice %arg8[%dma_start3A_765, %dma_start3A_766, %dma_start3A_768, %dma_start3A_769] : memref<4x4x8x129xf32, #tpu.memory_space<vmem>> -> memref<1x1x8x128xf32, #tpu.memory_space<vmem>>
      %dma_start3A_771 = tpu.memref_squeeze %dma_start3A_770 : memref<1x1x8x128xf32, #tpu.memory_space<vmem>> -> memref<8x128xf32, #tpu.memory_space<vmem>>
      %dma_start3A_772 = arith.constant 0 : i32
      %dma_start3A_773 = arith.constant 0 : i32
      %dma_start3A_774 = tpu.memref_slice %arg4[%scan3A_388, %dma_start3A_767, %add3A_726, %dma_start3A_772, %dma_start3A_773] : memref<50x4x128x8x128xf32, #tpu.memory_space<hbm>> -> memref<1x1x1x8x128xf32, #tpu.memory_space<hbm>>
      %dma_start3A_775 = tpu.memref_squeeze %dma_start3A_774 : memref<1x1x1x8x128xf32, #tpu.memory_space<hbm>> -> memref<8x128xf32, #tpu.memory_space<hbm>>
      %dma_start3A_776 = arith.constant 0 : i32
      %dma_start3A_777 = arith.constant 0 : i32
      %dma_start3A_778 = tpu.memref_slice %arg4[%scan3A_388, %dma_start3A_767, %add3A_726, %dma_start3A_776, %dma_start3A_777] : memref<50x4x128x8x128xf32, #tpu.memory_space<hbm>> -> memref<1x1x1x8x128xf32, #tpu.memory_space<hbm>>
      %dma_start3A_779 = tpu.memref_squeeze %dma_start3A_778 : memref<1x1x1x8x128xf32, #tpu.memory_space<hbm>> -> memref<8x128xf32, #tpu.memory_space<hbm>>
      %dma_start3A_780 = arith.constant 0 : i32
      %dma_start3A_781 = arith.constant 0 : i32
      %dma_start3A_782 = tpu.memref_slice %arg8[%dma_start3A_765, %dma_start3A_766, %dma_start3A_780, %dma_start3A_781] : memref<4x4x8x129xf32, #tpu.memory_space<vmem>> -> memref<1x1x8x128xf32, #tpu.memory_space<vmem>>
      %dma_start3A_783 = tpu.memref_squeeze %dma_start3A_782 : memref<1x1x8x128xf32, #tpu.memory_space<vmem>> -> memref<8x128xf32, #tpu.memory_space<vmem>>
      tpu.enqueue_dma source(%dma_start3A_783 : memref<8x128xf32, #tpu.memory_space<vmem>>) target(%dma_start3A_779 : memref<8x128xf32, #tpu.memory_space<hbm>>) target_semaphore(%arg16 : memref<!tpu.dma_semaphore, #tpu.memory_space<semaphore_mem>>)
      %dma_start3A_784 = arith.constant 3 : i32
      %dma_start3A_785 = arith.constant 3 : i32
      %dma_start3A_786 = arith.constant 3 : i32
      %dma_start3A_787 = arith.constant 0 : i32
      %dma_start3A_788 = arith.constant 0 : i32
      %dma_start3A_789 = tpu.memref_slice %arg8[%dma_start3A_784, %dma_start3A_785, %dma_start3A_787, %dma_start3A_788] : memref<4x4x8x129xf32, #tpu.memory_space<vmem>> -> memref<1x1x8x128xf32, #tpu.memory_space<vmem>>
      %dma_start3A_790 = tpu.memref_squeeze %dma_start3A_789 : memref<1x1x8x128xf32, #tpu.memory_space<vmem>> -> memref<8x128xf32, #tpu.memory_space<vmem>>
      %dma_start3A_791 = arith.constant 0 : i32
      %dma_start3A_792 = arith.constant 0 : i32
      %dma_start3A_793 = tpu.memref_slice %arg4[%scan3A_388, %dma_start3A_786, %add3A_726, %dma_start3A_791, %dma_start3A_792] : memref<50x4x128x8x128xf32, #tpu.memory_space<hbm>> -> memref<1x1x1x8x128xf32, #tpu.memory_space<hbm>>
      %dma_start3A_794 = tpu.memref_squeeze %dma_start3A_793 : memref<1x1x1x8x128xf32, #tpu.memory_space<hbm>> -> memref<8x128xf32, #tpu.memory_space<hbm>>
      %dma_start3A_795 = arith.constant 0 : i32
      %dma_start3A_796 = arith.constant 0 : i32
      %dma_start3A_797 = tpu.memref_slice %arg4[%scan3A_388, %dma_start3A_786, %add3A_726, %dma_start3A_795, %dma_start3A_796] : memref<50x4x128x8x128xf32, #tpu.memory_space<hbm>> -> memref<1x1x1x8x128xf32, #tpu.memory_space<hbm>>
      %dma_start3A_798 = tpu.memref_squeeze %dma_start3A_797 : memref<1x1x1x8x128xf32, #tpu.memory_space<hbm>> -> memref<8x128xf32, #tpu.memory_space<hbm>>
      %dma_start3A_799 = arith.constant 0 : i32
      %dma_start3A_800 = arith.constant 0 : i32
      %dma_start3A_801 = tpu.memref_slice %arg8[%dma_start3A_784, %dma_start3A_785, %dma_start3A_799, %dma_start3A_800] : memref<4x4x8x129xf32, #tpu.memory_space<vmem>> -> memref<1x1x8x128xf32, #tpu.memory_space<vmem>>
      %dma_start3A_802 = tpu.memref_squeeze %dma_start3A_801 : memref<1x1x8x128xf32, #tpu.memory_space<vmem>> -> memref<8x128xf32, #tpu.memory_space<vmem>>
      tpu.enqueue_dma source(%dma_start3A_802 : memref<8x128xf32, #tpu.memory_space<vmem>>) target(%dma_start3A_798 : memref<8x128xf32, #tpu.memory_space<hbm>>) target_semaphore(%arg16 : memref<!tpu.dma_semaphore, #tpu.memory_space<semaphore_mem>>)
      %scan3A_803 = arith.constant 0 : i32
      scf.yield %scan3A_803 : i32
    }
    %scan3A_52 = arith.constant 50 : i32
    %dma_wait3A = arith.constant 0 : i32
    %dma_wait3A_53 = arith.constant 0 : i32
    %dma_wait3A_54 = arith.constant 0 : i32
    %dma_wait3A_55 = arith.constant 0 : i32
    %dma_wait3A_56 = arith.constant 0 : i32
    %dma_wait3A_57 = arith.constant 0 : i32
    %dma_wait3A_58 = arith.constant 0 : i32
    %dma_wait3A_59 = tpu.memref_slice %arg8[%dma_wait3A, %dma_wait3A_53, %dma_wait3A_57, %dma_wait3A_58] : memref<4x4x8x129xf32, #tpu.memory_space<vmem>> -> memref<1x1x8x128xf32, #tpu.memory_space<vmem>>
    %dma_wait3A_60 = tpu.memref_squeeze %dma_wait3A_59 : memref<1x1x8x128xf32, #tpu.memory_space<vmem>> -> memref<8x128xf32, #tpu.memory_space<vmem>>
    %dma_wait3A_61 = arith.constant 0 : i32
    %dma_wait3A_62 = arith.constant 0 : i32
    %dma_wait3A_63 = tpu.memref_slice %arg4[%dma_wait3A_54, %dma_wait3A_55, %dma_wait3A_56, %dma_wait3A_61, %dma_wait3A_62] : memref<50x4x128x8x128xf32, #tpu.memory_space<hbm>> -> memref<1x1x1x8x128xf32, #tpu.memory_space<hbm>>
    %dma_wait3A_64 = tpu.memref_squeeze %dma_wait3A_63 : memref<1x1x1x8x128xf32, #tpu.memory_space<hbm>> -> memref<8x128xf32, #tpu.memory_space<hbm>>
    %dma_wait3A_65 = arith.constant 0 : i32
    %dma_wait3A_66 = arith.constant 0 : i32
    %dma_wait3A_67 = tpu.memref_slice %arg4[%dma_wait3A_54, %dma_wait3A_55, %dma_wait3A_56, %dma_wait3A_65, %dma_wait3A_66] : memref<50x4x128x8x128xf32, #tpu.memory_space<hbm>> -> memref<1x1x1x8x128xf32, #tpu.memory_space<hbm>>
    %dma_wait3A_68 = tpu.memref_squeeze %dma_wait3A_67 : memref<1x1x1x8x128xf32, #tpu.memory_space<hbm>> -> memref<8x128xf32, #tpu.memory_space<hbm>>
    %dma_wait3A_69 = arith.constant 0 : i32
    %dma_wait3A_70 = arith.constant 0 : i32
    %dma_wait3A_71 = tpu.memref_slice %arg8[%dma_wait3A, %dma_wait3A_53, %dma_wait3A_69, %dma_wait3A_70] : memref<4x4x8x129xf32, #tpu.memory_space<vmem>> -> memref<1x1x8x128xf32, #tpu.memory_space<vmem>>
    %dma_wait3A_72 = tpu.memref_squeeze %dma_wait3A_71 : memref<1x1x8x128xf32, #tpu.memory_space<vmem>> -> memref<8x128xf32, #tpu.memory_space<vmem>>
    tpu.wait_dma2 semaphore(%arg13 : memref<!tpu.dma_semaphore, #tpu.memory_space<semaphore_mem>>) src(%dma_wait3A_72 : memref<8x128xf32, #tpu.memory_space<vmem>>) dst(%dma_wait3A_68 : memref<8x128xf32, #tpu.memory_space<hbm>>)
    %dma_wait3A_73 = arith.constant 0 : i32
    %dma_wait3A_74 = arith.constant 1 : i32
    %dma_wait3A_75 = arith.constant 0 : i32
    %dma_wait3A_76 = arith.constant 0 : i32
    %dma_wait3A_77 = arith.constant 0 : i32
    %dma_wait3A_78 = arith.constant 0 : i32
    %dma_wait3A_79 = arith.constant 0 : i32
    %dma_wait3A_80 = tpu.memref_slice %arg8[%dma_wait3A_73, %dma_wait3A_74, %dma_wait3A_78, %dma_wait3A_79] : memref<4x4x8x129xf32, #tpu.memory_space<vmem>> -> memref<1x1x8x128xf32, #tpu.memory_space<vmem>>
    %dma_wait3A_81 = tpu.memref_squeeze %dma_wait3A_80 : memref<1x1x8x128xf32, #tpu.memory_space<vmem>> -> memref<8x128xf32, #tpu.memory_space<vmem>>
    %dma_wait3A_82 = arith.constant 0 : i32
    %dma_wait3A_83 = arith.constant 0 : i32
    %dma_wait3A_84 = tpu.memref_slice %arg4[%dma_wait3A_75, %dma_wait3A_76, %dma_wait3A_77, %dma_wait3A_82, %dma_wait3A_83] : memref<50x4x128x8x128xf32, #tpu.memory_space<hbm>> -> memref<1x1x1x8x128xf32, #tpu.memory_space<hbm>>
    %dma_wait3A_85 = tpu.memref_squeeze %dma_wait3A_84 : memref<1x1x1x8x128xf32, #tpu.memory_space<hbm>> -> memref<8x128xf32, #tpu.memory_space<hbm>>
    %dma_wait3A_86 = arith.constant 0 : i32
    %dma_wait3A_87 = arith.constant 0 : i32
    %dma_wait3A_88 = tpu.memref_slice %arg4[%dma_wait3A_75, %dma_wait3A_76, %dma_wait3A_77, %dma_wait3A_86, %dma_wait3A_87] : memref<50x4x128x8x128xf32, #tpu.memory_space<hbm>> -> memref<1x1x1x8x128xf32, #tpu.memory_space<hbm>>
    %dma_wait3A_89 = tpu.memref_squeeze %dma_wait3A_88 : memref<1x1x1x8x128xf32, #tpu.memory_space<hbm>> -> memref<8x128xf32, #tpu.memory_space<hbm>>
    %dma_wait3A_90 = arith.constant 0 : i32
    %dma_wait3A_91 = arith.constant 0 : i32
    %dma_wait3A_92 = tpu.memref_slice %arg8[%dma_wait3A_73, %dma_wait3A_74, %dma_wait3A_90, %dma_wait3A_91] : memref<4x4x8x129xf32, #tpu.memory_space<vmem>> -> memref<1x1x8x128xf32, #tpu.memory_space<vmem>>
    %dma_wait3A_93 = tpu.memref_squeeze %dma_wait3A_92 : memref<1x1x8x128xf32, #tpu.memory_space<vmem>> -> memref<8x128xf32, #tpu.memory_space<vmem>>
    tpu.wait_dma2 semaphore(%arg13 : memref<!tpu.dma_semaphore, #tpu.memory_space<semaphore_mem>>) src(%dma_wait3A_93 : memref<8x128xf32, #tpu.memory_space<vmem>>) dst(%dma_wait3A_89 : memref<8x128xf32, #tpu.memory_space<hbm>>)
    %dma_wait3A_94 = arith.constant 0 : i32
    %dma_wait3A_95 = arith.constant 2 : i32
    %dma_wait3A_96 = arith.constant 0 : i32
    %dma_wait3A_97 = arith.constant 0 : i32
    %dma_wait3A_98 = arith.constant 0 : i32
    %dma_wait3A_99 = arith.constant 0 : i32
    %dma_wait3A_100 = arith.constant 0 : i32
    %dma_wait3A_101 = tpu.memref_slice %arg8[%dma_wait3A_94, %dma_wait3A_95, %dma_wait3A_99, %dma_wait3A_100] : memref<4x4x8x129xf32, #tpu.memory_space<vmem>> -> memref<1x1x8x128xf32, #tpu.memory_space<vmem>>
    %dma_wait3A_102 = tpu.memref_squeeze %dma_wait3A_101 : memref<1x1x8x128xf32, #tpu.memory_space<vmem>> -> memref<8x128xf32, #tpu.memory_space<vmem>>
    %dma_wait3A_103 = arith.constant 0 : i32
    %dma_wait3A_104 = arith.constant 0 : i32
    %dma_wait3A_105 = tpu.memref_slice %arg4[%dma_wait3A_96, %dma_wait3A_97, %dma_wait3A_98, %dma_wait3A_103, %dma_wait3A_104] : memref<50x4x128x8x128xf32, #tpu.memory_space<hbm>> -> memref<1x1x1x8x128xf32, #tpu.memory_space<hbm>>
    %dma_wait3A_106 = tpu.memref_squeeze %dma_wait3A_105 : memref<1x1x1x8x128xf32, #tpu.memory_space<hbm>> -> memref<8x128xf32, #tpu.memory_space<hbm>>
    %dma_wait3A_107 = arith.constant 0 : i32
    %dma_wait3A_108 = arith.constant 0 : i32
    %dma_wait3A_109 = tpu.memref_slice %arg4[%dma_wait3A_96, %dma_wait3A_97, %dma_wait3A_98, %dma_wait3A_107, %dma_wait3A_108] : memref<50x4x128x8x128xf32, #tpu.memory_space<hbm>> -> memref<1x1x1x8x128xf32, #tpu.memory_space<hbm>>
    %dma_wait3A_110 = tpu.memref_squeeze %dma_wait3A_109 : memref<1x1x1x8x128xf32, #tpu.memory_space<hbm>> -> memref<8x128xf32, #tpu.memory_space<hbm>>
    %dma_wait3A_111 = arith.constant 0 : i32
    %dma_wait3A_112 = arith.constant 0 : i32
    %dma_wait3A_113 = tpu.memref_slice %arg8[%dma_wait3A_94, %dma_wait3A_95, %dma_wait3A_111, %dma_wait3A_112] : memref<4x4x8x129xf32, #tpu.memory_space<vmem>> -> memref<1x1x8x128xf32, #tpu.memory_space<vmem>>
    %dma_wait3A_114 = tpu.memref_squeeze %dma_wait3A_113 : memref<1x1x8x128xf32, #tpu.memory_space<vmem>> -> memref<8x128xf32, #tpu.memory_space<vmem>>
    tpu.wait_dma2 semaphore(%arg13 : memref<!tpu.dma_semaphore, #tpu.memory_space<semaphore_mem>>) src(%dma_wait3A_114 : memref<8x128xf32, #tpu.memory_space<vmem>>) dst(%dma_wait3A_110 : memref<8x128xf32, #tpu.memory_space<hbm>>)
    %dma_wait3A_115 = arith.constant 0 : i32
    %dma_wait3A_116 = arith.constant 3 : i32
    %dma_wait3A_117 = arith.constant 0 : i32
    %dma_wait3A_118 = arith.constant 0 : i32
    %dma_wait3A_119 = arith.constant 0 : i32
    %dma_wait3A_120 = arith.constant 0 : i32
    %dma_wait3A_121 = arith.constant 0 : i32
    %dma_wait3A_122 = tpu.memref_slice %arg8[%dma_wait3A_115, %dma_wait3A_116, %dma_wait3A_120, %dma_wait3A_121] : memref<4x4x8x129xf32, #tpu.memory_space<vmem>> -> memref<1x1x8x128xf32, #tpu.memory_space<vmem>>
    %dma_wait3A_123 = tpu.memref_squeeze %dma_wait3A_122 : memref<1x1x8x128xf32, #tpu.memory_space<vmem>> -> memref<8x128xf32, #tpu.memory_space<vmem>>
    %dma_wait3A_124 = arith.constant 0 : i32
    %dma_wait3A_125 = arith.constant 0 : i32
    %dma_wait3A_126 = tpu.memref_slice %arg4[%dma_wait3A_117, %dma_wait3A_118, %dma_wait3A_119, %dma_wait3A_124, %dma_wait3A_125] : memref<50x4x128x8x128xf32, #tpu.memory_space<hbm>> -> memref<1x1x1x8x128xf32, #tpu.memory_space<hbm>>
    %dma_wait3A_127 = tpu.memref_squeeze %dma_wait3A_126 : memref<1x1x1x8x128xf32, #tpu.memory_space<hbm>> -> memref<8x128xf32, #tpu.memory_space<hbm>>
    %dma_wait3A_128 = arith.constant 0 : i32
    %dma_wait3A_129 = arith.constant 0 : i32
    %dma_wait3A_130 = tpu.memref_slice %arg4[%dma_wait3A_117, %dma_wait3A_118, %dma_wait3A_119, %dma_wait3A_128, %dma_wait3A_129] : memref<50x4x128x8x128xf32, #tpu.memory_space<hbm>> -> memref<1x1x1x8x128xf32, #tpu.memory_space<hbm>>
    %dma_wait3A_131 = tpu.memref_squeeze %dma_wait3A_130 : memref<1x1x1x8x128xf32, #tpu.memory_space<hbm>> -> memref<8x128xf32, #tpu.memory_space<hbm>>
    %dma_wait3A_132 = arith.constant 0 : i32
    %dma_wait3A_133 = arith.constant 0 : i32
    %dma_wait3A_134 = tpu.memref_slice %arg8[%dma_wait3A_115, %dma_wait3A_116, %dma_wait3A_132, %dma_wait3A_133] : memref<4x4x8x129xf32, #tpu.memory_space<vmem>> -> memref<1x1x8x128xf32, #tpu.memory_space<vmem>>
    %dma_wait3A_135 = tpu.memref_squeeze %dma_wait3A_134 : memref<1x1x8x128xf32, #tpu.memory_space<vmem>> -> memref<8x128xf32, #tpu.memory_space<vmem>>
    tpu.wait_dma2 semaphore(%arg13 : memref<!tpu.dma_semaphore, #tpu.memory_space<semaphore_mem>>) src(%dma_wait3A_135 : memref<8x128xf32, #tpu.memory_space<vmem>>) dst(%dma_wait3A_131 : memref<8x128xf32, #tpu.memory_space<hbm>>)
    %dma_wait3A_136 = arith.constant 1 : i32
    %dma_wait3A_137 = arith.constant 0 : i32
    %dma_wait3A_138 = arith.constant 0 : i32
    %dma_wait3A_139 = arith.constant 0 : i32
    %dma_wait3A_140 = arith.constant 0 : i32
    %dma_wait3A_141 = arith.constant 0 : i32
    %dma_wait3A_142 = arith.constant 0 : i32
    %dma_wait3A_143 = tpu.memref_slice %arg8[%dma_wait3A_136, %dma_wait3A_137, %dma_wait3A_141, %dma_wait3A_142] : memref<4x4x8x129xf32, #tpu.memory_space<vmem>> -> memref<1x1x8x128xf32, #tpu.memory_space<vmem>>
    %dma_wait3A_144 = tpu.memref_squeeze %dma_wait3A_143 : memref<1x1x8x128xf32, #tpu.memory_space<vmem>> -> memref<8x128xf32, #tpu.memory_space<vmem>>
    %dma_wait3A_145 = arith.constant 0 : i32
    %dma_wait3A_146 = arith.constant 0 : i32
    %dma_wait3A_147 = tpu.memref_slice %arg4[%dma_wait3A_138, %dma_wait3A_139, %dma_wait3A_140, %dma_wait3A_145, %dma_wait3A_146] : memref<50x4x128x8x128xf32, #tpu.memory_space<hbm>> -> memref<1x1x1x8x128xf32, #tpu.memory_space<hbm>>
    %dma_wait3A_148 = tpu.memref_squeeze %dma_wait3A_147 : memref<1x1x1x8x128xf32, #tpu.memory_space<hbm>> -> memref<8x128xf32, #tpu.memory_space<hbm>>
    %dma_wait3A_149 = arith.constant 0 : i32
    %dma_wait3A_150 = arith.constant 0 : i32
    %dma_wait3A_151 = tpu.memref_slice %arg4[%dma_wait3A_138, %dma_wait3A_139, %dma_wait3A_140, %dma_wait3A_149, %dma_wait3A_150] : memref<50x4x128x8x128xf32, #tpu.memory_space<hbm>> -> memref<1x1x1x8x128xf32, #tpu.memory_space<hbm>>
    %dma_wait3A_152 = tpu.memref_squeeze %dma_wait3A_151 : memref<1x1x1x8x128xf32, #tpu.memory_space<hbm>> -> memref<8x128xf32, #tpu.memory_space<hbm>>
    %dma_wait3A_153 = arith.constant 0 : i32
    %dma_wait3A_154 = arith.constant 0 : i32
    %dma_wait3A_155 = tpu.memref_slice %arg8[%dma_wait3A_136, %dma_wait3A_137, %dma_wait3A_153, %dma_wait3A_154] : memref<4x4x8x129xf32, #tpu.memory_space<vmem>> -> memref<1x1x8x128xf32, #tpu.memory_space<vmem>>
    %dma_wait3A_156 = tpu.memref_squeeze %dma_wait3A_155 : memref<1x1x8x128xf32, #tpu.memory_space<vmem>> -> memref<8x128xf32, #tpu.memory_space<vmem>>
    tpu.wait_dma2 semaphore(%arg14 : memref<!tpu.dma_semaphore, #tpu.memory_space<semaphore_mem>>) src(%dma_wait3A_156 : memref<8x128xf32, #tpu.memory_space<vmem>>) dst(%dma_wait3A_152 : memref<8x128xf32, #tpu.memory_space<hbm>>)
    %dma_wait3A_157 = arith.constant 1 : i32
    %dma_wait3A_158 = arith.constant 1 : i32
    %dma_wait3A_159 = arith.constant 0 : i32
    %dma_wait3A_160 = arith.constant 0 : i32
    %dma_wait3A_161 = arith.constant 0 : i32
    %dma_wait3A_162 = arith.constant 0 : i32
    %dma_wait3A_163 = arith.constant 0 : i32
    %dma_wait3A_164 = tpu.memref_slice %arg8[%dma_wait3A_157, %dma_wait3A_158, %dma_wait3A_162, %dma_wait3A_163] : memref<4x4x8x129xf32, #tpu.memory_space<vmem>> -> memref<1x1x8x128xf32, #tpu.memory_space<vmem>>
    %dma_wait3A_165 = tpu.memref_squeeze %dma_wait3A_164 : memref<1x1x8x128xf32, #tpu.memory_space<vmem>> -> memref<8x128xf32, #tpu.memory_space<vmem>>
    %dma_wait3A_166 = arith.constant 0 : i32
    %dma_wait3A_167 = arith.constant 0 : i32
    %dma_wait3A_168 = tpu.memref_slice %arg4[%dma_wait3A_159, %dma_wait3A_160, %dma_wait3A_161, %dma_wait3A_166, %dma_wait3A_167] : memref<50x4x128x8x128xf32, #tpu.memory_space<hbm>> -> memref<1x1x1x8x128xf32, #tpu.memory_space<hbm>>
    %dma_wait3A_169 = tpu.memref_squeeze %dma_wait3A_168 : memref<1x1x1x8x128xf32, #tpu.memory_space<hbm>> -> memref<8x128xf32, #tpu.memory_space<hbm>>
    %dma_wait3A_170 = arith.constant 0 : i32
    %dma_wait3A_171 = arith.constant 0 : i32
    %dma_wait3A_172 = tpu.memref_slice %arg4[%dma_wait3A_159, %dma_wait3A_160, %dma_wait3A_161, %dma_wait3A_170, %dma_wait3A_171] : memref<50x4x128x8x128xf32, #tpu.memory_space<hbm>> -> memref<1x1x1x8x128xf32, #tpu.memory_space<hbm>>
    %dma_wait3A_173 = tpu.memref_squeeze %dma_wait3A_172 : memref<1x1x1x8x128xf32, #tpu.memory_space<hbm>> -> memref<8x128xf32, #tpu.memory_space<hbm>>
    %dma_wait3A_174 = arith.constant 0 : i32
    %dma_wait3A_175 = arith.constant 0 : i32
    %dma_wait3A_176 = tpu.memref_slice %arg8[%dma_wait3A_157, %dma_wait3A_158, %dma_wait3A_174, %dma_wait3A_175] : memref<4x4x8x129xf32, #tpu.memory_space<vmem>> -> memref<1x1x8x128xf32, #tpu.memory_space<vmem>>
    %dma_wait3A_177 = tpu.memref_squeeze %dma_wait3A_176 : memref<1x1x8x128xf32, #tpu.memory_space<vmem>> -> memref<8x128xf32, #tpu.memory_space<vmem>>
    tpu.wait_dma2 semaphore(%arg14 : memref<!tpu.dma_semaphore, #tpu.memory_space<semaphore_mem>>) src(%dma_wait3A_177 : memref<8x128xf32, #tpu.memory_space<vmem>>) dst(%dma_wait3A_173 : memref<8x128xf32, #tpu.memory_space<hbm>>)
    %dma_wait3A_178 = arith.constant 1 : i32
    %dma_wait3A_179 = arith.constant 2 : i32
    %dma_wait3A_180 = arith.constant 0 : i32
    %dma_wait3A_181 = arith.constant 0 : i32
    %dma_wait3A_182 = arith.constant 0 : i32
    %dma_wait3A_183 = arith.constant 0 : i32
    %dma_wait3A_184 = arith.constant 0 : i32
    %dma_wait3A_185 = tpu.memref_slice %arg8[%dma_wait3A_178, %dma_wait3A_179, %dma_wait3A_183, %dma_wait3A_184] : memref<4x4x8x129xf32, #tpu.memory_space<vmem>> -> memref<1x1x8x128xf32, #tpu.memory_space<vmem>>
    %dma_wait3A_186 = tpu.memref_squeeze %dma_wait3A_185 : memref<1x1x8x128xf32, #tpu.memory_space<vmem>> -> memref<8x128xf32, #tpu.memory_space<vmem>>
    %dma_wait3A_187 = arith.constant 0 : i32
    %dma_wait3A_188 = arith.constant 0 : i32
    %dma_wait3A_189 = tpu.memref_slice %arg4[%dma_wait3A_180, %dma_wait3A_181, %dma_wait3A_182, %dma_wait3A_187, %dma_wait3A_188] : memref<50x4x128x8x128xf32, #tpu.memory_space<hbm>> -> memref<1x1x1x8x128xf32, #tpu.memory_space<hbm>>
    %dma_wait3A_190 = tpu.memref_squeeze %dma_wait3A_189 : memref<1x1x1x8x128xf32, #tpu.memory_space<hbm>> -> memref<8x128xf32, #tpu.memory_space<hbm>>
    %dma_wait3A_191 = arith.constant 0 : i32
    %dma_wait3A_192 = arith.constant 0 : i32
    %dma_wait3A_193 = tpu.memref_slice %arg4[%dma_wait3A_180, %dma_wait3A_181, %dma_wait3A_182, %dma_wait3A_191, %dma_wait3A_192] : memref<50x4x128x8x128xf32, #tpu.memory_space<hbm>> -> memref<1x1x1x8x128xf32, #tpu.memory_space<hbm>>
    %dma_wait3A_194 = tpu.memref_squeeze %dma_wait3A_193 : memref<1x1x1x8x128xf32, #tpu.memory_space<hbm>> -> memref<8x128xf32, #tpu.memory_space<hbm>>
    %dma_wait3A_195 = arith.constant 0 : i32
    %dma_wait3A_196 = arith.constant 0 : i32
    %dma_wait3A_197 = tpu.memref_slice %arg8[%dma_wait3A_178, %dma_wait3A_179, %dma_wait3A_195, %dma_wait3A_196] : memref<4x4x8x129xf32, #tpu.memory_space<vmem>> -> memref<1x1x8x128xf32, #tpu.memory_space<vmem>>
    %dma_wait3A_198 = tpu.memref_squeeze %dma_wait3A_197 : memref<1x1x8x128xf32, #tpu.memory_space<vmem>> -> memref<8x128xf32, #tpu.memory_space<vmem>>
    tpu.wait_dma2 semaphore(%arg14 : memref<!tpu.dma_semaphore, #tpu.memory_space<semaphore_mem>>) src(%dma_wait3A_198 : memref<8x128xf32, #tpu.memory_space<vmem>>) dst(%dma_wait3A_194 : memref<8x128xf32, #tpu.memory_space<hbm>>)
    %dma_wait3A_199 = arith.constant 1 : i32
    %dma_wait3A_200 = arith.constant 3 : i32
    %dma_wait3A_201 = arith.constant 0 : i32
    %dma_wait3A_202 = arith.constant 0 : i32
    %dma_wait3A_203 = arith.constant 0 : i32
    %dma_wait3A_204 = arith.constant 0 : i32
    %dma_wait3A_205 = arith.constant 0 : i32
    %dma_wait3A_206 = tpu.memref_slice %arg8[%dma_wait3A_199, %dma_wait3A_200, %dma_wait3A_204, %dma_wait3A_205] : memref<4x4x8x129xf32, #tpu.memory_space<vmem>> -> memref<1x1x8x128xf32, #tpu.memory_space<vmem>>
    %dma_wait3A_207 = tpu.memref_squeeze %dma_wait3A_206 : memref<1x1x8x128xf32, #tpu.memory_space<vmem>> -> memref<8x128xf32, #tpu.memory_space<vmem>>
    %dma_wait3A_208 = arith.constant 0 : i32
    %dma_wait3A_209 = arith.constant 0 : i32
    %dma_wait3A_210 = tpu.memref_slice %arg4[%dma_wait3A_201, %dma_wait3A_202, %dma_wait3A_203, %dma_wait3A_208, %dma_wait3A_209] : memref<50x4x128x8x128xf32, #tpu.memory_space<hbm>> -> memref<1x1x1x8x128xf32, #tpu.memory_space<hbm>>
    %dma_wait3A_211 = tpu.memref_squeeze %dma_wait3A_210 : memref<1x1x1x8x128xf32, #tpu.memory_space<hbm>> -> memref<8x128xf32, #tpu.memory_space<hbm>>
    %dma_wait3A_212 = arith.constant 0 : i32
    %dma_wait3A_213 = arith.constant 0 : i32
    %dma_wait3A_214 = tpu.memref_slice %arg4[%dma_wait3A_201, %dma_wait3A_202, %dma_wait3A_203, %dma_wait3A_212, %dma_wait3A_213] : memref<50x4x128x8x128xf32, #tpu.memory_space<hbm>> -> memref<1x1x1x8x128xf32, #tpu.memory_space<hbm>>
    %dma_wait3A_215 = tpu.memref_squeeze %dma_wait3A_214 : memref<1x1x1x8x128xf32, #tpu.memory_space<hbm>> -> memref<8x128xf32, #tpu.memory_space<hbm>>
    %dma_wait3A_216 = arith.constant 0 : i32
    %dma_wait3A_217 = arith.constant 0 : i32
    %dma_wait3A_218 = tpu.memref_slice %arg8[%dma_wait3A_199, %dma_wait3A_200, %dma_wait3A_216, %dma_wait3A_217] : memref<4x4x8x129xf32, #tpu.memory_space<vmem>> -> memref<1x1x8x128xf32, #tpu.memory_space<vmem>>
    %dma_wait3A_219 = tpu.memref_squeeze %dma_wait3A_218 : memref<1x1x8x128xf32, #tpu.memory_space<vmem>> -> memref<8x128xf32, #tpu.memory_space<vmem>>
    tpu.wait_dma2 semaphore(%arg14 : memref<!tpu.dma_semaphore, #tpu.memory_space<semaphore_mem>>) src(%dma_wait3A_219 : memref<8x128xf32, #tpu.memory_space<vmem>>) dst(%dma_wait3A_215 : memref<8x128xf32, #tpu.memory_space<hbm>>)
    %dma_wait3A_220 = arith.constant 2 : i32
    %dma_wait3A_221 = arith.constant 0 : i32
    %dma_wait3A_222 = arith.constant 0 : i32
    %dma_wait3A_223 = arith.constant 0 : i32
    %dma_wait3A_224 = arith.constant 0 : i32
    %dma_wait3A_225 = arith.constant 0 : i32
    %dma_wait3A_226 = arith.constant 0 : i32
    %dma_wait3A_227 = tpu.memref_slice %arg8[%dma_wait3A_220, %dma_wait3A_221, %dma_wait3A_225, %dma_wait3A_226] : memref<4x4x8x129xf32, #tpu.memory_space<vmem>> -> memref<1x1x8x128xf32, #tpu.memory_space<vmem>>
    %dma_wait3A_228 = tpu.memref_squeeze %dma_wait3A_227 : memref<1x1x8x128xf32, #tpu.memory_space<vmem>> -> memref<8x128xf32, #tpu.memory_space<vmem>>
    %dma_wait3A_229 = arith.constant 0 : i32
    %dma_wait3A_230 = arith.constant 0 : i32
    %dma_wait3A_231 = tpu.memref_slice %arg4[%dma_wait3A_222, %dma_wait3A_223, %dma_wait3A_224, %dma_wait3A_229, %dma_wait3A_230] : memref<50x4x128x8x128xf32, #tpu.memory_space<hbm>> -> memref<1x1x1x8x128xf32, #tpu.memory_space<hbm>>
    %dma_wait3A_232 = tpu.memref_squeeze %dma_wait3A_231 : memref<1x1x1x8x128xf32, #tpu.memory_space<hbm>> -> memref<8x128xf32, #tpu.memory_space<hbm>>
    %dma_wait3A_233 = arith.constant 0 : i32
    %dma_wait3A_234 = arith.constant 0 : i32
    %dma_wait3A_235 = tpu.memref_slice %arg4[%dma_wait3A_222, %dma_wait3A_223, %dma_wait3A_224, %dma_wait3A_233, %dma_wait3A_234] : memref<50x4x128x8x128xf32, #tpu.memory_space<hbm>> -> memref<1x1x1x8x128xf32, #tpu.memory_space<hbm>>
    %dma_wait3A_236 = tpu.memref_squeeze %dma_wait3A_235 : memref<1x1x1x8x128xf32, #tpu.memory_space<hbm>> -> memref<8x128xf32, #tpu.memory_space<hbm>>
    %dma_wait3A_237 = arith.constant 0 : i32
    %dma_wait3A_238 = arith.constant 0 : i32
    %dma_wait3A_239 = tpu.memref_slice %arg8[%dma_wait3A_220, %dma_wait3A_221, %dma_wait3A_237, %dma_wait3A_238] : memref<4x4x8x129xf32, #tpu.memory_space<vmem>> -> memref<1x1x8x128xf32, #tpu.memory_space<vmem>>
    %dma_wait3A_240 = tpu.memref_squeeze %dma_wait3A_239 : memref<1x1x8x128xf32, #tpu.memory_space<vmem>> -> memref<8x128xf32, #tpu.memory_space<vmem>>
    tpu.wait_dma2 semaphore(%arg15 : memref<!tpu.dma_semaphore, #tpu.memory_space<semaphore_mem>>) src(%dma_wait3A_240 : memref<8x128xf32, #tpu.memory_space<vmem>>) dst(%dma_wait3A_236 : memref<8x128xf32, #tpu.memory_space<hbm>>)
    %dma_wait3A_241 = arith.constant 2 : i32
    %dma_wait3A_242 = arith.constant 1 : i32
    %dma_wait3A_243 = arith.constant 0 : i32
    %dma_wait3A_244 = arith.constant 0 : i32
    %dma_wait3A_245 = arith.constant 0 : i32
    %dma_wait3A_246 = arith.constant 0 : i32
    %dma_wait3A_247 = arith.constant 0 : i32
    %dma_wait3A_248 = tpu.memref_slice %arg8[%dma_wait3A_241, %dma_wait3A_242, %dma_wait3A_246, %dma_wait3A_247] : memref<4x4x8x129xf32, #tpu.memory_space<vmem>> -> memref<1x1x8x128xf32, #tpu.memory_space<vmem>>
    %dma_wait3A_249 = tpu.memref_squeeze %dma_wait3A_248 : memref<1x1x8x128xf32, #tpu.memory_space<vmem>> -> memref<8x128xf32, #tpu.memory_space<vmem>>
    %dma_wait3A_250 = arith.constant 0 : i32
    %dma_wait3A_251 = arith.constant 0 : i32
    %dma_wait3A_252 = tpu.memref_slice %arg4[%dma_wait3A_243, %dma_wait3A_244, %dma_wait3A_245, %dma_wait3A_250, %dma_wait3A_251] : memref<50x4x128x8x128xf32, #tpu.memory_space<hbm>> -> memref<1x1x1x8x128xf32, #tpu.memory_space<hbm>>
    %dma_wait3A_253 = tpu.memref_squeeze %dma_wait3A_252 : memref<1x1x1x8x128xf32, #tpu.memory_space<hbm>> -> memref<8x128xf32, #tpu.memory_space<hbm>>
    %dma_wait3A_254 = arith.constant 0 : i32
    %dma_wait3A_255 = arith.constant 0 : i32
    %dma_wait3A_256 = tpu.memref_slice %arg4[%dma_wait3A_243, %dma_wait3A_244, %dma_wait3A_245, %dma_wait3A_254, %dma_wait3A_255] : memref<50x4x128x8x128xf32, #tpu.memory_space<hbm>> -> memref<1x1x1x8x128xf32, #tpu.memory_space<hbm>>
    %dma_wait3A_257 = tpu.memref_squeeze %dma_wait3A_256 : memref<1x1x1x8x128xf32, #tpu.memory_space<hbm>> -> memref<8x128xf32, #tpu.memory_space<hbm>>
    %dma_wait3A_258 = arith.constant 0 : i32
    %dma_wait3A_259 = arith.constant 0 : i32
    %dma_wait3A_260 = tpu.memref_slice %arg8[%dma_wait3A_241, %dma_wait3A_242, %dma_wait3A_258, %dma_wait3A_259] : memref<4x4x8x129xf32, #tpu.memory_space<vmem>> -> memref<1x1x8x128xf32, #tpu.memory_space<vmem>>
    %dma_wait3A_261 = tpu.memref_squeeze %dma_wait3A_260 : memref<1x1x8x128xf32, #tpu.memory_space<vmem>> -> memref<8x128xf32, #tpu.memory_space<vmem>>
    tpu.wait_dma2 semaphore(%arg15 : memref<!tpu.dma_semaphore, #tpu.memory_space<semaphore_mem>>) src(%dma_wait3A_261 : memref<8x128xf32, #tpu.memory_space<vmem>>) dst(%dma_wait3A_257 : memref<8x128xf32, #tpu.memory_space<hbm>>)
    %dma_wait3A_262 = arith.constant 2 : i32
    %dma_wait3A_263 = arith.constant 2 : i32
    %dma_wait3A_264 = arith.constant 0 : i32
    %dma_wait3A_265 = arith.constant 0 : i32
    %dma_wait3A_266 = arith.constant 0 : i32
    %dma_wait3A_267 = arith.constant 0 : i32
    %dma_wait3A_268 = arith.constant 0 : i32
    %dma_wait3A_269 = tpu.memref_slice %arg8[%dma_wait3A_262, %dma_wait3A_263, %dma_wait3A_267, %dma_wait3A_268] : memref<4x4x8x129xf32, #tpu.memory_space<vmem>> -> memref<1x1x8x128xf32, #tpu.memory_space<vmem>>
    %dma_wait3A_270 = tpu.memref_squeeze %dma_wait3A_269 : memref<1x1x8x128xf32, #tpu.memory_space<vmem>> -> memref<8x128xf32, #tpu.memory_space<vmem>>
    %dma_wait3A_271 = arith.constant 0 : i32
    %dma_wait3A_272 = arith.constant 0 : i32
    %dma_wait3A_273 = tpu.memref_slice %arg4[%dma_wait3A_264, %dma_wait3A_265, %dma_wait3A_266, %dma_wait3A_271, %dma_wait3A_272] : memref<50x4x128x8x128xf32, #tpu.memory_space<hbm>> -> memref<1x1x1x8x128xf32, #tpu.memory_space<hbm>>
    %dma_wait3A_274 = tpu.memref_squeeze %dma_wait3A_273 : memref<1x1x1x8x128xf32, #tpu.memory_space<hbm>> -> memref<8x128xf32, #tpu.memory_space<hbm>>
    %dma_wait3A_275 = arith.constant 0 : i32
    %dma_wait3A_276 = arith.constant 0 : i32
    %dma_wait3A_277 = tpu.memref_slice %arg4[%dma_wait3A_264, %dma_wait3A_265, %dma_wait3A_266, %dma_wait3A_275, %dma_wait3A_276] : memref<50x4x128x8x128xf32, #tpu.memory_space<hbm>> -> memref<1x1x1x8x128xf32, #tpu.memory_space<hbm>>
    %dma_wait3A_278 = tpu.memref_squeeze %dma_wait3A_277 : memref<1x1x1x8x128xf32, #tpu.memory_space<hbm>> -> memref<8x128xf32, #tpu.memory_space<hbm>>
    %dma_wait3A_279 = arith.constant 0 : i32
    %dma_wait3A_280 = arith.constant 0 : i32
    %dma_wait3A_281 = tpu.memref_slice %arg8[%dma_wait3A_262, %dma_wait3A_263, %dma_wait3A_279, %dma_wait3A_280] : memref<4x4x8x129xf32, #tpu.memory_space<vmem>> -> memref<1x1x8x128xf32, #tpu.memory_space<vmem>>
    %dma_wait3A_282 = tpu.memref_squeeze %dma_wait3A_281 : memref<1x1x8x128xf32, #tpu.memory_space<vmem>> -> memref<8x128xf32, #tpu.memory_space<vmem>>
    tpu.wait_dma2 semaphore(%arg15 : memref<!tpu.dma_semaphore, #tpu.memory_space<semaphore_mem>>) src(%dma_wait3A_282 : memref<8x128xf32, #tpu.memory_space<vmem>>) dst(%dma_wait3A_278 : memref<8x128xf32, #tpu.memory_space<hbm>>)
    %dma_wait3A_283 = arith.constant 2 : i32
    %dma_wait3A_284 = arith.constant 3 : i32
    %dma_wait3A_285 = arith.constant 0 : i32
    %dma_wait3A_286 = arith.constant 0 : i32
    %dma_wait3A_287 = arith.constant 0 : i32
    %dma_wait3A_288 = arith.constant 0 : i32
    %dma_wait3A_289 = arith.constant 0 : i32
    %dma_wait3A_290 = tpu.memref_slice %arg8[%dma_wait3A_283, %dma_wait3A_284, %dma_wait3A_288, %dma_wait3A_289] : memref<4x4x8x129xf32, #tpu.memory_space<vmem>> -> memref<1x1x8x128xf32, #tpu.memory_space<vmem>>
    %dma_wait3A_291 = tpu.memref_squeeze %dma_wait3A_290 : memref<1x1x8x128xf32, #tpu.memory_space<vmem>> -> memref<8x128xf32, #tpu.memory_space<vmem>>
    %dma_wait3A_292 = arith.constant 0 : i32
    %dma_wait3A_293 = arith.constant 0 : i32
    %dma_wait3A_294 = tpu.memref_slice %arg4[%dma_wait3A_285, %dma_wait3A_286, %dma_wait3A_287, %dma_wait3A_292, %dma_wait3A_293] : memref<50x4x128x8x128xf32, #tpu.memory_space<hbm>> -> memref<1x1x1x8x128xf32, #tpu.memory_space<hbm>>
    %dma_wait3A_295 = tpu.memref_squeeze %dma_wait3A_294 : memref<1x1x1x8x128xf32, #tpu.memory_space<hbm>> -> memref<8x128xf32, #tpu.memory_space<hbm>>
    %dma_wait3A_296 = arith.constant 0 : i32
    %dma_wait3A_297 = arith.constant 0 : i32
    %dma_wait3A_298 = tpu.memref_slice %arg4[%dma_wait3A_285, %dma_wait3A_286, %dma_wait3A_287, %dma_wait3A_296, %dma_wait3A_297] : memref<50x4x128x8x128xf32, #tpu.memory_space<hbm>> -> memref<1x1x1x8x128xf32, #tpu.memory_space<hbm>>
    %dma_wait3A_299 = tpu.memref_squeeze %dma_wait3A_298 : memref<1x1x1x8x128xf32, #tpu.memory_space<hbm>> -> memref<8x128xf32, #tpu.memory_space<hbm>>
    %dma_wait3A_300 = arith.constant 0 : i32
    %dma_wait3A_301 = arith.constant 0 : i32
    %dma_wait3A_302 = tpu.memref_slice %arg8[%dma_wait3A_283, %dma_wait3A_284, %dma_wait3A_300, %dma_wait3A_301] : memref<4x4x8x129xf32, #tpu.memory_space<vmem>> -> memref<1x1x8x128xf32, #tpu.memory_space<vmem>>
    %dma_wait3A_303 = tpu.memref_squeeze %dma_wait3A_302 : memref<1x1x8x128xf32, #tpu.memory_space<vmem>> -> memref<8x128xf32, #tpu.memory_space<vmem>>
    tpu.wait_dma2 semaphore(%arg15 : memref<!tpu.dma_semaphore, #tpu.memory_space<semaphore_mem>>) src(%dma_wait3A_303 : memref<8x128xf32, #tpu.memory_space<vmem>>) dst(%dma_wait3A_299 : memref<8x128xf32, #tpu.memory_space<hbm>>)
    %dma_wait3A_304 = arith.constant 3 : i32
    %dma_wait3A_305 = arith.constant 0 : i32
    %dma_wait3A_306 = arith.constant 0 : i32
    %dma_wait3A_307 = arith.constant 0 : i32
    %dma_wait3A_308 = arith.constant 0 : i32
    %dma_wait3A_309 = arith.constant 0 : i32
    %dma_wait3A_310 = arith.constant 0 : i32
    %dma_wait3A_311 = tpu.memref_slice %arg8[%dma_wait3A_304, %dma_wait3A_305, %dma_wait3A_309, %dma_wait3A_310] : memref<4x4x8x129xf32, #tpu.memory_space<vmem>> -> memref<1x1x8x128xf32, #tpu.memory_space<vmem>>
    %dma_wait3A_312 = tpu.memref_squeeze %dma_wait3A_311 : memref<1x1x8x128xf32, #tpu.memory_space<vmem>> -> memref<8x128xf32, #tpu.memory_space<vmem>>
    %dma_wait3A_313 = arith.constant 0 : i32
    %dma_wait3A_314 = arith.constant 0 : i32
    %dma_wait3A_315 = tpu.memref_slice %arg4[%dma_wait3A_306, %dma_wait3A_307, %dma_wait3A_308, %dma_wait3A_313, %dma_wait3A_314] : memref<50x4x128x8x128xf32, #tpu.memory_space<hbm>> -> memref<1x1x1x8x128xf32, #tpu.memory_space<hbm>>
    %dma_wait3A_316 = tpu.memref_squeeze %dma_wait3A_315 : memref<1x1x1x8x128xf32, #tpu.memory_space<hbm>> -> memref<8x128xf32, #tpu.memory_space<hbm>>
    %dma_wait3A_317 = arith.constant 0 : i32
    %dma_wait3A_318 = arith.constant 0 : i32
    %dma_wait3A_319 = tpu.memref_slice %arg4[%dma_wait3A_306, %dma_wait3A_307, %dma_wait3A_308, %dma_wait3A_317, %dma_wait3A_318] : memref<50x4x128x8x128xf32, #tpu.memory_space<hbm>> -> memref<1x1x1x8x128xf32, #tpu.memory_space<hbm>>
    %dma_wait3A_320 = tpu.memref_squeeze %dma_wait3A_319 : memref<1x1x1x8x128xf32, #tpu.memory_space<hbm>> -> memref<8x128xf32, #tpu.memory_space<hbm>>
    %dma_wait3A_321 = arith.constant 0 : i32
    %dma_wait3A_322 = arith.constant 0 : i32
    %dma_wait3A_323 = tpu.memref_slice %arg8[%dma_wait3A_304, %dma_wait3A_305, %dma_wait3A_321, %dma_wait3A_322] : memref<4x4x8x129xf32, #tpu.memory_space<vmem>> -> memref<1x1x8x128xf32, #tpu.memory_space<vmem>>
    %dma_wait3A_324 = tpu.memref_squeeze %dma_wait3A_323 : memref<1x1x8x128xf32, #tpu.memory_space<vmem>> -> memref<8x128xf32, #tpu.memory_space<vmem>>
    tpu.wait_dma2 semaphore(%arg16 : memref<!tpu.dma_semaphore, #tpu.memory_space<semaphore_mem>>) src(%dma_wait3A_324 : memref<8x128xf32, #tpu.memory_space<vmem>>) dst(%dma_wait3A_320 : memref<8x128xf32, #tpu.memory_space<hbm>>)
    %dma_wait3A_325 = arith.constant 3 : i32
    %dma_wait3A_326 = arith.constant 1 : i32
    %dma_wait3A_327 = arith.constant 0 : i32
    %dma_wait3A_328 = arith.constant 0 : i32
    %dma_wait3A_329 = arith.constant 0 : i32
    %dma_wait3A_330 = arith.constant 0 : i32
    %dma_wait3A_331 = arith.constant 0 : i32
    %dma_wait3A_332 = tpu.memref_slice %arg8[%dma_wait3A_325, %dma_wait3A_326, %dma_wait3A_330, %dma_wait3A_331] : memref<4x4x8x129xf32, #tpu.memory_space<vmem>> -> memref<1x1x8x128xf32, #tpu.memory_space<vmem>>
    %dma_wait3A_333 = tpu.memref_squeeze %dma_wait3A_332 : memref<1x1x8x128xf32, #tpu.memory_space<vmem>> -> memref<8x128xf32, #tpu.memory_space<vmem>>
    %dma_wait3A_334 = arith.constant 0 : i32
    %dma_wait3A_335 = arith.constant 0 : i32
    %dma_wait3A_336 = tpu.memref_slice %arg4[%dma_wait3A_327, %dma_wait3A_328, %dma_wait3A_329, %dma_wait3A_334, %dma_wait3A_335] : memref<50x4x128x8x128xf32, #tpu.memory_space<hbm>> -> memref<1x1x1x8x128xf32, #tpu.memory_space<hbm>>
    %dma_wait3A_337 = tpu.memref_squeeze %dma_wait3A_336 : memref<1x1x1x8x128xf32, #tpu.memory_space<hbm>> -> memref<8x128xf32, #tpu.memory_space<hbm>>
    %dma_wait3A_338 = arith.constant 0 : i32
    %dma_wait3A_339 = arith.constant 0 : i32
    %dma_wait3A_340 = tpu.memref_slice %arg4[%dma_wait3A_327, %dma_wait3A_328, %dma_wait3A_329, %dma_wait3A_338, %dma_wait3A_339] : memref<50x4x128x8x128xf32, #tpu.memory_space<hbm>> -> memref<1x1x1x8x128xf32, #tpu.memory_space<hbm>>
    %dma_wait3A_341 = tpu.memref_squeeze %dma_wait3A_340 : memref<1x1x1x8x128xf32, #tpu.memory_space<hbm>> -> memref<8x128xf32, #tpu.memory_space<hbm>>
    %dma_wait3A_342 = arith.constant 0 : i32
    %dma_wait3A_343 = arith.constant 0 : i32
    %dma_wait3A_344 = tpu.memref_slice %arg8[%dma_wait3A_325, %dma_wait3A_326, %dma_wait3A_342, %dma_wait3A_343] : memref<4x4x8x129xf32, #tpu.memory_space<vmem>> -> memref<1x1x8x128xf32, #tpu.memory_space<vmem>>
    %dma_wait3A_345 = tpu.memref_squeeze %dma_wait3A_344 : memref<1x1x8x128xf32, #tpu.memory_space<vmem>> -> memref<8x128xf32, #tpu.memory_space<vmem>>
    tpu.wait_dma2 semaphore(%arg16 : memref<!tpu.dma_semaphore, #tpu.memory_space<semaphore_mem>>) src(%dma_wait3A_345 : memref<8x128xf32, #tpu.memory_space<vmem>>) dst(%dma_wait3A_341 : memref<8x128xf32, #tpu.memory_space<hbm>>)
    %dma_wait3A_346 = arith.constant 3 : i32
    %dma_wait3A_347 = arith.constant 2 : i32
    %dma_wait3A_348 = arith.constant 0 : i32
    %dma_wait3A_349 = arith.constant 0 : i32
    %dma_wait3A_350 = arith.constant 0 : i32
    %dma_wait3A_351 = arith.constant 0 : i32
    %dma_wait3A_352 = arith.constant 0 : i32
    %dma_wait3A_353 = tpu.memref_slice %arg8[%dma_wait3A_346, %dma_wait3A_347, %dma_wait3A_351, %dma_wait3A_352] : memref<4x4x8x129xf32, #tpu.memory_space<vmem>> -> memref<1x1x8x128xf32, #tpu.memory_space<vmem>>
    %dma_wait3A_354 = tpu.memref_squeeze %dma_wait3A_353 : memref<1x1x8x128xf32, #tpu.memory_space<vmem>> -> memref<8x128xf32, #tpu.memory_space<vmem>>
    %dma_wait3A_355 = arith.constant 0 : i32
    %dma_wait3A_356 = arith.constant 0 : i32
    %dma_wait3A_357 = tpu.memref_slice %arg4[%dma_wait3A_348, %dma_wait3A_349, %dma_wait3A_350, %dma_wait3A_355, %dma_wait3A_356] : memref<50x4x128x8x128xf32, #tpu.memory_space<hbm>> -> memref<1x1x1x8x128xf32, #tpu.memory_space<hbm>>
    %dma_wait3A_358 = tpu.memref_squeeze %dma_wait3A_357 : memref<1x1x1x8x128xf32, #tpu.memory_space<hbm>> -> memref<8x128xf32, #tpu.memory_space<hbm>>
    %dma_wait3A_359 = arith.constant 0 : i32
    %dma_wait3A_360 = arith.constant 0 : i32
    %dma_wait3A_361 = tpu.memref_slice %arg4[%dma_wait3A_348, %dma_wait3A_349, %dma_wait3A_350, %dma_wait3A_359, %dma_wait3A_360] : memref<50x4x128x8x128xf32, #tpu.memory_space<hbm>> -> memref<1x1x1x8x128xf32, #tpu.memory_space<hbm>>
    %dma_wait3A_362 = tpu.memref_squeeze %dma_wait3A_361 : memref<1x1x1x8x128xf32, #tpu.memory_space<hbm>> -> memref<8x128xf32, #tpu.memory_space<hbm>>
    %dma_wait3A_363 = arith.constant 0 : i32
    %dma_wait3A_364 = arith.constant 0 : i32
    %dma_wait3A_365 = tpu.memref_slice %arg8[%dma_wait3A_346, %dma_wait3A_347, %dma_wait3A_363, %dma_wait3A_364] : memref<4x4x8x129xf32, #tpu.memory_space<vmem>> -> memref<1x1x8x128xf32, #tpu.memory_space<vmem>>
    %dma_wait3A_366 = tpu.memref_squeeze %dma_wait3A_365 : memref<1x1x8x128xf32, #tpu.memory_space<vmem>> -> memref<8x128xf32, #tpu.memory_space<vmem>>
    tpu.wait_dma2 semaphore(%arg16 : memref<!tpu.dma_semaphore, #tpu.memory_space<semaphore_mem>>) src(%dma_wait3A_366 : memref<8x128xf32, #tpu.memory_space<vmem>>) dst(%dma_wait3A_362 : memref<8x128xf32, #tpu.memory_space<hbm>>)
    %dma_wait3A_367 = arith.constant 3 : i32
    %dma_wait3A_368 = arith.constant 3 : i32
    %dma_wait3A_369 = arith.constant 0 : i32
    %dma_wait3A_370 = arith.constant 0 : i32
    %dma_wait3A_371 = arith.constant 0 : i32
    %dma_wait3A_372 = arith.constant 0 : i32
    %dma_wait3A_373 = arith.constant 0 : i32
    %dma_wait3A_374 = tpu.memref_slice %arg8[%dma_wait3A_367, %dma_wait3A_368, %dma_wait3A_372, %dma_wait3A_373] : memref<4x4x8x129xf32, #tpu.memory_space<vmem>> -> memref<1x1x8x128xf32, #tpu.memory_space<vmem>>
    %dma_wait3A_375 = tpu.memref_squeeze %dma_wait3A_374 : memref<1x1x8x128xf32, #tpu.memory_space<vmem>> -> memref<8x128xf32, #tpu.memory_space<vmem>>
    %dma_wait3A_376 = arith.constant 0 : i32
    %dma_wait3A_377 = arith.constant 0 : i32
    %dma_wait3A_378 = tpu.memref_slice %arg4[%dma_wait3A_369, %dma_wait3A_370, %dma_wait3A_371, %dma_wait3A_376, %dma_wait3A_377] : memref<50x4x128x8x128xf32, #tpu.memory_space<hbm>> -> memref<1x1x1x8x128xf32, #tpu.memory_space<hbm>>
    %dma_wait3A_379 = tpu.memref_squeeze %dma_wait3A_378 : memref<1x1x1x8x128xf32, #tpu.memory_space<hbm>> -> memref<8x128xf32, #tpu.memory_space<hbm>>
    %dma_wait3A_380 = arith.constant 0 : i32
    %dma_wait3A_381 = arith.constant 0 : i32
    %dma_wait3A_382 = tpu.memref_slice %arg4[%dma_wait3A_369, %dma_wait3A_370, %dma_wait3A_371, %dma_wait3A_380, %dma_wait3A_381] : memref<50x4x128x8x128xf32, #tpu.memory_space<hbm>> -> memref<1x1x1x8x128xf32, #tpu.memory_space<hbm>>
    %dma_wait3A_383 = tpu.memref_squeeze %dma_wait3A_382 : memref<1x1x1x8x128xf32, #tpu.memory_space<hbm>> -> memref<8x128xf32, #tpu.memory_space<hbm>>
    %dma_wait3A_384 = arith.constant 0 : i32
    %dma_wait3A_385 = arith.constant 0 : i32
    %dma_wait3A_386 = tpu.memref_slice %arg8[%dma_wait3A_367, %dma_wait3A_368, %dma_wait3A_384, %dma_wait3A_385] : memref<4x4x8x129xf32, #tpu.memory_space<vmem>> -> memref<1x1x8x128xf32, #tpu.memory_space<vmem>>
    %dma_wait3A_387 = tpu.memref_squeeze %dma_wait3A_386 : memref<1x1x8x128xf32, #tpu.memory_space<vmem>> -> memref<8x128xf32, #tpu.memory_space<vmem>>
    tpu.wait_dma2 semaphore(%arg16 : memref<!tpu.dma_semaphore, #tpu.memory_space<semaphore_mem>>) src(%dma_wait3A_387 : memref<8x128xf32, #tpu.memory_space<vmem>>) dst(%dma_wait3A_383 : memref<8x128xf32, #tpu.memory_space<hbm>>)
    return
  }
}

</mosaic_0001>

<sc_bundles>
// kernel: kernel.3.cloned.1.call-start
scs
__scs_entry_jumppad:
0x0: {  	(pc) =	sbr.rel $0x88, $3  }
0x1: {  	(tag) =	ssettag $0x0;
	lr =	simm.s32 $0x1  }
0x2: {  	[smem:$0x3F9F] =	sst lr;
	_ =	strace $0xD0000000  }
0x3: {  	_ = 	snop  }
0x4: {  	_ = 	snop  }
0x5: {  	_ = 	snop  }
0x6: {  	_ = 	snop  }
0x7: {  	_ = 	snop  }
__scs_overlays_trampoline_lowered:
0x8: {  	[smem:$0x3FAE] =	sst s0  }
0x9: {  	[smem:$0x3FAF] =	sst s1  }
0xa: {  	[smem:$0x3FB0] =	sst s2  }
0xb: {  	[smem:$0x3FB1] =	sst s3  }
0xc: {  	[smem:$0x3FB2] =	sst s4  }
0xd: {  	[smem:$0x3FB3] =	sst s5  }
0xe: {  	[smem:$0x3FB4] =	sst s6  }
0xf: {  	[smem:$0x3FB5] =	sst s7  }
0x10: {  	[smem:$0x3FB6] =	sst s8  }
0x11: {  	[smem:$0x3FB7] =	sst s9;
	s0 =	simm.s32 @!p0 $0x0  }
0x12: {  	s1 =	sld [smem:$0x3F9D];
	s0 =	simm.s32 @p0 $0x1  }
0x13: {  	[smem:$0x3FB8] =	sst s0;
	s0 =	simm.s32 @!p1 $0x0  }
0x14: {  	s2 =	sld [smem:$0x3F9C];
	s0 =	simm.s32 @p1 $0x1  }
0x15: {  	[smem:$0x3FB9] =	sst s0;
	s0 =	simm.s32 @!p2 $0x0  }
0x16: {  	s3 =	sld [smem:$0x3FDB];
	s0 =	simm.s32 @p2 $0x1  }
0x17: {  	s4 =	simm.s32 $0x1BF5;
	[smem:$0x3FBB] =	sst s0  }
0x18: {  	s0 =	sld [smem:$0x3F9E];
	_ =	swait.ge [sflag:s4], $0x0  }
0x19: {  	s7 =	sld [smem:$0x3F9F]  }
0x1a: {  	s8 =	sadd.s32 $0xFFFFE003, lr  }
0x1b: {  	s9 =	sadd.s32 $0xFFFFFEF7, lr;
	s5 =	simm.s32 $0xFFFFFFFF;
	p2 =	slt.u32 s8, $0xFFFFF086  }
0x1c: {  	p1 =	slt.u32 s9, $0xF7A;
	s5 =	simm.s32 @!p2 $0x0  }
0x1d: {  	s5 =	simm.s32 @p1 $0x1;
	p0 =	seq.s32 s7, s2  }
0x1e: {  	s7 =	smul.u32 @!p0 $0xF7A, s2;
	p2 =	seq.s32 @!p0 s5, $0x0  }
0x1f: {  	s9 =	smul.u32 $0xF7A, s1;
	s8 =	simm.s32 @!p0 $0x1BF5;
	p2 =	por !p2, p0  }
0x20: {  	[sflag:s8] =	ssyncset.s32 @!p0 $0xFFFFF086;
	s6 =	sadd.s32 @!p0 s3, s7;
	s7 =	simm.s32 @!p0 $0x108  }
0x21: {  	s3 =	sadd.s32 s3, s9;
	s6 =	sadd.s32 @!p0 $0x88, s6;
	s7 =	simm.s32 @p2 $0x1082  }
0x22: {  	[simem:s7], [sflag:s8] =	dma.local @!p0 [hbm:s6], $0xF7A  }
0x23: {  	s9 =	sor.u32 $0xD0000000, s2;
	s6 =	simm.s32 $0x108;
	_ =	swait.ge @!p0 [sflag:s8], $0x0  }
0x24: {  	s3 =	sadd.s32 $0x88, s3;
	s6 =	simm.s32 @!p1 $0x1082;
	[sflag:s4] =	ssyncset.s32 $0xFFFFF086  }
0x25: {  	[simem:s6], [sflag:s4] =	dma.local [hbm:s3], $0xF7A  }
0x26: {  	[smem:$0x3F9F] =	sst s1;
	(tag) =	ssettag s2;
	_ =	strace s9  }
0x27: {  	s1 =	sld [smem:$0x3FAF]  }
0x28: {  	s2 =	sld [smem:$0x3FB0]  }
0x29: {  	s4 =	sld [smem:$0x3FB2]  }
0x2a: {  	p0 =	seq.s32 s5, $0x0;
	s5 =	sld [smem:$0x3FB3]  }
0x2b: {  	s6 =	sld [smem:$0x3FB4]  }
0x2c: {  	s7 =	sld [smem:$0x3FB5]  }
0x2d: {  	s3 =	simm.s32 $0x108;
	s8 =	sld [smem:$0x3FB6]  }
0x2e: {  	s3 =	simm.s32 @!p0 $0x1082;
	s9 =	sld [smem:$0x3FB7]  }
0x2f: {  	lr =	sadd.s32 s0, s3;
	s0 =	sld [smem:$0x3FAE]  }
0x30: {  	s3 =	sld [smem:$0x3FB1]  }
0x31: {  	[smem:$0x3FBA] =	sst s10  }
0x32: {  	s10 =	sld [smem:$0x3FB8];
	_ =	sdelay $0x3  }
0x33: {  	p0 =	seq.s32 s10, $0x1;
	s10 =	sld [smem:$0x3FBA];
	_ =	sdelay $0x3  }
0x34: {  	[smem:$0x3FBA] =	sst s10  }
0x35: {  	s10 =	sld [smem:$0x3FB9];
	_ =	sdelay $0x3  }
0x36: {  	p1 =	seq.s32 s10, $0x1;
	s10 =	sld [smem:$0x3FBA];
	_ =	sdelay $0x3  }
0x37: {  	[smem:$0x3FBA] =	sst s10  }
0x38: {  	s10 =	sld [smem:$0x3FBB]  }
0x39: {  	_ = 	snop;
	(pc) =	sbr.ind lr, $3  }
0x3a: {  	_ = 	snop  }
0x3b: {  	_ = 	snop  }
0x3c: {  	p2 =	seq.s32 s10, $0x1;
	s10 =	sld [smem:$0x3FBA]  }
0x3d: {  	_ =	shalt  }
0x3e: {  	_ =	shalt  }
0x3f: {  	_ =	shalt  }
0x40: {  	_ =	shalt  }
0x41: {  	_ =	shalt  }
0x42: {  	_ =	shalt  }
0x43: {  	_ =	shalt  }
0x44: {  	_ =	shalt  }
0x45: {  	_ =	shalt  }
0x46: {  	_ =	shalt  }
0x47: {  	_ =	shalt  }
0x48: {  	_ =	shalt  }
0x49: {  	_ =	shalt  }
0x4a: {  	_ =	shalt  }
0x4b: {  	_ =	shalt  }
0x4c: {  	_ =	shalt  }
0x4d: {  	_ =	shalt  }
0x4e: {  	_ =	shalt  }
0x4f: {  	_ =	shalt  }
0x50: {  	_ =	shalt  }
0x51: {  	_ =	shalt  }
0x52: {  	_ =	shalt  }
0x53: {  	_ =	shalt  }
0x54: {  	_ =	shalt  }
0x55: {  	_ =	shalt  }
0x56: {  	_ =	shalt  }
0x57: {  	_ =	shalt  }
0x58: {  	_ =	shalt  }
0x59: {  	_ =	shalt  }
0x5a: {  	_ =	shalt  }
0x5b: {  	_ =	shalt  }
0x5c: {  	_ =	shalt  }
0x5d: {  	_ =	shalt  }
0x5e: {  	_ =	shalt  }
0x5f: {  	_ =	shalt  }
0x60: {  	_ =	shalt  }
0x61: {  	_ =	shalt  }
0x62: {  	_ =	shalt  }
0x63: {  	_ =	shalt  }
0x64: {  	_ =	shalt  }
0x65: {  	_ =	shalt  }
0x66: {  	_ =	shalt  }
0x67: {  	_ =	shalt  }
0x68: {  	_ =	shalt  }
0x69: {  	_ =	shalt  }
0x6a: {  	_ =	shalt  }
0x6b: {  	_ =	shalt  }
0x6c: {  	_ =	shalt  }
0x6d: {  	_ =	shalt  }
0x6e: {  	_ =	shalt  }
0x6f: {  	_ =	shalt  }
0x70: {  	_ =	shalt  }
0x71: {  	_ =	shalt  }
0x72: {  	_ =	shalt  }
0x73: {  	_ =	shalt  }
0x74: {  	_ =	shalt  }
0x75: {  	_ =	shalt  }
0x76: {  	_ =	shalt  }
0x77: {  	_ =	shalt  }
0x78: {  	_ =	shalt  }
0x79: {  	_ =	shalt  }
0x7a: {  	_ =	shalt  }
0x7b: {  	_ =	shalt  }
0x7c: {  	_ =	shalt  }
0x7d: {  	_ =	shalt  }
0x7e: {  	_ =	shalt  }
0x7f: {  	_ =	shalt  }
0x80: {  	_ =	shalt  }
0x81: {  	_ =	shalt  }
0x82: {  	_ =	shalt  }
0x83: {  	_ =	shalt  }
0x84: {  	_ =	shalt  }
0x85: {  	_ =	shalt  }
0x86: {  	_ =	shalt  }
0x87: {  	_ =	shalt  }
.Lfunc_end0:
.L_simem_size_0:
called_computation_lowered:
.L_overlay_start_0:
0x88: {  	s2 =	sld [smem:$0x3FD9]  }
0x89: {  	s3 =	sld [smem:$0x3FFE];
	_ =	sdelay $0x1  }
0x8a: {  	s1 =	srdreg.scid  }
0x8b: {  	s0 =	sand.u32 $0x1, s1  }
0x8c: {  	s17 =	sshll.u32 s0, $0xA;
	s2 =	sadd.s32 s3, s2  }
0x8d: {  	s2 =	sadd.s32 s2, s17  }
0x8e: {  	[smem:$0x3FC6] =	sst s2  }
0x8f: {  	_ = 	snop  }
0x90: {  	s2 =	sld [smem:$0x3FD0];
	(tm) =	ssettm $0x1  }
0x91: {  	s18 =	sld [smem:$0x3FFB];
	_ =	sdelay $0x3  }
0x92: {  	_ =	strace s18  }
0x93: {  	s3 =	sld [smem:$0x3FFC];
	_ =	sdelay $0x3  }
0x94: {  	_ =	strace s3  }
0x95: {  	s3 =	sld [smem:$0x3FFD];
	_ =	sdelay $0x3  }
0x96: {  	_ =	strace s3  }
0x97: {  	_ =	strace $0x8FFFFFFF  }
0x98: {  	s19 =	sld [smem:$0x3FDB];
	_ =	sdelay $0x1  }
0x99: {  	s4 =	simm.s32 $_scs_section_size  }
0x9a: {  	s5 =	simm.s32 $_size__tile_overlayer_lowered;
	s6 =	simm.s32 $_tile_overlayer_lowered  }
0x9b: {  	s22 =	simm.s32 $0x1BFF;
	s21 =	sshll.u32 s6, $0x1;
	s3 =	sadd.s32 s4, s19  }
0x9c: {  	s7 =	simm.s32 $0x0;
	s20 =	sshll.u32 s5, $0x1;
	s5 =	sadd.s32 s21, s3  }
0x9d: {  	[timem:s7], [sflag:s22] =	dma.local [hbm:s5], s20  }
0x9e: {  	_ =	swait.ge [sflag:s22], s20  }
0x9f: {  	s4 =	ssub.s32 $0x0, s20;
	[sflag:s22] =	ssyncset.done $0x0  }
0xa0: {  	[sflag:s22] =	ssyncadd.s32 s4;
	_ =	sdelay $0x1  }
0xa1: {  	s23 =	simm.s32 $0x1B8B  }
0xa2: {  	_ =	swait.ge [sflag:s23], $0x1  }
0xa3: {  	[sflag:s23] =	ssyncset.done $0x0  }
0xa4: {  	s25 =	simm.s32 $0x1B8E;
	s24 =	sld [smem:$0x3FFE];
	[sflag:s23] =	ssyncadd.s32 $0xFFFFFFFF  }
0xa5: {  	s26 =	simm.s32 $execute0_lowered;
	[smem:$0x3FD2] =	sst s25  }
0xa6: {  	s5 =	sshll.u32 s26, $0x1;
	_ =	strace $0x80000046;
	[dreg:$0x1] =	wrdreg $0xFFFFFFFF  }
0xa7: {  	s28 =	simm.s32 $_size_execute0_lowered;
	s3 =	sadd.s32 s3, s5;
	[dreg:$0x0] =	wrdreg $0x0  }
0xa8: {  	s5 =	sshll.u32 s28, $0x1;
	[dreg:$0x2] =	wrdreg s3  }
0xa9: {  	[dreg:$0x3] =	wrdreg s5  }
0xaa: {  	[dreg:$0x4] =	wrdreg $0xC0  }
0xab: {  	_ =	task [dreg:s7], $0x5FFFF  }
0xac: {  	[dreg:$0x1] =	wrdreg $0xFFFFFFFF  }
0xad: {  	[dreg:$0x0] =	wrdreg $0x60  }
0xae: {  	[dreg:$0x2] =	wrdreg s24  }
0xaf: {  	[dreg:$0x3] =	wrdreg s2  }
0xb0: {  	[dreg:$0x4] =	wrdreg $0x9  }
0xb1: {  	_ =	task.clear_ibuf [dreg:s7], $0x5FFFF;
	_ =	strace $0x90000046  }
0xb2: {  	s29 =	simm.s32 $0x9;
	_ =	strace $0x80000048  }
0xb3: {  	_ =	swait.ge [sflag:s29], $0x1  }
0xb4: {  	[sflag:s29] =	ssyncadd.s32 $0xFFFFFFFF  }
0xb5: {  	_ =	strace $0x90000048  }
0xb6: {  	_ =	sfence  }
0xb7: {  	s30 =	sld [smem:$0x0];
	_ =	sdelay $0x2  }
0xb8: {  	s31 =	sshll.u32 s1, $0xD;
	s1 =	sshrl.u32 s1, $0x2  }
0xb9: {  	s3 =	sand.u32 $0x4000, s31;
	s1 =	sadd.s32 s1, s30  }
0xba: {  	s0 =	sor.u32 s3, s0;
	s1 =	sshll.u32 s1, $0x11  }
0xbb: {  	s0 =	sor.u32 s1, s0  }
0xbc: {  	s0 =	sadd.s32 $0x8F2B, s0  }
0xbd: {  	[sflag:s0] =	ssyncadd.remote.s32 $0x1  }
0xbe: {  	_ =	sfence.sel $0xFFFF  }
0xbf: {  	[dreg:$0x0] =	wrdreg $0xFFFFFFFF;
	(pc) =	sbr.abs _section_cstart, $3  }
0xc0: {  	[dreg:$0x1] =	wrdreg $0xFFFFFFFF  }
0xc1: {  	_ =	task.clear_ibuf [dreg:s7], $0x2FFFF;
	_ =	strace $0x9FFFFFFF  }
0xc2: {  	(tm) =	ssettm $0x7FFFFFFF  }
0xc3: {  	_ =	shalt  }
tec
execute0_lowered:
.L_overlay_start_1:
0x0: {  	(tag) =	ssettag $0x1  }
0x1: {  	s0 =	rddreg [dreg:$0x0]  }
0x2: {  	s2 =	rddreg [dreg:$0x1]  }
0x3: {  	s1 =	srdreg.scid;
	s4 =	stileid.u32  }
0x4: {  	s3 =	simm.s32 $0x0;
	s12 =	simm.s32 $0x8000;
	s13 =	simm.s32 $0x80  }
0x5: {  	s20 =	simm.s32 $0x1;
	s21 =	simm.s32 $0x14200;
	s14 =	simm.s32 $0x2  }
0x6: {  	s15 =	simm.s32 $0x15300;
	s29 =	simm.s32 $0x3;
	s30 =	simm.s32 $0x16400  }
0x7: {  	s28 =	simm.s32 $0x4;
	s31 =	simm.s32 $0x17500;
	s24 =	simm.s32 $0x182D0  }
0x8: {  	s16 =	simm.s32 $0x18578;
	s11 =	simm.s32 $0x0;
	s1 =	sand.u32 $0x1, s1  }
0x9: {  	s4 =	sshll.u32 s4, $0xD;
	[smem:$0x7FF] =	sst s3;
	s8 =	sadd.s32 $0x8000, s2  }
0xa: {  	s9 =	sadd.s32 $0xC000, s2;
	s5 =	sshll.u32 s1, $0xC;
	s1 =	ssub.s32 $0x2, s1  }
0xb: {  	v1 =	vlaneseq.u32;
	_ =	strace $0x80000047;
	s4 =	sor.u32 s5, s4;
	s7 =	sshrl.u32 s1, $0x1  }
0xc: {  	v0 =	vmul.u32 $0x208, v1;
	s5 =	sadd.s32 $0xF42A00, s0;
	s6 =	sadd.s32 s4, s0;
	s25 =	ssub.s32 s1, s7  }
0xd: {  	v1 =	vmul.u32 $0x88, v1;
	s7 =	sadd.s32 $0x4000, s2;
	s1 =	simm.s32 $0x184F0;
	s26 =	sadd.s32 $0x600, s6  }
0xe: {  	v2 =	vadd.s32 $0x2080, v0;
	s0 =	smax.u32 s25, $0x1;
	s25 =	simm.s32 $0x18358;
	[dreg:$0x3] =	wrdreg s26  }
0xf: {  	v3 =	vadd.s32 $0x4100, v0;
	v4 =	vadd.s32 $0x6180, v0;
	v5 =	vadd.s32 $0x880, v1;
	[dreg:$0x4] =	wrdreg s0;
	s26 =	simm.s32 $0x183E0;
	s0 =	simm.s32 $0x18468  }
.LBB2_1:
0x10: {  	[dreg:$0x5] =	wrdreg s11  }
0x11: {  	s6 =	rddreg [dreg:$0x3];
	s10 =	simm.s32 $0x9  }
0x12: {  	[tilespmem:s3], [sflag:$0x9] =	stream.linear.gather [hbm4b:s6+s3], $0x8000, $0x38;
	[tilespmem:$0x18600] =	vst v63  }
0x13: {  	s23 =	simm.s32 $0x3;
	_ =	swait.ge [sflag:s10], $0x8000  }
0x14: {  	v6 =	vmov s23;
	[sflag:s10] =	ssyncset.done $0x0  }
0x15: {  	s11 =	simm.s32 $0x1;
	v7 =	vand.u32 $0x1FF, v6;
	v6 =	vmov s3;
	[sflag:s10] =	ssyncadd.s32 $0xFFFF8000  }
0x16: {  	v10 =	vadd.s32 v0, v7;
	v8 =	vand.u32 $0x1FC, v6;
	v6 =	vmov s11;
	v9 =	vld [tilespmem:s13+$0x40]  }
0x17: {  	v12 =	vadd.s32 v0, v8;
	v13 =	vand.u32 $0x1FD, v6;
	v11 =	vld [tilespmem:s13+$0xFFFFFF80]  }
0x18: {  	s17 =	simm.s32 $0x2;
	v6 =	vld [tilespmem:s13+$0xFFFFFFC0];
	v14 =	vadd.s32 v0, v13  }
0x19: {  	v15 =	vmov s17  }
0x1a: {  	v15 =	vand.u32 $0x1FE, v15  }
0x1b: {  	v17 =	vadd.s32 v0, v15;
	v16 =	vld [tilespmem:s13+$0x0];
	[tilespmem:v10+s12+$0x0] =	vst.idx.msk $0xffff, v9  }
0x1c: {  	v10 =	vadd.s32 v2, v7;
	[tilespmem:v12+s12+$0x0] =	vst.idx.msk $0xffff, v11;
	v9 =	vld [tilespmem:s13+$0x50]  }
0x1d: {  	v12 =	vadd.s32 v2, v8;
	[tilespmem:v14+s12+$0x0] =	vst.idx.msk $0xffff, v6;
	v11 =	vld [tilespmem:s13+$0xFFFFFF90]  }
0x1e: {  	v14 =	vadd.s32 v2, v13;
	v6 =	vld [tilespmem:s13+$0xFFFFFFD0];
	_ =	sdelay $0x1  }
0x1f: {  	[tilespmem:v17+s12+$0x0] =	vst.idx.msk $0xffff, v16  }
0x20: {  	v18 =	vadd.s32 v2, v15;
	v17 =	vld [tilespmem:s13+$0x10];
	[tilespmem:v10+s12+$0x0] =	vst.idx.msk $0xffff, v9  }
0x21: {  	s18 =	simm.s32 $0x7;
	v16 =	vadd.s32 v3, v7;
	[tilespmem:v12+s12+$0x0] =	vst.idx.msk $0xffff, v11;
	v9 =	vld [tilespmem:s13+$0x60]  }
0x22: {  	v12 =	vadd.s32 v3, v8;
	v10 =	vmov s18;
	[tilespmem:v14+s12+$0x0] =	vst.idx.msk $0xffff, v6;
	v11 =	vld [tilespmem:s13+$0xFFFFFFA0]  }
0x23: {  	s6 =	simm.s32 $0x180;
	v19 =	vadd.s32 v3, v13;
	v10 =	vand.u32 $0x1FF, v10;
	v14 =	vld [tilespmem:s13+$0xFFFFFFE0]  }
0x24: {  	s19 =	simm.s32 $0x4;
	v20 =	vld [tilespmem:s6+$0x40];
	v21 =	vadd.s32 v0, v10  }
0x25: {  	s22 =	simm.s32 $0x5;
	v6 =	vmov s19;
	[tilespmem:v18+s12+$0x0] =	vst.idx.msk $0xffff, v17  }
0x26: {  	v24 =	vmov s22;
	v6 =	vand.u32 $0x1FC, v6;
	[tilespmem:v16+s12+$0x0] =	vst.idx.msk $0xffff, v9  }
0x27: {  	s23 =	simm.s32 $0x6;
	v22 =	vld [tilespmem:s6+$0xFFFFFF80];
	v23 =	vadd.s32 v0, v6;
	v9 =	vand.u32 $0x1FD, v24;
	[tilespmem:v12+s12+$0x0] =	vst.idx.msk $0xffff, v11  }
0x28: {  	v16 =	vmov s23;
	v11 =	vld [tilespmem:s6+$0xFFFFFFC0];
	[tilespmem:v19+s12+$0x0] =	vst.idx.msk $0xffff, v14;
	v12 =	vadd.s32 v0, v9  }
0x29: {  	v18 =	vadd.s32 v4, v7;
	v14 =	vld [tilespmem:s13+$0x20];
	v7 =	vand.u32 $0x1FE, v16;
	[tilespmem:v21+s12+$0x0] =	vst.idx.msk $0xffff, v20;
	v20 =	vadd.s32 v3, v15  }
0x2a: {  	v16 =	vld [tilespmem:s6+$0x0];
	v63 =	vadd.s32 v0, v7  }
0x2b: {  	v17 =	vld [tilespmem:s13+$0x70]  }
0x2c: {  	[tilespmem:v23+s12+$0x0] =	vst.idx.msk $0xffff, v22;
	v22 =	vadd.s32 v2, v10;
	v21 =	vld [tilespmem:s6+$0x50]  }
0x2d: {  	v25 =	vadd.s32 v2, v6;
	v23 =	vld [tilespmem:s6+$0xFFFFFF90];
	[tilespmem:v12+s12+$0x0] =	vst.idx.msk $0xffff, v11  }
0x2e: {  	v27 =	vadd.s32 v4, v13;
	v26 =	vld [tilespmem:s13+$0xFFFFFFF0];
	[tilespmem:v20+s12+$0x0] =	vst.idx.msk $0xffff, v14  }
0x2f: {  	v20 =	vadd.s32 v2, v9;
	v19 =	vld [tilespmem:s6+$0xFFFFFFD0];
	[tilespmem:v63+s12+$0x0] =	vst.idx.msk $0xffff, v16  }
0x30: {  	[tilespmem:v18+s12+$0x0] =	vst.idx.msk $0xffff, v17;
	v18 =	vadd.s32 v2, v7;
	v16 =	vld [tilespmem:s6+$0x10]  }
0x31: {  	v17 =	vadd.s32 v4, v15;
	[tilespmem:v22+s12+$0x0] =	vst.idx.msk $0xffff, v21;
	v13 =	vld [tilespmem:s13+$0x30]  }
0x32: {  	s17 =	simm.s32 $0xC;
	v14 =	vadd.s32 v3, v10;
	[tilespmem:v25+s12+$0x0] =	vst.idx.msk $0xffff, v23;
	v11 =	vld [tilespmem:s6+$0x60]  }
0x33: {  	s11 =	simm.s32 $0xB;
	s10 =	simm.s32 $0x8;
	s18 =	simm.s32 $0x80;
	v15 =	vadd.s32 v3, v6;
	[tilespmem:v27+s12+$0x0] =	vst.idx.msk $0xffff, v26;
	v12 =	vld [tilespmem:s6+$0xFFFFFFA0]  }
.LBB2_2:
0x34: {  	p0 =	slt.u32 s17, $0x1FC;
	v21 =	vmov s11;
	[tilespmem:v20+s12+$0x0] =	vst.idx.msk $0xffff, v19;
	v19 =	vld [tilespmem:s18+$0xFFFFFFB0];
	v20 =	vadd.s32 v4, v8;
	v8 =	vmov v6;
	s18 =	smov.u32 s6  }
0x35: {  	v6 =	vmov s10;
	v23 =	vadd.s32 v3, v9;
	s6 =	sadd.s32 $0x100, s6;
	v21 =	vand.u32 $0x1FF, v21;
	v22 =	vld [tilespmem:s18+$0xFFFFFFE0];
	[tilespmem:v18+s12+$0x0] =	vst.idx.msk $0xffff, v16  }
0x36: {  	s11 =	sadd.s32 $0x1, s10;
	v6 =	vand.u32 $0x1FC, v6;
	v16 =	vld [tilespmem:s6+$0x40];
	v18 =	vadd.s32 v0, v21;
	[tilespmem:v17+s12+$0x0] =	vst.idx.msk $0xffff, v13  }
0x37: {  	v24 =	vmov s11;
	s11 =	sadd.s32 $0x2, s10;
	s10 =	smov.u32 s17;
	v17 =	vadd.s32 v0, v6;
	v13 =	vld [tilespmem:s6+$0xFFFFFF80];
	[tilespmem:v14+s12+$0x0] =	vst.idx.msk $0xffff, v11  }
0x38: {  	v11 =	vand.u32 $0x1FD, v24;
	v14 =	vmov s11;
	[tilespmem:v15+s12+$0x0] =	vst.idx.msk $0xffff, v12;
	v12 =	vld [tilespmem:s18+$0x70];
	v15 =	vadd.s32 v4, v10;
	v10 =	vmovc v21  }
0x39: {  	v24 =	vadd.s32 v0, v11;
	v14 =	vand.u32 $0x1FE, v14;
	v21 =	vld [tilespmem:s6+$0xFFFFFFC0];
	[tilespmem:v20+s12+$0x0] =	vst.idx.msk $0xffff, v19  }
0x3a: {  	v26 =	vadd.s32 v0, v14;
	v25 =	vld [tilespmem:s6+$0x0];
	[tilespmem:v23+s12+$0x0] =	vst.idx.msk $0xffff, v22  }
0x3b: {  	v23 =	vadd.s32 v3, v7;
	[tilespmem:v18+s12+$0x0] =	vst.idx.msk $0xffff, v16;
	v22 =	vld [tilespmem:s18+$0x20]  }
0x3c: {  	[tilespmem:v17+s12+$0x0] =	vst.idx.msk $0xffff, v13;
	v13 =	vld [tilespmem:s6+$0x50];
	v17 =	vadd.s32 v2, v10  }
0x3d: {  	v28 =	vadd.s32 v2, v6;
	v27 =	vld [tilespmem:s6+$0xFFFFFF90];
	[tilespmem:v15+s12+$0x0] =	vst.idx.msk $0xffff, v12  }
0x3e: {  	[tilespmem:v24+s12+$0x0] =	vst.idx.msk $0xffff, v21;
	v21 =	vld [tilespmem:s18+$0xFFFFFFF0];
	v24 =	vadd.s32 v4, v9;
	v9 =	vmov v11  }
.Ltmp0:
0x3f: {  	v19 =	vld [tilespmem:s6+$0xFFFFFFD0];
	v20 =	vadd.s32 v2, v9;
	[tilespmem:v26+s12+$0x0] =	vst.idx.msk $0xffff, v25;
	(pc) =	sbr.rel @p0 .LBB2_2-.Ltmp0, $4  }
0x40: {  	v18 =	vadd.s32 v2, v14;
	v16 =	vld [tilespmem:s6+$0x10];
	[tilespmem:v23+s12+$0x0] =	vst.idx.msk $0xffff, v22  }
0x41: {  	[tilespmem:v17+s12+$0x0] =	vst.idx.msk $0xffff, v13;
	v13 =	vld [tilespmem:s18+$0x30];
	v17 =	vadd.s32 v4, v7;
	v7 =	vmov v14  }
0x42: {  	v14 =	vadd.s32 v3, v10;
	[tilespmem:v28+s12+$0x0] =	vst.idx.msk $0xffff, v27;
	v11 =	vld [tilespmem:s6+$0x60]  }
0x43: {  	s17 =	sadd.s32 $0x4, s17;
	s11 =	sadd.s32 $0x3, s10;
	v15 =	vadd.s32 v3, v6;
	v12 =	vld [tilespmem:s6+$0xFFFFFFA0];
	[tilespmem:v24+s12+$0x0] =	vst.idx.msk $0xffff, v21  }
0x44: {  	_ =	sdelay $0x2  }
0x45: {  	v21 =	vmov s11  }
0x46: {  	s22 =	sadd.s32 $0x1, s10;
	[tilespmem:v20+s12+$0x0] =	vst.idx.msk $0xffff, v19;
	v30 =	vld [tilespmem:s18+$0xFFFFFFB0];
	v8 =	vadd.s32 v4, v8;
	s17 =	sadd.s32 $0x100, s6;
	v23 =	vmov s10;
	v31 =	vand.u32 $0x1FF, v21  }
0x47: {  	s23 =	sadd.s32 $0x2, s10;
	v32 =	vmov s22;
	[tilespmem:v18+s12+$0x0] =	vst.idx.msk $0xffff, v16;
	v33 =	vld [tilespmem:s17+$0x40];
	v23 =	vand.u32 $0x1FC, v23;
	v34 =	vadd.s32 v0, v31  }
0x48: {  	v22 =	vmov s23;
	v24 =	vld [tilespmem:s17+$0xFFFFFF80];
	v21 =	vand.u32 $0x1FD, v32;
	[tilespmem:v17+s12+$0x0] =	vst.idx.msk $0xffff, v13;
	v39 =	vadd.s32 v0, v23  }
0x49: {  	v35 =	vld [tilespmem:s17+$0xFFFFFFC0];
	v22 =	vand.u32 $0x1FE, v22;
	v36 =	vadd.s32 v0, v21;
	[tilespmem:v14+s12+$0x0] =	vst.idx.msk $0xffff, v11  }
0x4a: {  	v37 =	vld [tilespmem:s17+$0x0];
	v38 =	vadd.s32 v0, v22;
	[tilespmem:v15+s12+$0x0] =	vst.idx.msk $0xffff, v12  }
0x4b: {  	v41 =	vadd.s32 v3, v9;
	v40 =	vld [tilespmem:s6+$0xFFFFFFE0];
	[tilespmem:v8+s12+$0x0] =	vst.idx.msk $0xffff, v30  }
0x4c: {  	v49 =	vadd.s32 v3, v7;
	v48 =	vld [tilespmem:s6+$0x20];
	[tilespmem:v34+s12+$0x0] =	vst.idx.msk $0xffff, v33  }
0x4d: {  	v43 =	vadd.s32 v2, v31;
	[tilespmem:v39+s12+$0x0] =	vst.idx.msk $0xffff, v24;
	v16 =	vld [tilespmem:s17+$0x50]  }
0x4e: {  	v47 =	vadd.s32 v2, v23;
	[tilespmem:v36+s12+$0x0] =	vst.idx.msk $0xffff, v35;
	v46 =	vld [tilespmem:s17+$0xFFFFFF90]  }
0x4f: {  	v44 =	vadd.s32 v2, v21;
	[tilespmem:v38+s12+$0x0] =	vst.idx.msk $0xffff, v37;
	v13 =	vld [tilespmem:s17+$0xFFFFFFD0]  }
0x50: {  	v45 =	vadd.s32 v2, v22;
	[tilespmem:v41+s12+$0x0] =	vst.idx.msk $0xffff, v40;
	v11 =	vld [tilespmem:s17+$0x10]  }
0x51: {  	v10 =	vadd.s32 v4, v10;
	v42 =	vld [tilespmem:s6+$0x70];
	[tilespmem:v49+s12+$0x0] =	vst.idx.msk $0xffff, v48  }
0x52: {  	v7 =	vadd.s32 v4, v7;
	v15 =	vld [tilespmem:s6+$0x30];
	[tilespmem:v43+s12+$0x0] =	vst.idx.msk $0xffff, v16  }
0x53: {  	v52 =	vadd.s32 v3, v31;
	[tilespmem:v47+s12+$0x0] =	vst.idx.msk $0xffff, v46;
	v16 =	vld [tilespmem:s17+$0x60]  }
0x54: {  	v57 =	vadd.s32 v3, v23;
	[tilespmem:v44+s12+$0x0] =	vst.idx.msk $0xffff, v13;
	v56 =	vld [tilespmem:s17+$0xFFFFFFA0]  }
0x55: {  	v53 =	vadd.s32 v3, v21;
	[tilespmem:v45+s12+$0x0] =	vst.idx.msk $0xffff, v11;
	v13 =	vld [tilespmem:s17+$0xFFFFFFE0]  }
0x56: {  	v55 =	vadd.s32 v3, v22;
	[tilespmem:v10+s12+$0x0] =	vst.idx.msk $0xffff, v42;
	v54 =	vld [tilespmem:s17+$0x20]  }
0x57: {  	v6 =	vadd.s32 v4, v6;
	v58 =	vld [tilespmem:s6+$0xFFFFFFB0];
	[tilespmem:v7+s12+$0x0] =	vst.idx.msk $0xffff, v15  }
0x58: {  	v51 =	vadd.s32 v4, v9;
	v50 =	vld [tilespmem:s6+$0xFFFFFFF0];
	[tilespmem:v52+s12+$0x0] =	vst.idx.msk $0xffff, v16  }
0x59: {  	v60 =	vadd.s32 v4, v31;
	[tilespmem:v57+s12+$0x0] =	vst.idx.msk $0xffff, v56;
	v59 =	vld [tilespmem:s17+$0x70]  }
0x5a: {  	v63 =	vadd.s32 v4, v23;
	[tilespmem:v53+s12+$0x0] =	vst.idx.msk $0xffff, v13;
	v7 =	vld [tilespmem:s17+$0xFFFFFFB0]  }
0x5b: {  	v61 =	vadd.s32 v4, v21;
	[tilespmem:v55+s12+$0x0] =	vst.idx.msk $0xffff, v54;
	v13 =	vld [tilespmem:s17+$0xFFFFFFF0]  }
0x5c: {  	v62 =	vadd.s32 v4, v22;
	[tilespmem:v6+s12+$0x0] =	vst.idx.msk $0xffff, v58;
	v8 =	vld [tilespmem:s17+$0x30]  }
0x5d: {  	[tilespmem:v51+s12+$0x0] =	vst.idx.msk $0xffff, v50  }
0x5e: {  	[tilespmem:v60+s12+$0x0] =	vst.idx.msk $0xffff, v59  }
0x5f: {  	[tilespmem:v63+s12+$0x0] =	vst.idx.msk $0xffff, v7  }
0x60: {  	[tilespmem:v61+s12+$0x0] =	vst.idx.msk $0xffff, v13  }
0x61: {  	s17 =	simm.s32 $0x10200;
	[tilespmem:v62+s12+$0x0] =	vst.idx.msk $0xffff, v8  }
0x62: {  	[tilespmem:s17], [sflag:$0x1] =	stream.indirect.gather [hbm4b:s5+s13], $0x20, s12, s13, $0xb8;
	[tilespmem:$0x18600] =	vst v63  }
0x63: {  	s18 =	simm.s32 $0x8080;
	s19 =	simm.s32 $0x11200;
	s22 =	simm.s32 $0x8100  }
0x64: {  	[tilespmem:s19], [sflag:$0x2] =	stream.indirect.gather [hbm4b:s5+s13], $0x20, s18, s13, $0xb8;
	[tilespmem:$0x18600] =	vst v63  }
0x65: {  	s23 =	simm.s32 $0x12200;
	s6 =	simm.s32 $0x0;
	s17 =	simm.s32 $0x0  }
0x66: {  	[tilespmem:s23], [sflag:$0x3] =	stream.indirect.gather [hbm4b:s5+s13], $0x20, s22, s13, $0xb8;
	[tilespmem:$0x18600] =	vst v63  }
.LBB2_4:
0x67: {  	p0 =	seq.s32 s6, $0x0  }
0x68: {  	s10 =	simm.s32 @!p0 $0x8  }
0x69: {  	_ =	swait.ge @!p0 [sflag:s10], $0x400  }
0x6a: {  	[sflag:s10] =	ssyncset.done @!p0 $0x0  }
0x6b: {  	[sflag:s10] =	ssyncadd.s32 @!p0 $0xFFFFFC00  }
0x6c: {  	_ =	swait.ge @!p0 [sflag:s10], $0x400  }
0x6d: {  	[sflag:s10] =	ssyncset.done @!p0 $0x0  }
0x6e: {  	[sflag:s10] =	ssyncadd.s32 @!p0 $0xFFFFFC00  }
0x6f: {  	_ =	swait.ge @!p0 [sflag:s10], $0x400  }
0x70: {  	[sflag:s10] =	ssyncset.done @!p0 $0x0  }
0x71: {  	s11 =	smul.u32 $0x820, s6;
	[sflag:s10] =	ssyncadd.s32 @!p0 $0xFFFFFC00  }
0x72: {  	_ =	swait.ge @!p0 [sflag:s10], $0x400  }
0x73: {  	s11 =	sshra.s32 s11, $0x2;
	[sflag:s10] =	ssyncset.done @!p0 $0x0  }
0x74: {  	s19 =	simm.s32 $0x13200;
	s18 =	sadd.s32 $0x8180, s11;
	[sflag:s10] =	ssyncadd.s32 @!p0 $0xFFFFFC00  }
0x75: {  	[tilespmem:s19], [sflag:$0x4] =	stream.indirect.gather [hbm4b:s5+s13], $0x20, s18, s13, $0xb8;
	[tilespmem:$0x18600] =	vst v63  }
0x76: {  	_ =	swait.ge [sflag:s20], $0x1000  }
0x77: {  	[sflag:s20] =	ssyncset.done $0x0  }
0x78: {  	s18 =	simm.s32 $0x10220;
	[sflag:s20] =	ssyncadd.s32 $0xFFFFF000  }
0x79: {  	v6 =	vmov s17;
	s22 =	simm.s32 $0x1;
	v7 =	vld [tilespmem:s18+$0xFFFFFFE0]  }
0x7a: {  	v10 =	vand.u32 $0x7E, v6;
	v6 =	vmov s22;
	v8 =	vld [tilespmem:s18+$0x0]  }
0x7b: {  	v9 =	vadd.s32 v1, v10;
	v13 =	vand.u32 $0x7F, v6  }
0x7c: {  	v14 =	vadd.s32 v1, v13;
	_ =	sdelay $0x1  }
0x7d: {  	s23 =	simm.s32 $0x2;
	s10 =	simm.s32 $0x10260;
	v7 =	vmul.f32 $1.000000000e+01, v7  }
0x7e: {  	v6 =	vmov s23;
	s19 =	simm.s32 $0x3;
	v15 =	vld [tilespmem:s10+$0xFFFFFFE0];
	v16 =	vmul.f32 $1.000000000e+01, v8  }
0x7f: {  	v6 =	vand.u32 $0x7E, v6;
	v11 =	vld [tilespmem:s10+$0x0];
	v8 =	vmov s19;
	[tilespmem:v9+s21+$0x0] =	vst.idx.msk $0xffff, v7  }
0x80: {  	v12 =	vadd.s32 v1, v6;
	v7 =	vand.u32 $0x7F, v8;
	[tilespmem:v14+s21+$0x0] =	vst.idx.msk $0xffff, v16;
	v8 =	vld [tilespmem:s18+$0xFFFFFFF0]  }
0x81: {  	v14 =	vadd.s32 v1, v7;
	v9 =	vld [tilespmem:s18+$0x10]  }
0x82: {  	v10 =	vadd.s32 v5, v10  }
0x83: {  	s11 =	simm.s32 $0x4;
	v13 =	vadd.s32 v5, v13;
	v15 =	vmul.f32 $1.000000000e+01, v15;
	s18 =	simm.s32 $0x102A0  }
.LBB2_5:
0x84: {  	v16 =	vmov s11;
	v17 =	vld [tilespmem:s18+$0xFFFFFFE0];
	s19 =	sadd.s32 $0x1, s11;
	p0 =	slt.u32 s11, $0x7E;
	s11 =	sadd.s32 $0x2, s11;
	v18 =	vmul.f32 $1.000000000e+01, v11  }
.Ltmp1:
0x85: {  	v16 =	vand.u32 $0x7E, v16;
	v19 =	vmov s19;
	v11 =	vld [tilespmem:s18+$0x0];
	[tilespmem:v12+s21+$0x0] =	vst.idx.msk $0xffff, v15;
	v15 =	vmul.f32 $1.000000000e+01, v8;
	(pc) =	sbr.rel @p0 .LBB2_5-.Ltmp1, $4  }
0x86: {  	v12 =	vadd.s32 v1, v16;
	v19 =	vand.u32 $0x7F, v19;
	v8 =	vld [tilespmem:s10+$0xFFFFFFF0];
	[tilespmem:v14+s21+$0x0] =	vst.idx.msk $0xffff, v18;
	v18 =	vmul.f32 $1.000000000e+01, v9  }
0x87: {  	v14 =	vadd.s32 v1, v19;
	v9 =	vld [tilespmem:s10+$0x10];
	[tilespmem:v10+s21+$0x0] =	vst.idx.msk $0xffff, v15;
	s10 =	smov.u32 s18  }
0x88: {  	v10 =	vadd.s32 v5, v6;
	v6 =	vmov v16;
	[tilespmem:v13+s21+$0x0] =	vst.idx.msk $0xffff, v18  }
0x89: {  	s18 =	sadd.s32 $0x40, s18;
	v13 =	vadd.s32 v5, v7;
	v7 =	vmov v19;
	v15 =	vmul.f32 $1.000000000e+01, v17  }
0x8a: {  	_ =	sdelay $0x2  }
0x8b: {  	v11 =	vmul.f32 $1.000000000e+01, v11  }
0x8c: {  	[tilespmem:v12+s21+$0x0] =	vst.idx.msk $0xffff, v15  }
0x8d: {  	v12 =	vld [tilespmem:s10+$0xFFFFFFF0];
	[tilespmem:v14+s21+$0x0] =	vst.idx.msk $0xffff, v11  }
0x8e: {  	v11 =	vld [tilespmem:s10+$0x10]  }
0x8f: {  	v6 =	vadd.s32 v5, v6  }
0x90: {  	v7 =	vadd.s32 v5, v7;
	v8 =	vmul.f32 $1.000000000e+01, v8  }
0x91: {  	v9 =	vmul.f32 $1.000000000e+01, v9  }
0x92: {  	s19 =	sshll.u32 s6, $0x13;
	[tilespmem:v10+s21+$0x0] =	vst.idx.msk $0xffff, v8;
	v8 =	vmul.f32 $1.000000000e+01, v12  }
0x93: {  	s10 =	sor.u32 s4, s19;
	[tilespmem:v13+s21+$0x0] =	vst.idx.msk $0xffff, v9;
	v9 =	vmul.f32 $1.000000000e+01, v11  }
0x94: {  	s18 =	sshrl.u32 s10, $0x3;
	[tilespmem:v6+s21+$0x0] =	vst.idx.msk $0xffff, v8  }
0x95: {  	s10 =	sadd.s32 s2, s18;
	[tilespmem:v7+s21+$0x0] =	vst.idx.msk $0xffff, v9  }
0x96: {  	[hbm4b:s10+s3] =	stream.linear.scatter [tilespmem:s21], [sflag:$0x5], $0x80, $0x38;
	[tilespmem:$0x18600] =	vst v63  }
0x97: {  	s19 =	simm.s32 $0x14288;
	s11 =	sadd.s32 $0x10, s10  }
0x98: {  	[hbm4b:s11+s3] =	stream.linear.scatter [tilespmem:s19], [sflag:$0x5], $0x80, $0x38;
	[tilespmem:$0x18600] =	vst v63  }
0x99: {  	s23 =	simm.s32 $0x14310;
	s22 =	sadd.s32 $0x20, s10  }
0x9a: {  	[hbm4b:s22+s3] =	stream.linear.scatter [tilespmem:s23], [sflag:$0x5], $0x80, $0x38;
	[tilespmem:$0x18600] =	vst v63  }
0x9b: {  	s22 =	sadd.s32 $0x30, s10;
	s23 =	simm.s32 $0x14398  }
0x9c: {  	[hbm4b:s22+s3] =	stream.linear.scatter [tilespmem:s23], [sflag:$0x5], $0x80, $0x38;
	[tilespmem:$0x18600] =	vst v63  }
0x9d: {  	s22 =	sadd.s32 $0x40, s10;
	s23 =	simm.s32 $0x14420  }
0x9e: {  	[hbm4b:s22+s3] =	stream.linear.scatter [tilespmem:s23], [sflag:$0x5], $0x80, $0x38;
	[tilespmem:$0x18600] =	vst v63  }
0x9f: {  	s22 =	sadd.s32 $0x50, s10;
	s23 =	simm.s32 $0x144A8  }
0xa0: {  	[hbm4b:s22+s3] =	stream.linear.scatter [tilespmem:s23], [sflag:$0x5], $0x80, $0x38;
	[tilespmem:$0x18600] =	vst v63  }
0xa1: {  	s19 =	sadd.s32 $0x60, s10;
	s22 =	simm.s32 $0x14530  }
0xa2: {  	[hbm4b:s19+s3] =	stream.linear.scatter [tilespmem:s22], [sflag:$0x5], $0x80, $0x38;
	[tilespmem:$0x18600] =	vst v63  }
0xa3: {  	s10 =	sadd.s32 $0x70, s10;
	s23 =	simm.s32 $0x145B8  }
0xa4: {  	[hbm4b:s10+s3] =	stream.linear.scatter [tilespmem:s23], [sflag:$0x5], $0x80, $0x38;
	[tilespmem:$0x18600] =	vst v63  }
0xa5: {  	s19 =	simm.s32 $0x14640;
	s10 =	sadd.s32 s18, s7  }
0xa6: {  	[hbm4b:s10+s3] =	stream.linear.scatter [tilespmem:s19], [sflag:$0x5], $0x80, $0x38;
	[tilespmem:$0x18600] =	vst v63  }
0xa7: {  	s23 =	simm.s32 $0x146C8;
	s22 =	sadd.s32 $0x10, s10  }
0xa8: {  	[hbm4b:s22+s3] =	stream.linear.scatter [tilespmem:s23], [sflag:$0x5], $0x80, $0x38;
	[tilespmem:$0x18600] =	vst v63  }
0xa9: {  	s22 =	sadd.s32 $0x20, s10;
	s23 =	simm.s32 $0x14750  }
0xaa: {  	[hbm4b:s22+s3] =	stream.linear.scatter [tilespmem:s23], [sflag:$0x5], $0x80, $0x38;
	[tilespmem:$0x18600] =	vst v63  }
0xab: {  	s22 =	sadd.s32 $0x30, s10;
	s23 =	simm.s32 $0x147D8  }
0xac: {  	[hbm4b:s22+s3] =	stream.linear.scatter [tilespmem:s23], [sflag:$0x5], $0x80, $0x38;
	[tilespmem:$0x18600] =	vst v63  }
0xad: {  	s22 =	sadd.s32 $0x40, s10;
	s23 =	simm.s32 $0x14860  }
0xae: {  	[hbm4b:s22+s3] =	stream.linear.scatter [tilespmem:s23], [sflag:$0x5], $0x80, $0x38;
	[tilespmem:$0x18600] =	vst v63  }
0xaf: {  	s22 =	sadd.s32 $0x50, s10;
	s23 =	simm.s32 $0x148E8  }
0xb0: {  	[hbm4b:s22+s3] =	stream.linear.scatter [tilespmem:s23], [sflag:$0x5], $0x80, $0x38;
	[tilespmem:$0x18600] =	vst v63  }
0xb1: {  	s19 =	sadd.s32 $0x60, s10;
	s22 =	simm.s32 $0x14970  }
0xb2: {  	[hbm4b:s19+s3] =	stream.linear.scatter [tilespmem:s22], [sflag:$0x5], $0x80, $0x38;
	[tilespmem:$0x18600] =	vst v63  }
0xb3: {  	s10 =	sadd.s32 $0x70, s10;
	s23 =	simm.s32 $0x149F8  }
0xb4: {  	[hbm4b:s10+s3] =	stream.linear.scatter [tilespmem:s23], [sflag:$0x5], $0x80, $0x38;
	[tilespmem:$0x18600] =	vst v63  }
0xb5: {  	s19 =	simm.s32 $0x14A80;
	s10 =	sadd.s32 s18, s8  }
0xb6: {  	[hbm4b:s10+s3] =	stream.linear.scatter [tilespmem:s19], [sflag:$0x5], $0x80, $0x38;
	[tilespmem:$0x18600] =	vst v63  }
0xb7: {  	s23 =	simm.s32 $0x14B08;
	s22 =	sadd.s32 $0x10, s10  }
0xb8: {  	[hbm4b:s22+s3] =	stream.linear.scatter [tilespmem:s23], [sflag:$0x5], $0x80, $0x38;
	[tilespmem:$0x18600] =	vst v63  }
0xb9: {  	s22 =	sadd.s32 $0x20, s10;
	s23 =	simm.s32 $0x14B90  }
0xba: {  	[hbm4b:s22+s3] =	stream.linear.scatter [tilespmem:s23], [sflag:$0x5], $0x80, $0x38;
	[tilespmem:$0x18600] =	vst v63  }
0xbb: {  	s22 =	sadd.s32 $0x30, s10;
	s23 =	simm.s32 $0x14C18  }
0xbc: {  	[hbm4b:s22+s3] =	stream.linear.scatter [tilespmem:s23], [sflag:$0x5], $0x80, $0x38;
	[tilespmem:$0x18600] =	vst v63  }
0xbd: {  	s22 =	sadd.s32 $0x40, s10;
	s23 =	simm.s32 $0x14CA0  }
0xbe: {  	[hbm4b:s22+s3] =	stream.linear.scatter [tilespmem:s23], [sflag:$0x5], $0x80, $0x38;
	[tilespmem:$0x18600] =	vst v63  }
0xbf: {  	s22 =	sadd.s32 $0x50, s10;
	s23 =	simm.s32 $0x14D28  }
0xc0: {  	[hbm4b:s22+s3] =	stream.linear.scatter [tilespmem:s23], [sflag:$0x5], $0x80, $0x38;
	[tilespmem:$0x18600] =	vst v63  }
0xc1: {  	s19 =	sadd.s32 $0x60, s10;
	s22 =	simm.s32 $0x14DB0  }
0xc2: {  	[hbm4b:s19+s3] =	stream.linear.scatter [tilespmem:s22], [sflag:$0x5], $0x80, $0x38;
	[tilespmem:$0x18600] =	vst v63  }
0xc3: {  	s10 =	sadd.s32 $0x70, s10;
	s23 =	simm.s32 $0x14E38  }
0xc4: {  	[hbm4b:s10+s3] =	stream.linear.scatter [tilespmem:s23], [sflag:$0x5], $0x80, $0x38;
	[tilespmem:$0x18600] =	vst v63  }
0xc5: {  	s19 =	simm.s32 $0x14EC0;
	s10 =	sadd.s32 s18, s9  }
0xc6: {  	[hbm4b:s10+s3] =	stream.linear.scatter [tilespmem:s19], [sflag:$0x5], $0x80, $0x38;
	[tilespmem:$0x18600] =	vst v63  }
0xc7: {  	s23 =	simm.s32 $0x14F48;
	s22 =	sadd.s32 $0x10, s10  }
0xc8: {  	[hbm4b:s22+s3] =	stream.linear.scatter [tilespmem:s23], [sflag:$0x5], $0x80, $0x38;
	[tilespmem:$0x18600] =	vst v63  }
0xc9: {  	s22 =	sadd.s32 $0x20, s10;
	s23 =	simm.s32 $0x14FD0  }
0xca: {  	[hbm4b:s22+s3] =	stream.linear.scatter [tilespmem:s23], [sflag:$0x5], $0x80, $0x38;
	[tilespmem:$0x18600] =	vst v63  }
0xcb: {  	s22 =	sadd.s32 $0x30, s10;
	s23 =	simm.s32 $0x15058  }
0xcc: {  	[hbm4b:s22+s3] =	stream.linear.scatter [tilespmem:s23], [sflag:$0x5], $0x80, $0x38;
	[tilespmem:$0x18600] =	vst v63  }
0xcd: {  	s22 =	sadd.s32 $0x40, s10;
	s23 =	simm.s32 $0x150E0  }
0xce: {  	[hbm4b:s22+s3] =	stream.linear.scatter [tilespmem:s23], [sflag:$0x5], $0x80, $0x38;
	[tilespmem:$0x18600] =	vst v63  }
0xcf: {  	s22 =	sadd.s32 $0x50, s10;
	s23 =	simm.s32 $0x15168  }
0xd0: {  	[hbm4b:s22+s3] =	stream.linear.scatter [tilespmem:s23], [sflag:$0x5], $0x80, $0x38;
	[tilespmem:$0x18600] =	vst v63  }
0xd1: {  	s19 =	sadd.s32 $0x60, s10;
	s22 =	simm.s32 $0x151F0  }
0xd2: {  	[hbm4b:s19+s3] =	stream.linear.scatter [tilespmem:s22], [sflag:$0x5], $0x80, $0x38;
	[tilespmem:$0x18600] =	vst v63  }
0xd3: {  	p0 =	seq.s32 s6, $0x31;
	s10 =	sadd.s32 $0x70, s10;
	s23 =	simm.s32 $0x15278  }
0xd4: {  	[hbm4b:s10+s3] =	stream.linear.scatter [tilespmem:s23], [sflag:$0x5], $0x80, $0x38;
	[tilespmem:$0x18600] =	vst v63  }
0xd5: {  	s10 =	simm.s32 @!p0 $0x5  }
0xd6: {  	_ =	swait.ge @!p0 [sflag:s10], $0x400  }
0xd7: {  	[sflag:s10] =	ssyncset.done @!p0 $0x0  }
0xd8: {  	[sflag:s10] =	ssyncadd.s32 @!p0 $0xFFFFFC00  }
0xd9: {  	_ =	swait.ge @!p0 [sflag:s10], $0x400  }
0xda: {  	[sflag:s10] =	ssyncset.done @!p0 $0x0  }
0xdb: {  	[sflag:s10] =	ssyncadd.s32 @!p0 $0xFFFFFC00  }
0xdc: {  	_ =	swait.ge @!p0 [sflag:s10], $0x400  }
0xdd: {  	[sflag:s10] =	ssyncset.done @!p0 $0x0  }
0xde: {  	s6 =	sadd.s32 $0x1, s6;
	[sflag:s10] =	ssyncadd.s32 @!p0 $0xFFFFFC00  }
0xdf: {  	s11 =	smul.u32 @!p0 $0x820, s6;
	_ =	swait.ge @!p0 [sflag:s10], $0x400  }
0xe0: {  	[sflag:s10] =	ssyncset.done @!p0 $0x0  }
0xe1: {  	[sflag:s10] =	ssyncadd.s32 @!p0 $0xFFFFFC00;
	s10 =	sshra.s32 @!p0 s11, $0x2  }
0xe2: {  	s19 =	simm.s32 @!p0 $0x80;
	s22 =	simm.s32 @!p0 $0x10200;
	s11 =	sadd.s32 @!p0 $0x8000, s10  }
0xe3: {  	[tilespmem:s22], [sflag:$0x1] =	stream.indirect.gather @!p0 [hbm4b:s5+s19], $0x20, s11, s19, $0xb8;
	[tilespmem:$0x18600] =	vst v63  }
0xe4: {  	_ =	swait.ge [sflag:s14], $0x1000  }
0xe5: {  	[sflag:s14] =	ssyncset.done $0x0  }
0xe6: {  	s19 =	simm.s32 $0x0;
	s22 =	simm.s32 $0x11230;
	[sflag:s14] =	ssyncadd.s32 $0xFFFFF000  }
0xe7: {  	s23 =	simm.s32 $0x1;
	v6 =	vmov s19;
	v7 =	vld [tilespmem:s22+$0xFFFFFFD0]  }
0xe8: {  	v10 =	vand.u32 $0x7E, v6;
	v6 =	vmov s23;
	v8 =	vld [tilespmem:s22+$0xFFFFFFF0]  }
0xe9: {  	v9 =	vadd.s32 v1, v10;
	v14 =	vand.u32 $0x7F, v6  }
0xea: {  	v13 =	vadd.s32 v1, v14;
	_ =	sdelay $0x1  }
0xeb: {  	s11 =	simm.s32 $0x11270;
	s19 =	simm.s32 $0x2;
	v7 =	vmul.f32 $1.000000000e+01, v7  }
0xec: {  	s23 =	simm.s32 $0x3;
	v6 =	vmov s19;
	v15 =	vld [tilespmem:s11+$0xFFFFFFD0];
	v16 =	vmul.f32 $1.000000000e+01, v8  }
0xed: {  	v6 =	vand.u32 $0x7E, v6;
	v11 =	vld [tilespmem:s11+$0xFFFFFFF0];
	v8 =	vmov s23;
	[tilespmem:v9+s15+$0x0] =	vst.idx.msk $0xffff, v7  }
0xee: {  	v12 =	vadd.s32 v1, v6;
	v7 =	vand.u32 $0x7F, v8;
	[tilespmem:v13+s15+$0x0] =	vst.idx.msk $0xffff, v16;
	v8 =	vld [tilespmem:s22+$0xFFFFFFE0]  }
0xef: {  	v13 =	vadd.s32 v1, v7;
	v9 =	vld [tilespmem:s22+$0x0]  }
0xf0: {  	v10 =	vadd.s32 v5, v10  }
0xf1: {  	s19 =	simm.s32 $0x4;
	v14 =	vadd.s32 v5, v14;
	v15 =	vmul.f32 $1.000000000e+01, v15;
	s22 =	simm.s32 $0x112B0  }
.LBB2_7:
0xf2: {  	v16 =	vmov s19;
	v17 =	vld [tilespmem:s22+$0xFFFFFFD0];
	s23 =	sadd.s32 $0x1, s19;
	p1 =	slt.u32 s19, $0x7E;
	s19 =	sadd.s32 $0x2, s19;
	v18 =	vmul.f32 $1.000000000e+01, v11  }
.Ltmp2:
0xf3: {  	v16 =	vand.u32 $0x7E, v16;
	v19 =	vmov s23;
	v11 =	vld [tilespmem:s22+$0xFFFFFFF0];
	[tilespmem:v12+s15+$0x0] =	vst.idx.msk $0xffff, v15;
	v15 =	vmul.f32 $1.000000000e+01, v8;
	(pc) =	sbr.rel @p1 .LBB2_7-.Ltmp2, $4  }
0xf4: {  	v12 =	vadd.s32 v1, v16;
	v19 =	vand.u32 $0x7F, v19;
	v8 =	vld [tilespmem:s11+$0xFFFFFFE0];
	[tilespmem:v13+s15+$0x0] =	vst.idx.msk $0xffff, v18;
	v18 =	vmul.f32 $1.000000000e+01, v9  }
0xf5: {  	v13 =	vadd.s32 v1, v19;
	v9 =	vld [tilespmem:s11+$0x0];
	[tilespmem:v10+s15+$0x0] =	vst.idx.msk $0xffff, v15;
	s11 =	smov.u32 s22  }
0xf6: {  	v10 =	vadd.s32 v5, v6;
	v6 =	vmov v16;
	[tilespmem:v14+s15+$0x0] =	vst.idx.msk $0xffff, v18  }
0xf7: {  	s22 =	sadd.s32 $0x40, s22;
	v14 =	vadd.s32 v5, v7;
	v7 =	vmov v19;
	v15 =	vmul.f32 $1.000000000e+01, v17  }
0xf8: {  	_ =	sdelay $0x2  }
0xf9: {  	v11 =	vmul.f32 $1.000000000e+01, v11  }
0xfa: {  	[tilespmem:v12+s15+$0x0] =	vst.idx.msk $0xffff, v15  }
0xfb: {  	v12 =	vld [tilespmem:s11+$0xFFFFFFE0];
	[tilespmem:v13+s15+$0x0] =	vst.idx.msk $0xffff, v11  }
0xfc: {  	v11 =	vld [tilespmem:s11+$0x0]  }
0xfd: {  	v6 =	vadd.s32 v5, v6  }
0xfe: {  	v7 =	vadd.s32 v5, v7;
	v8 =	vmul.f32 $1.000000000e+01, v8  }
0xff: {  	v9 =	vmul.f32 $1.000000000e+01, v9  }
0x100: {  	[tilespmem:v10+s15+$0x0] =	vst.idx.msk $0xffff, v8;
	v8 =	vmul.f32 $1.000000000e+01, v12  }
0x101: {  	[tilespmem:v14+s15+$0x0] =	vst.idx.msk $0xffff, v9;
	v9 =	vmul.f32 $1.000000000e+01, v11  }
0x102: {  	s11 =	sor.u32 $0x80, s18;
	[tilespmem:v6+s15+$0x0] =	vst.idx.msk $0xffff, v8  }
0x103: {  	s19 =	sadd.s32 s2, s11;
	[tilespmem:v7+s15+$0x0] =	vst.idx.msk $0xffff, v9  }
0x104: {  	[hbm4b:s19+s3] =	stream.linear.scatter [tilespmem:s15], [sflag:$0x6], $0x80, $0x38;
	[tilespmem:$0x18600] =	vst v63  }
0x105: {  	s23 =	simm.s32 $0x15388;
	s22 =	sadd.s32 $0x10, s19  }
0x106: {  	[hbm4b:s22+s3] =	stream.linear.scatter [tilespmem:s23], [sflag:$0x6], $0x80, $0x38;
	[tilespmem:$0x18600] =	vst v63  }
0x107: {  	s22 =	sadd.s32 $0x20, s19;
	s23 =	simm.s32 $0x15410  }
0x108: {  	[hbm4b:s22+s3] =	stream.linear.scatter [tilespmem:s23], [sflag:$0x6], $0x80, $0x38;
	[tilespmem:$0x18600] =	vst v63  }
0x109: {  	s22 =	sadd.s32 $0x30, s19;
	s23 =	simm.s32 $0x15498  }
0x10a: {  	[hbm4b:s22+s3] =	stream.linear.scatter [tilespmem:s23], [sflag:$0x6], $0x80, $0x38;
	[tilespmem:$0x18600] =	vst v63  }
0x10b: {  	s22 =	sadd.s32 $0x40, s19;
	s23 =	simm.s32 $0x15520  }
0x10c: {  	[hbm4b:s22+s3] =	stream.linear.scatter [tilespmem:s23], [sflag:$0x6], $0x80, $0x38;
	[tilespmem:$0x18600] =	vst v63  }
0x10d: {  	s22 =	sadd.s32 $0x50, s19;
	s23 =	simm.s32 $0x155A8  }
0x10e: {  	[hbm4b:s22+s3] =	stream.linear.scatter [tilespmem:s23], [sflag:$0x6], $0x80, $0x38;
	[tilespmem:$0x18600] =	vst v63  }
0x10f: {  	s22 =	sadd.s32 $0x60, s19;
	s23 =	simm.s32 $0x15630  }
0x110: {  	[hbm4b:s22+s3] =	stream.linear.scatter [tilespmem:s23], [sflag:$0x6], $0x80, $0x38;
	[tilespmem:$0x18600] =	vst v63  }
0x111: {  	s19 =	sadd.s32 $0x70, s19;
	s23 =	simm.s32 $0x156B8  }
0x112: {  	[hbm4b:s19+s3] =	stream.linear.scatter [tilespmem:s23], [sflag:$0x6], $0x80, $0x38;
	[tilespmem:$0x18600] =	vst v63  }
0x113: {  	s19 =	sadd.s32 s11, s7;
	s23 =	simm.s32 $0x15740  }
0x114: {  	[hbm4b:s19+s3] =	stream.linear.scatter [tilespmem:s23], [sflag:$0x6], $0x80, $0x38;
	[tilespmem:$0x18600] =	vst v63  }
0x115: {  	s22 =	sadd.s32 $0x10, s19;
	s23 =	simm.s32 $0x157C8  }
0x116: {  	[hbm4b:s22+s3] =	stream.linear.scatter [tilespmem:s23], [sflag:$0x6], $0x80, $0x38;
	[tilespmem:$0x18600] =	vst v63  }
0x117: {  	s22 =	sadd.s32 $0x20, s19;
	s23 =	simm.s32 $0x15850  }
0x118: {  	[hbm4b:s22+s3] =	stream.linear.scatter [tilespmem:s23], [sflag:$0x6], $0x80, $0x38;
	[tilespmem:$0x18600] =	vst v63  }
0x119: {  	s22 =	sadd.s32 $0x30, s19;
	s23 =	simm.s32 $0x158D8  }
0x11a: {  	[hbm4b:s22+s3] =	stream.linear.scatter [tilespmem:s23], [sflag:$0x6], $0x80, $0x38;
	[tilespmem:$0x18600] =	vst v63  }
0x11b: {  	s22 =	sadd.s32 $0x40, s19;
	s23 =	simm.s32 $0x15960  }
0x11c: {  	[hbm4b:s22+s3] =	stream.linear.scatter [tilespmem:s23], [sflag:$0x6], $0x80, $0x38;
	[tilespmem:$0x18600] =	vst v63  }
0x11d: {  	s22 =	sadd.s32 $0x50, s19;
	s23 =	simm.s32 $0x159E8  }
0x11e: {  	[hbm4b:s22+s3] =	stream.linear.scatter [tilespmem:s23], [sflag:$0x6], $0x80, $0x38;
	[tilespmem:$0x18600] =	vst v63  }
0x11f: {  	s22 =	sadd.s32 $0x60, s19;
	s23 =	simm.s32 $0x15A70  }
0x120: {  	[hbm4b:s22+s3] =	stream.linear.scatter [tilespmem:s23], [sflag:$0x6], $0x80, $0x38;
	[tilespmem:$0x18600] =	vst v63  }
0x121: {  	s19 =	sadd.s32 $0x70, s19;
	s23 =	simm.s32 $0x15AF8  }
0x122: {  	[hbm4b:s19+s3] =	stream.linear.scatter [tilespmem:s23], [sflag:$0x6], $0x80, $0x38;
	[tilespmem:$0x18600] =	vst v63  }
0x123: {  	s19 =	sadd.s32 s11, s8;
	s23 =	simm.s32 $0x15B80  }
0x124: {  	[hbm4b:s19+s3] =	stream.linear.scatter [tilespmem:s23], [sflag:$0x6], $0x80, $0x38;
	[tilespmem:$0x18600] =	vst v63  }
0x125: {  	s22 =	sadd.s32 $0x10, s19;
	s23 =	simm.s32 $0x15C08  }
0x126: {  	[hbm4b:s22+s3] =	stream.linear.scatter [tilespmem:s23], [sflag:$0x6], $0x80, $0x38;
	[tilespmem:$0x18600] =	vst v63  }
0x127: {  	s22 =	sadd.s32 $0x20, s19;
	s23 =	simm.s32 $0x15C90  }
0x128: {  	[hbm4b:s22+s3] =	stream.linear.scatter [tilespmem:s23], [sflag:$0x6], $0x80, $0x38;
	[tilespmem:$0x18600] =	vst v63  }
0x129: {  	s22 =	sadd.s32 $0x30, s19;
	s23 =	simm.s32 $0x15D18  }
0x12a: {  	[hbm4b:s22+s3] =	stream.linear.scatter [tilespmem:s23], [sflag:$0x6], $0x80, $0x38;
	[tilespmem:$0x18600] =	vst v63  }
0x12b: {  	s22 =	sadd.s32 $0x40, s19;
	s23 =	simm.s32 $0x15DA0  }
0x12c: {  	[hbm4b:s22+s3] =	stream.linear.scatter [tilespmem:s23], [sflag:$0x6], $0x80, $0x38;
	[tilespmem:$0x18600] =	vst v63  }
0x12d: {  	s22 =	sadd.s32 $0x50, s19;
	s23 =	simm.s32 $0x15E28  }
0x12e: {  	[hbm4b:s22+s3] =	stream.linear.scatter [tilespmem:s23], [sflag:$0x6], $0x80, $0x38;
	[tilespmem:$0x18600] =	vst v63  }
0x12f: {  	s22 =	sadd.s32 $0x60, s19;
	s23 =	simm.s32 $0x15EB0  }
0x130: {  	[hbm4b:s22+s3] =	stream.linear.scatter [tilespmem:s23], [sflag:$0x6], $0x80, $0x38;
	[tilespmem:$0x18600] =	vst v63  }
0x131: {  	s19 =	sadd.s32 $0x70, s19;
	s23 =	simm.s32 $0x15F38  }
0x132: {  	[hbm4b:s19+s3] =	stream.linear.scatter [tilespmem:s23], [sflag:$0x6], $0x80, $0x38;
	[tilespmem:$0x18600] =	vst v63  }
0x133: {  	s11 =	sadd.s32 s11, s9;
	s23 =	simm.s32 $0x15FC0  }
0x134: {  	[hbm4b:s11+s3] =	stream.linear.scatter [tilespmem:s23], [sflag:$0x6], $0x80, $0x38;
	[tilespmem:$0x18600] =	vst v63  }
0x135: {  	s22 =	sadd.s32 $0x10, s11;
	s23 =	simm.s32 $0x16048  }
0x136: {  	[hbm4b:s22+s3] =	stream.linear.scatter [tilespmem:s23], [sflag:$0x6], $0x80, $0x38;
	[tilespmem:$0x18600] =	vst v63  }
0x137: {  	s22 =	sadd.s32 $0x20, s11;
	s23 =	simm.s32 $0x160D0  }
0x138: {  	[hbm4b:s22+s3] =	stream.linear.scatter [tilespmem:s23], [sflag:$0x6], $0x80, $0x38;
	[tilespmem:$0x18600] =	vst v63  }
0x139: {  	s22 =	sadd.s32 $0x30, s11;
	s23 =	simm.s32 $0x16158  }
0x13a: {  	[hbm4b:s22+s3] =	stream.linear.scatter [tilespmem:s23], [sflag:$0x6], $0x80, $0x38;
	[tilespmem:$0x18600] =	vst v63  }
0x13b: {  	s22 =	sadd.s32 $0x40, s11;
	s23 =	simm.s32 $0x161E0  }
0x13c: {  	[hbm4b:s22+s3] =	stream.linear.scatter [tilespmem:s23], [sflag:$0x6], $0x80, $0x38;
	[tilespmem:$0x18600] =	vst v63  }
0x13d: {  	s22 =	sadd.s32 $0x50, s11;
	s23 =	simm.s32 $0x16268  }
0x13e: {  	[hbm4b:s22+s3] =	stream.linear.scatter [tilespmem:s23], [sflag:$0x6], $0x80, $0x38;
	[tilespmem:$0x18600] =	vst v63  }
0x13f: {  	s22 =	sadd.s32 $0x60, s11;
	s23 =	simm.s32 $0x162F0  }
0x140: {  	[hbm4b:s22+s3] =	stream.linear.scatter [tilespmem:s23], [sflag:$0x6], $0x80, $0x38;
	[tilespmem:$0x18600] =	vst v63  }
0x141: {  	s11 =	sadd.s32 $0x70, s11;
	s23 =	simm.s32 $0x16378  }
0x142: {  	[hbm4b:s11+s3] =	stream.linear.scatter [tilespmem:s23], [sflag:$0x6], $0x80, $0x38;
	[tilespmem:$0x18600] =	vst v63  }
0x143: {  	s11 =	simm.s32 @!p0 $0x6  }
0x144: {  	_ =	swait.ge @!p0 [sflag:s11], $0x400  }
0x145: {  	[sflag:s11] =	ssyncset.done @!p0 $0x0  }
0x146: {  	[sflag:s11] =	ssyncadd.s32 @!p0 $0xFFFFFC00  }
0x147: {  	_ =	swait.ge @!p0 [sflag:s11], $0x400  }
0x148: {  	[sflag:s11] =	ssyncset.done @!p0 $0x0  }
0x149: {  	[sflag:s11] =	ssyncadd.s32 @!p0 $0xFFFFFC00  }
0x14a: {  	_ =	swait.ge @!p0 [sflag:s11], $0x400  }
0x14b: {  	[sflag:s11] =	ssyncset.done @!p0 $0x0  }
0x14c: {  	[sflag:s11] =	ssyncadd.s32 @!p0 $0xFFFFFC00  }
0x14d: {  	_ =	swait.ge @!p0 [sflag:s11], $0x400  }
0x14e: {  	s19 =	simm.s32 @!p0 $0x80;
	[sflag:s11] =	ssyncset.done @!p0 $0x0  }
0x14f: {  	s22 =	simm.s32 @!p0 $0x11200;
	[sflag:s11] =	ssyncadd.s32 @!p0 $0xFFFFFC00;
	s11 =	sadd.s32 @!p0 $0x8080, s10  }
0x150: {  	[tilespmem:s22], [sflag:$0x2] =	stream.indirect.gather @!p0 [hbm4b:s5+s19], $0x20, s11, s19, $0xb8;
	[tilespmem:$0x18600] =	vst v63  }
0x151: {  	_ =	swait.ge [sflag:s29], $0x1000  }
0x152: {  	[sflag:s29] =	ssyncset.done $0x0  }
0x153: {  	s19 =	simm.s32 $0x0;
	s22 =	simm.s32 $0x12230;
	[sflag:s29] =	ssyncadd.s32 $0xFFFFF000  }
0x154: {  	s23 =	simm.s32 $0x1;
	v6 =	vmov s19;
	v7 =	vld [tilespmem:s22+$0xFFFFFFD0]  }
0x155: {  	v10 =	vand.u32 $0x7E, v6;
	v6 =	vmov s23;
	v8 =	vld [tilespmem:s22+$0xFFFFFFF0]  }
0x156: {  	v9 =	vadd.s32 v1, v10;
	v14 =	vand.u32 $0x7F, v6  }
0x157: {  	v13 =	vadd.s32 v1, v14;
	_ =	sdelay $0x1  }
0x158: {  	s11 =	simm.s32 $0x12270;
	s19 =	simm.s32 $0x2;
	v7 =	vmul.f32 $1.000000000e+01, v7  }
0x159: {  	s23 =	simm.s32 $0x3;
	v6 =	vmov s19;
	v15 =	vld [tilespmem:s11+$0xFFFFFFD0];
	v16 =	vmul.f32 $1.000000000e+01, v8  }
0x15a: {  	v6 =	vand.u32 $0x7E, v6;
	v11 =	vld [tilespmem:s11+$0xFFFFFFF0];
	v8 =	vmov s23;
	[tilespmem:v9+s30+$0x0] =	vst.idx.msk $0xffff, v7  }
0x15b: {  	v12 =	vadd.s32 v1, v6;
	v7 =	vand.u32 $0x7F, v8;
	[tilespmem:v13+s30+$0x0] =	vst.idx.msk $0xffff, v16;
	v8 =	vld [tilespmem:s22+$0xFFFFFFE0]  }
0x15c: {  	v13 =	vadd.s32 v1, v7;
	v9 =	vld [tilespmem:s22+$0x0]  }
0x15d: {  	v10 =	vadd.s32 v5, v10  }
0x15e: {  	s19 =	simm.s32 $0x4;
	v14 =	vadd.s32 v5, v14;
	v15 =	vmul.f32 $1.000000000e+01, v15;
	s22 =	simm.s32 $0x122B0  }
.LBB2_9:
0x15f: {  	v16 =	vmov s19;
	v17 =	vld [tilespmem:s22+$0xFFFFFFD0];
	s23 =	sadd.s32 $0x1, s19;
	p1 =	slt.u32 s19, $0x7E;
	s19 =	sadd.s32 $0x2, s19;
	v18 =	vmul.f32 $1.000000000e+01, v11  }
.Ltmp3:
0x160: {  	v16 =	vand.u32 $0x7E, v16;
	v19 =	vmov s23;
	v11 =	vld [tilespmem:s22+$0xFFFFFFF0];
	[tilespmem:v12+s30+$0x0] =	vst.idx.msk $0xffff, v15;
	v15 =	vmul.f32 $1.000000000e+01, v8;
	(pc) =	sbr.rel @p1 .LBB2_9-.Ltmp3, $4  }
0x161: {  	v12 =	vadd.s32 v1, v16;
	v19 =	vand.u32 $0x7F, v19;
	v8 =	vld [tilespmem:s11+$0xFFFFFFE0];
	[tilespmem:v13+s30+$0x0] =	vst.idx.msk $0xffff, v18;
	v18 =	vmul.f32 $1.000000000e+01, v9  }
0x162: {  	v13 =	vadd.s32 v1, v19;
	v9 =	vld [tilespmem:s11+$0x0];
	[tilespmem:v10+s30+$0x0] =	vst.idx.msk $0xffff, v15;
	s11 =	smov.u32 s22  }
0x163: {  	v10 =	vadd.s32 v5, v6;
	v6 =	vmov v16;
	[tilespmem:v14+s30+$0x0] =	vst.idx.msk $0xffff, v18  }
0x164: {  	s22 =	sadd.s32 $0x40, s22;
	v14 =	vadd.s32 v5, v7;
	v7 =	vmov v19;
	v15 =	vmul.f32 $1.000000000e+01, v17  }
0x165: {  	_ =	sdelay $0x2  }
0x166: {  	v11 =	vmul.f32 $1.000000000e+01, v11  }
0x167: {  	[tilespmem:v12+s30+$0x0] =	vst.idx.msk $0xffff, v15  }
0x168: {  	v12 =	vld [tilespmem:s11+$0xFFFFFFE0];
	[tilespmem:v13+s30+$0x0] =	vst.idx.msk $0xffff, v11  }
0x169: {  	v11 =	vld [tilespmem:s11+$0x0]  }
0x16a: {  	v6 =	vadd.s32 v5, v6  }
0x16b: {  	v7 =	vadd.s32 v5, v7;
	v8 =	vmul.f32 $1.000000000e+01, v8  }
0x16c: {  	v9 =	vmul.f32 $1.000000000e+01, v9  }
0x16d: {  	[tilespmem:v10+s30+$0x0] =	vst.idx.msk $0xffff, v8;
	v8 =	vmul.f32 $1.000000000e+01, v12  }
0x16e: {  	[tilespmem:v14+s30+$0x0] =	vst.idx.msk $0xffff, v9;
	v9 =	vmul.f32 $1.000000000e+01, v11  }
0x16f: {  	s11 =	sor.u32 $0x100, s18;
	[tilespmem:v6+s30+$0x0] =	vst.idx.msk $0xffff, v8  }
0x170: {  	s19 =	sadd.s32 s2, s11;
	[tilespmem:v7+s30+$0x0] =	vst.idx.msk $0xffff, v9  }
0x171: {  	[hbm4b:s19+s3] =	stream.linear.scatter [tilespmem:s30], [sflag:$0x7], $0x80, $0x38;
	[tilespmem:$0x18600] =	vst v63  }
0x172: {  	s23 =	simm.s32 $0x16488;
	s22 =	sadd.s32 $0x10, s19  }
0x173: {  	[hbm4b:s22+s3] =	stream.linear.scatter [tilespmem:s23], [sflag:$0x7], $0x80, $0x38;
	[tilespmem:$0x18600] =	vst v63  }
0x174: {  	s22 =	sadd.s32 $0x20, s19;
	s23 =	simm.s32 $0x16510  }
0x175: {  	[hbm4b:s22+s3] =	stream.linear.scatter [tilespmem:s23], [sflag:$0x7], $0x80, $0x38;
	[tilespmem:$0x18600] =	vst v63  }
0x176: {  	s22 =	sadd.s32 $0x30, s19;
	s23 =	simm.s32 $0x16598  }
0x177: {  	[hbm4b:s22+s3] =	stream.linear.scatter [tilespmem:s23], [sflag:$0x7], $0x80, $0x38;
	[tilespmem:$0x18600] =	vst v63  }
0x178: {  	s22 =	sadd.s32 $0x40, s19;
	s23 =	simm.s32 $0x16620  }
0x179: {  	[hbm4b:s22+s3] =	stream.linear.scatter [tilespmem:s23], [sflag:$0x7], $0x80, $0x38;
	[tilespmem:$0x18600] =	vst v63  }
0x17a: {  	s22 =	sadd.s32 $0x50, s19;
	s23 =	simm.s32 $0x166A8  }
0x17b: {  	[hbm4b:s22+s3] =	stream.linear.scatter [tilespmem:s23], [sflag:$0x7], $0x80, $0x38;
	[tilespmem:$0x18600] =	vst v63  }
0x17c: {  	s22 =	sadd.s32 $0x60, s19;
	s23 =	simm.s32 $0x16730  }
0x17d: {  	[hbm4b:s22+s3] =	stream.linear.scatter [tilespmem:s23], [sflag:$0x7], $0x80, $0x38;
	[tilespmem:$0x18600] =	vst v63  }
0x17e: {  	s19 =	sadd.s32 $0x70, s19;
	s23 =	simm.s32 $0x167B8  }
0x17f: {  	[hbm4b:s19+s3] =	stream.linear.scatter [tilespmem:s23], [sflag:$0x7], $0x80, $0x38;
	[tilespmem:$0x18600] =	vst v63  }
0x180: {  	s19 =	sadd.s32 s11, s7;
	s23 =	simm.s32 $0x16840  }
0x181: {  	[hbm4b:s19+s3] =	stream.linear.scatter [tilespmem:s23], [sflag:$0x7], $0x80, $0x38;
	[tilespmem:$0x18600] =	vst v63  }
0x182: {  	s22 =	sadd.s32 $0x10, s19;
	s23 =	simm.s32 $0x168C8  }
0x183: {  	[hbm4b:s22+s3] =	stream.linear.scatter [tilespmem:s23], [sflag:$0x7], $0x80, $0x38;
	[tilespmem:$0x18600] =	vst v63  }
0x184: {  	s22 =	sadd.s32 $0x20, s19;
	s23 =	simm.s32 $0x16950  }
0x185: {  	[hbm4b:s22+s3] =	stream.linear.scatter [tilespmem:s23], [sflag:$0x7], $0x80, $0x38;
	[tilespmem:$0x18600] =	vst v63  }
0x186: {  	s22 =	sadd.s32 $0x30, s19;
	s23 =	simm.s32 $0x169D8  }
0x187: {  	[hbm4b:s22+s3] =	stream.linear.scatter [tilespmem:s23], [sflag:$0x7], $0x80, $0x38;
	[tilespmem:$0x18600] =	vst v63  }
0x188: {  	s22 =	sadd.s32 $0x40, s19;
	s23 =	simm.s32 $0x16A60  }
0x189: {  	[hbm4b:s22+s3] =	stream.linear.scatter [tilespmem:s23], [sflag:$0x7], $0x80, $0x38;
	[tilespmem:$0x18600] =	vst v63  }
0x18a: {  	s22 =	sadd.s32 $0x50, s19;
	s23 =	simm.s32 $0x16AE8  }
0x18b: {  	[hbm4b:s22+s3] =	stream.linear.scatter [tilespmem:s23], [sflag:$0x7], $0x80, $0x38;
	[tilespmem:$0x18600] =	vst v63  }
0x18c: {  	s22 =	sadd.s32 $0x60, s19;
	s23 =	simm.s32 $0x16B70  }
0x18d: {  	[hbm4b:s22+s3] =	stream.linear.scatter [tilespmem:s23], [sflag:$0x7], $0x80, $0x38;
	[tilespmem:$0x18600] =	vst v63  }
0x18e: {  	s19 =	sadd.s32 $0x70, s19;
	s23 =	simm.s32 $0x16BF8  }
0x18f: {  	[hbm4b:s19+s3] =	stream.linear.scatter [tilespmem:s23], [sflag:$0x7], $0x80, $0x38;
	[tilespmem:$0x18600] =	vst v63  }
0x190: {  	s19 =	sadd.s32 s11, s8;
	s23 =	simm.s32 $0x16C80  }
0x191: {  	[hbm4b:s19+s3] =	stream.linear.scatter [tilespmem:s23], [sflag:$0x7], $0x80, $0x38;
	[tilespmem:$0x18600] =	vst v63  }
0x192: {  	s22 =	sadd.s32 $0x10, s19;
	s23 =	simm.s32 $0x16D08  }
0x193: {  	[hbm4b:s22+s3] =	stream.linear.scatter [tilespmem:s23], [sflag:$0x7], $0x80, $0x38;
	[tilespmem:$0x18600] =	vst v63  }
0x194: {  	s22 =	sadd.s32 $0x20, s19;
	s23 =	simm.s32 $0x16D90  }
0x195: {  	[hbm4b:s22+s3] =	stream.linear.scatter [tilespmem:s23], [sflag:$0x7], $0x80, $0x38;
	[tilespmem:$0x18600] =	vst v63  }
0x196: {  	s22 =	sadd.s32 $0x30, s19;
	s23 =	simm.s32 $0x16E18  }
0x197: {  	[hbm4b:s22+s3] =	stream.linear.scatter [tilespmem:s23], [sflag:$0x7], $0x80, $0x38;
	[tilespmem:$0x18600] =	vst v63  }
0x198: {  	s22 =	sadd.s32 $0x40, s19;
	s23 =	simm.s32 $0x16EA0  }
0x199: {  	[hbm4b:s22+s3] =	stream.linear.scatter [tilespmem:s23], [sflag:$0x7], $0x80, $0x38;
	[tilespmem:$0x18600] =	vst v63  }
0x19a: {  	s22 =	sadd.s32 $0x50, s19;
	s23 =	simm.s32 $0x16F28  }
0x19b: {  	[hbm4b:s22+s3] =	stream.linear.scatter [tilespmem:s23], [sflag:$0x7], $0x80, $0x38;
	[tilespmem:$0x18600] =	vst v63  }
0x19c: {  	s22 =	sadd.s32 $0x60, s19;
	s23 =	simm.s32 $0x16FB0  }
0x19d: {  	[hbm4b:s22+s3] =	stream.linear.scatter [tilespmem:s23], [sflag:$0x7], $0x80, $0x38;
	[tilespmem:$0x18600] =	vst v63  }
0x19e: {  	s19 =	sadd.s32 $0x70, s19;
	s23 =	simm.s32 $0x17038  }
0x19f: {  	[hbm4b:s19+s3] =	stream.linear.scatter [tilespmem:s23], [sflag:$0x7], $0x80, $0x38;
	[tilespmem:$0x18600] =	vst v63  }
0x1a0: {  	s11 =	sadd.s32 s11, s9;
	s23 =	simm.s32 $0x170C0  }
0x1a1: {  	[hbm4b:s11+s3] =	stream.linear.scatter [tilespmem:s23], [sflag:$0x7], $0x80, $0x38;
	[tilespmem:$0x18600] =	vst v63  }
0x1a2: {  	s22 =	sadd.s32 $0x10, s11;
	s23 =	simm.s32 $0x17148  }
0x1a3: {  	[hbm4b:s22+s3] =	stream.linear.scatter [tilespmem:s23], [sflag:$0x7], $0x80, $0x38;
	[tilespmem:$0x18600] =	vst v63  }
0x1a4: {  	s22 =	sadd.s32 $0x20, s11;
	s23 =	simm.s32 $0x171D0  }
0x1a5: {  	[hbm4b:s22+s3] =	stream.linear.scatter [tilespmem:s23], [sflag:$0x7], $0x80, $0x38;
	[tilespmem:$0x18600] =	vst v63  }
0x1a6: {  	s22 =	sadd.s32 $0x30, s11;
	s23 =	simm.s32 $0x17258  }
0x1a7: {  	[hbm4b:s22+s3] =	stream.linear.scatter [tilespmem:s23], [sflag:$0x7], $0x80, $0x38;
	[tilespmem:$0x18600] =	vst v63  }
0x1a8: {  	s22 =	sadd.s32 $0x40, s11;
	s23 =	simm.s32 $0x172E0  }
0x1a9: {  	[hbm4b:s22+s3] =	stream.linear.scatter [tilespmem:s23], [sflag:$0x7], $0x80, $0x38;
	[tilespmem:$0x18600] =	vst v63  }
0x1aa: {  	s22 =	sadd.s32 $0x50, s11;
	s23 =	simm.s32 $0x17368  }
0x1ab: {  	[hbm4b:s22+s3] =	stream.linear.scatter [tilespmem:s23], [sflag:$0x7], $0x80, $0x38;
	[tilespmem:$0x18600] =	vst v63  }
0x1ac: {  	s22 =	sadd.s32 $0x60, s11;
	s23 =	simm.s32 $0x173F0  }
0x1ad: {  	[hbm4b:s22+s3] =	stream.linear.scatter [tilespmem:s23], [sflag:$0x7], $0x80, $0x38;
	[tilespmem:$0x18600] =	vst v63  }
0x1ae: {  	s11 =	sadd.s32 $0x70, s11;
	s22 =	simm.s32 $0x17478  }
0x1af: {  	[hbm4b:s11+s3] =	stream.linear.scatter [tilespmem:s22], [sflag:$0x7], $0x80, $0x38;
	[tilespmem:$0x18600] =	vst v63  }
0x1b0: {  	s11 =	simm.s32 @!p0 $0x7  }
0x1b1: {  	_ =	swait.ge @!p0 [sflag:s11], $0x400  }
0x1b2: {  	[sflag:s11] =	ssyncset.done @!p0 $0x0  }
0x1b3: {  	[sflag:s11] =	ssyncadd.s32 @!p0 $0xFFFFFC00  }
0x1b4: {  	_ =	swait.ge @!p0 [sflag:s11], $0x400  }
0x1b5: {  	[sflag:s11] =	ssyncset.done @!p0 $0x0  }
0x1b6: {  	[sflag:s11] =	ssyncadd.s32 @!p0 $0xFFFFFC00  }
0x1b7: {  	_ =	swait.ge @!p0 [sflag:s11], $0x400  }
0x1b8: {  	[sflag:s11] =	ssyncset.done @!p0 $0x0  }
0x1b9: {  	[sflag:s11] =	ssyncadd.s32 @!p0 $0xFFFFFC00  }
0x1ba: {  	_ =	swait.ge @!p0 [sflag:s11], $0x400  }
0x1bb: {  	s10 =	sadd.s32 @!p0 $0x8100, s10;
	[sflag:s11] =	ssyncset.done @!p0 $0x0  }
0x1bc: {  	s19 =	simm.s32 @!p0 $0x12200;
	[sflag:s11] =	ssyncadd.s32 @!p0 $0xFFFFFC00;
	s11 =	simm.s32 @!p0 $0x80  }
0x1bd: {  	[tilespmem:s19], [sflag:$0x3] =	stream.indirect.gather @!p0 [hbm4b:s5+s11], $0x20, s10, s11, $0xb8;
	[tilespmem:$0x18600] =	vst v63  }
0x1be: {  	_ =	swait.ge [sflag:s28], $0x1000  }
0x1bf: {  	[sflag:s28] =	ssyncset.done $0x0  }
0x1c0: {  	s23 =	simm.s32 $0x0;
	s19 =	simm.s32 $0x13230;
	[sflag:s28] =	ssyncadd.s32 $0xFFFFF000  }
0x1c1: {  	v6 =	vmov s23;
	s11 =	simm.s32 $0x1;
	v7 =	vld [tilespmem:s19+$0xFFFFFFD0]  }
0x1c2: {  	v10 =	vand.u32 $0x7E, v6;
	v6 =	vmov s11;
	v8 =	vld [tilespmem:s19+$0xFFFFFFF0]  }
0x1c3: {  	v9 =	vadd.s32 v1, v10;
	v14 =	vand.u32 $0x7F, v6  }
0x1c4: {  	v13 =	vadd.s32 v1, v14;
	_ =	sdelay $0x1  }
0x1c5: {  	s22 =	simm.s32 $0x2;
	s10 =	simm.s32 $0x13270;
	v7 =	vmul.f32 $1.000000000e+01, v7  }
0x1c6: {  	s23 =	simm.s32 $0x3;
	v6 =	vmov s22;
	v15 =	vld [tilespmem:s10+$0xFFFFFFD0];
	v16 =	vmul.f32 $1.000000000e+01, v8  }
0x1c7: {  	v6 =	vand.u32 $0x7E, v6;
	v11 =	vld [tilespmem:s10+$0xFFFFFFF0];
	v8 =	vmov s23;
	[tilespmem:v9+s31+$0x0] =	vst.idx.msk $0xffff, v7  }
0x1c8: {  	v12 =	vadd.s32 v1, v6;
	v7 =	vand.u32 $0x7F, v8;
	[tilespmem:v13+s31+$0x0] =	vst.idx.msk $0xffff, v16;
	v8 =	vld [tilespmem:s19+$0xFFFFFFE0]  }
0x1c9: {  	v13 =	vadd.s32 v1, v7;
	v9 =	vld [tilespmem:s19+$0x0]  }
0x1ca: {  	v10 =	vadd.s32 v5, v10  }
0x1cb: {  	s11 =	simm.s32 $0x4;
	v14 =	vadd.s32 v5, v14;
	v15 =	vmul.f32 $1.000000000e+01, v15;
	s19 =	simm.s32 $0x132B0  }
.LBB2_11:
0x1cc: {  	v16 =	vmov s11;
	v17 =	vld [tilespmem:s19+$0xFFFFFFD0];
	s22 =	sadd.s32 $0x1, s11;
	p0 =	slt.u32 s11, $0x7E;
	s11 =	sadd.s32 $0x2, s11;
	v18 =	vmul.f32 $1.000000000e+01, v11  }
.Ltmp4:
0x1cd: {  	v16 =	vand.u32 $0x7E, v16;
	v19 =	vmov s22;
	v11 =	vld [tilespmem:s19+$0xFFFFFFF0];
	[tilespmem:v12+s31+$0x0] =	vst.idx.msk $0xffff, v15;
	v15 =	vmul.f32 $1.000000000e+01, v8;
	(pc) =	sbr.rel @p0 .LBB2_11-.Ltmp4, $4  }
0x1ce: {  	v12 =	vadd.s32 v1, v16;
	v19 =	vand.u32 $0x7F, v19;
	v8 =	vld [tilespmem:s10+$0xFFFFFFE0];
	[tilespmem:v13+s31+$0x0] =	vst.idx.msk $0xffff, v18;
	v18 =	vmul.f32 $1.000000000e+01, v9  }
0x1cf: {  	v13 =	vadd.s32 v1, v19;
	v9 =	vld [tilespmem:s10+$0x0];
	[tilespmem:v10+s31+$0x0] =	vst.idx.msk $0xffff, v15;
	s10 =	smov.u32 s19  }
0x1d0: {  	v10 =	vadd.s32 v5, v6;
	v6 =	vmov v16;
	[tilespmem:v14+s31+$0x0] =	vst.idx.msk $0xffff, v18  }
0x1d1: {  	s19 =	sadd.s32 $0x40, s19;
	v14 =	vadd.s32 v5, v7;
	v7 =	vmov v19;
	v15 =	vmul.f32 $1.000000000e+01, v17  }
0x1d2: {  	_ =	sdelay $0x2  }
0x1d3: {  	v11 =	vmul.f32 $1.000000000e+01, v11  }
0x1d4: {  	[tilespmem:v12+s31+$0x0] =	vst.idx.msk $0xffff, v15  }
0x1d5: {  	v12 =	vld [tilespmem:s10+$0xFFFFFFE0];
	[tilespmem:v13+s31+$0x0] =	vst.idx.msk $0xffff, v11  }
0x1d6: {  	v11 =	vld [tilespmem:s10+$0x0]  }
0x1d7: {  	v6 =	vadd.s32 v5, v6  }
0x1d8: {  	v7 =	vadd.s32 v5, v7;
	v8 =	vmul.f32 $1.000000000e+01, v8  }
0x1d9: {  	v9 =	vmul.f32 $1.000000000e+01, v9  }
0x1da: {  	[tilespmem:v10+s31+$0x0] =	vst.idx.msk $0xffff, v8;
	v62 =	vmul.f32 $1.000000000e+01, v12  }
0x1db: {  	[tilespmem:v14+s31+$0x0] =	vst.idx.msk $0xffff, v9;
	v63 =	vmul.f32 $1.000000000e+01, v11  }
0x1dc: {  	s10 =	sor.u32 $0x180, s18;
	[tilespmem:v6+s31+$0x0] =	vst.idx.msk $0xffff, v62  }
0x1dd: {  	s11 =	sadd.s32 s2, s10;
	[tilespmem:v7+s31+$0x0] =	vst.idx.msk $0xffff, v63  }
0x1de: {  	[hbm4b:s11+s3] =	stream.linear.scatter [tilespmem:s31], [sflag:$0x8], $0x80, $0x38;
	[tilespmem:$0x18600] =	vst v63  }
0x1df: {  	s19 =	simm.s32 $0x17588;
	s23 =	sadd.s32 $0x10, s11  }
0x1e0: {  	[hbm4b:s23+s3] =	stream.linear.scatter [tilespmem:s19], [sflag:$0x8], $0x80, $0x38;
	[tilespmem:$0x18600] =	vst v63  }
0x1e1: {  	s22 =	sadd.s32 $0x20, s11;
	s23 =	simm.s32 $0x17610  }
0x1e2: {  	[hbm4b:s22+s3] =	stream.linear.scatter [tilespmem:s23], [sflag:$0x8], $0x80, $0x38;
	[tilespmem:$0x18600] =	vst v63  }
0x1e3: {  	s22 =	sadd.s32 $0x30, s11;
	s23 =	simm.s32 $0x17698  }
0x1e4: {  	[hbm4b:s22+s3] =	stream.linear.scatter [tilespmem:s23], [sflag:$0x8], $0x80, $0x38;
	[tilespmem:$0x18600] =	vst v63  }
0x1e5: {  	s22 =	sadd.s32 $0x40, s11;
	s23 =	simm.s32 $0x17720  }
0x1e6: {  	[hbm4b:s22+s3] =	stream.linear.scatter [tilespmem:s23], [sflag:$0x8], $0x80, $0x38;
	[tilespmem:$0x18600] =	vst v63  }
0x1e7: {  	s22 =	sadd.s32 $0x50, s11;
	s23 =	simm.s32 $0x177A8  }
0x1e8: {  	[hbm4b:s22+s3] =	stream.linear.scatter [tilespmem:s23], [sflag:$0x8], $0x80, $0x38;
	[tilespmem:$0x18600] =	vst v63  }
0x1e9: {  	s19 =	sadd.s32 $0x60, s11;
	s22 =	simm.s32 $0x17830  }
0x1ea: {  	[hbm4b:s19+s3] =	stream.linear.scatter [tilespmem:s22], [sflag:$0x8], $0x80, $0x38;
	[tilespmem:$0x18600] =	vst v63  }
0x1eb: {  	s11 =	sadd.s32 $0x70, s11;
	s23 =	simm.s32 $0x178B8  }
0x1ec: {  	[hbm4b:s11+s3] =	stream.linear.scatter [tilespmem:s23], [sflag:$0x8], $0x80, $0x38;
	[tilespmem:$0x18600] =	vst v63  }
0x1ed: {  	s19 =	simm.s32 $0x17940;
	s11 =	sadd.s32 s10, s7  }
0x1ee: {  	[hbm4b:s11+s3] =	stream.linear.scatter [tilespmem:s19], [sflag:$0x8], $0x80, $0x38;
	[tilespmem:$0x18600] =	vst v63  }
0x1ef: {  	s23 =	simm.s32 $0x179C8;
	s22 =	sadd.s32 $0x10, s11  }
0x1f0: {  	[hbm4b:s22+s3] =	stream.linear.scatter [tilespmem:s23], [sflag:$0x8], $0x80, $0x38;
	[tilespmem:$0x18600] =	vst v63  }
0x1f1: {  	s22 =	sadd.s32 $0x20, s11;
	s23 =	simm.s32 $0x17A50  }
0x1f2: {  	[hbm4b:s22+s3] =	stream.linear.scatter [tilespmem:s23], [sflag:$0x8], $0x80, $0x38;
	[tilespmem:$0x18600] =	vst v63  }
0x1f3: {  	s22 =	sadd.s32 $0x30, s11;
	s23 =	simm.s32 $0x17AD8  }
0x1f4: {  	[hbm4b:s22+s3] =	stream.linear.scatter [tilespmem:s23], [sflag:$0x8], $0x80, $0x38;
	[tilespmem:$0x18600] =	vst v63  }
0x1f5: {  	s22 =	sadd.s32 $0x40, s11;
	s23 =	simm.s32 $0x17B60  }
0x1f6: {  	[hbm4b:s22+s3] =	stream.linear.scatter [tilespmem:s23], [sflag:$0x8], $0x80, $0x38;
	[tilespmem:$0x18600] =	vst v63  }
0x1f7: {  	s22 =	sadd.s32 $0x50, s11;
	s23 =	simm.s32 $0x17BE8  }
0x1f8: {  	[hbm4b:s22+s3] =	stream.linear.scatter [tilespmem:s23], [sflag:$0x8], $0x80, $0x38;
	[tilespmem:$0x18600] =	vst v63  }
0x1f9: {  	s19 =	sadd.s32 $0x60, s11;
	s22 =	simm.s32 $0x17C70  }
0x1fa: {  	[hbm4b:s19+s3] =	stream.linear.scatter [tilespmem:s22], [sflag:$0x8], $0x80, $0x38;
	[tilespmem:$0x18600] =	vst v63  }
0x1fb: {  	s11 =	sadd.s32 $0x70, s11;
	s23 =	simm.s32 $0x17CF8  }
0x1fc: {  	[hbm4b:s11+s3] =	stream.linear.scatter [tilespmem:s23], [sflag:$0x8], $0x80, $0x38;
	[tilespmem:$0x18600] =	vst v63  }
0x1fd: {  	s19 =	simm.s32 $0x17D80;
	s11 =	sadd.s32 s10, s8  }
0x1fe: {  	[hbm4b:s11+s3] =	stream.linear.scatter [tilespmem:s19], [sflag:$0x8], $0x80, $0x38;
	[tilespmem:$0x18600] =	vst v63  }
0x1ff: {  	s23 =	simm.s32 $0x17E08;
	s22 =	sadd.s32 $0x10, s11  }
0x200: {  	[hbm4b:s22+s3] =	stream.linear.scatter [tilespmem:s23], [sflag:$0x8], $0x80, $0x38;
	[tilespmem:$0x18600] =	vst v63  }
0x201: {  	s22 =	sadd.s32 $0x20, s11;
	s23 =	simm.s32 $0x17E90  }
0x202: {  	[hbm4b:s22+s3] =	stream.linear.scatter [tilespmem:s23], [sflag:$0x8], $0x80, $0x38;
	[tilespmem:$0x18600] =	vst v63  }
0x203: {  	s22 =	sadd.s32 $0x30, s11;
	s23 =	simm.s32 $0x17F18  }
0x204: {  	[hbm4b:s22+s3] =	stream.linear.scatter [tilespmem:s23], [sflag:$0x8], $0x80, $0x38;
	[tilespmem:$0x18600] =	vst v63  }
0x205: {  	s22 =	sadd.s32 $0x40, s11;
	s23 =	simm.s32 $0x17FA0  }
0x206: {  	[hbm4b:s22+s3] =	stream.linear.scatter [tilespmem:s23], [sflag:$0x8], $0x80, $0x38;
	[tilespmem:$0x18600] =	vst v63  }
0x207: {  	s22 =	sadd.s32 $0x50, s11;
	s23 =	simm.s32 $0x18028  }
0x208: {  	[hbm4b:s22+s3] =	stream.linear.scatter [tilespmem:s23], [sflag:$0x8], $0x80, $0x38;
	[tilespmem:$0x18600] =	vst v63  }
0x209: {  	s19 =	sadd.s32 $0x60, s11;
	s22 =	simm.s32 $0x180B0  }
0x20a: {  	[hbm4b:s19+s3] =	stream.linear.scatter [tilespmem:s22], [sflag:$0x8], $0x80, $0x38;
	[tilespmem:$0x18600] =	vst v63  }
0x20b: {  	s11 =	sadd.s32 $0x70, s11;
	s23 =	simm.s32 $0x18138  }
0x20c: {  	[hbm4b:s11+s3] =	stream.linear.scatter [tilespmem:s23], [sflag:$0x8], $0x80, $0x38;
	[tilespmem:$0x18600] =	vst v63  }
0x20d: {  	s18 =	simm.s32 $0x181C0;
	s10 =	sadd.s32 s10, s9  }
0x20e: {  	[hbm4b:s10+s3] =	stream.linear.scatter [tilespmem:s18], [sflag:$0x8], $0x80, $0x38;
	[tilespmem:$0x18600] =	vst v63  }
0x20f: {  	s19 =	sadd.s32 $0x10, s10;
	s22 =	simm.s32 $0x18248  }
0x210: {  	[hbm4b:s19+s3] =	stream.linear.scatter [tilespmem:s22], [sflag:$0x8], $0x80, $0x38;
	[tilespmem:$0x18600] =	vst v63  }
0x211: {  	s23 =	sadd.s32 $0x20, s10  }
0x212: {  	[hbm4b:s23+s3] =	stream.linear.scatter [tilespmem:s24], [sflag:$0x8], $0x80, $0x38;
	[tilespmem:$0x18600] =	vst v63  }
0x213: {  	s18 =	sadd.s32 $0x30, s10  }
0x214: {  	[hbm4b:s18+s3] =	stream.linear.scatter [tilespmem:s25], [sflag:$0x8], $0x80, $0x38;
	[tilespmem:$0x18600] =	vst v63  }
0x215: {  	s19 =	sadd.s32 $0x40, s10  }
0x216: {  	[hbm4b:s19+s3] =	stream.linear.scatter [tilespmem:s26], [sflag:$0x8], $0x80, $0x38;
	[tilespmem:$0x18600] =	vst v63  }
0x217: {  	p0 =	sne.s32 s6, $0x32;
	s22 =	sadd.s32 $0x50, s10  }
0x218: {  	[hbm4b:s22+s3] =	stream.linear.scatter [tilespmem:s0], [sflag:$0x8], $0x80, $0x38;
	[tilespmem:$0x18600] =	vst v63  }
.Ltmp5:
0x219: {  	_ = 	snop;
	(pc) =	sbr.rel @p0 .LBB2_4-.Ltmp5, $4  }
0x21a: {  	s23 =	sadd.s32 $0x60, s10  }
0x21b: {  	[hbm4b:s23+s3] =	stream.linear.scatter [tilespmem:s1], [sflag:$0x8], $0x80, $0x38;
	[tilespmem:$0x18600] =	vst v63  }
0x21c: {  	s10 =	sadd.s32 $0x70, s10  }
0x21d: {  	[hbm4b:s10+s3] =	stream.linear.scatter [tilespmem:s16], [sflag:$0x8], $0x80, $0x38;
	[tilespmem:$0x18600] =	vst v63  }
0x21e: {  	s6 =	simm.s32 $0x5  }
0x21f: {  	_ =	swait.ge [sflag:s6], $0x400  }
0x220: {  	[sflag:s6] =	ssyncset.done $0x0  }
0x221: {  	[sflag:s6] =	ssyncadd.s32 $0xFFFFFC00  }
0x222: {  	_ =	swait.ge [sflag:s6], $0x400  }
0x223: {  	[sflag:s6] =	ssyncset.done $0x0  }
0x224: {  	[sflag:s6] =	ssyncadd.s32 $0xFFFFFC00  }
0x225: {  	_ =	swait.ge [sflag:s6], $0x400  }
0x226: {  	[sflag:s6] =	ssyncset.done $0x0  }
0x227: {  	[sflag:s6] =	ssyncadd.s32 $0xFFFFFC00  }
0x228: {  	_ =	swait.ge [sflag:s6], $0x400  }
0x229: {  	[sflag:s6] =	ssyncset.done $0x0  }
0x22a: {  	s19 =	simm.s32 $0x6;
	[sflag:s6] =	ssyncadd.s32 $0xFFFFFC00  }
0x22b: {  	_ =	swait.ge [sflag:s19], $0x400  }
0x22c: {  	[sflag:s19] =	ssyncset.done $0x0  }
0x22d: {  	[sflag:s19] =	ssyncadd.s32 $0xFFFFFC00  }
0x22e: {  	_ =	swait.ge [sflag:s19], $0x400  }
0x22f: {  	[sflag:s19] =	ssyncset.done $0x0  }
0x230: {  	[sflag:s19] =	ssyncadd.s32 $0xFFFFFC00  }
0x231: {  	_ =	swait.ge [sflag:s19], $0x400  }
0x232: {  	[sflag:s19] =	ssyncset.done $0x0  }
0x233: {  	[sflag:s19] =	ssyncadd.s32 $0xFFFFFC00  }
0x234: {  	_ =	swait.ge [sflag:s19], $0x400  }
0x235: {  	[sflag:s19] =	ssyncset.done $0x0  }
0x236: {  	s22 =	simm.s32 $0x7;
	[sflag:s19] =	ssyncadd.s32 $0xFFFFFC00  }
0x237: {  	_ =	swait.ge [sflag:s22], $0x400  }
0x238: {  	[sflag:s22] =	ssyncset.done $0x0  }
0x239: {  	[sflag:s22] =	ssyncadd.s32 $0xFFFFFC00  }
0x23a: {  	_ =	swait.ge [sflag:s22], $0x400  }
0x23b: {  	[sflag:s22] =	ssyncset.done $0x0  }
0x23c: {  	[sflag:s22] =	ssyncadd.s32 $0xFFFFFC00  }
0x23d: {  	_ =	swait.ge [sflag:s22], $0x400  }
0x23e: {  	[sflag:s22] =	ssyncset.done $0x0  }
0x23f: {  	[sflag:s22] =	ssyncadd.s32 $0xFFFFFC00  }
0x240: {  	_ =	swait.ge [sflag:s22], $0x400  }
0x241: {  	[sflag:s22] =	ssyncset.done $0x0  }
0x242: {  	s10 =	simm.s32 $0x8;
	[sflag:s22] =	ssyncadd.s32 $0xFFFFFC00  }
0x243: {  	_ =	swait.ge [sflag:s10], $0x400  }
0x244: {  	[sflag:s10] =	ssyncset.done $0x0  }
0x245: {  	[sflag:s10] =	ssyncadd.s32 $0xFFFFFC00  }
0x246: {  	_ =	swait.ge [sflag:s10], $0x400  }
0x247: {  	[sflag:s10] =	ssyncset.done $0x0  }
0x248: {  	[sflag:s10] =	ssyncadd.s32 $0xFFFFFC00  }
0x249: {  	_ =	swait.ge [sflag:s10], $0x400  }
0x24a: {  	[sflag:s10] =	ssyncset.done $0x0  }
0x24b: {  	[sflag:s10] =	ssyncadd.s32 $0xFFFFFC00  }
0x24c: {  	_ =	swait.ge [sflag:s10], $0x400  }
0x24d: {  	s11 =	rddreg [dreg:$0x5]  }
0x24e: {  	s23 =	rddreg [dreg:$0x4];
	s11 =	sadd.s32 $0x1, s11  }
0x24f: {  	p0 =	sne.s32 s11, s23  }
.Ltmp6:
0x250: {  	_ = 	snop;
	(pc) =	sbr.rel @p0 .LBB2_1-.Ltmp6, $3  }
0x251: {  	_ =	sdelay $0x1  }
0x252: {  	[sflag:s10] =	ssyncset.done $0x0  }
0x253: {  	[sflag:s10] =	ssyncadd.s32 $0xFFFFFC00  }
0x254: {  	_ =	sfence.sel $0x180000  }
0x255: {  	[bflag:$0x0] =	sbarrier.arrive $0xFFFF  }
0x256: {  	_ =	strace $0x90000047  }
0x257: {  	s0 =	stileid.u32;
	[bflag:$0x2] =	sbarrier.arrive $0xFFFF  }
0x258: {  	p0 =	sne.s32 s0, $0x0;
	s0 =	rddreg [dreg:$0x2]  }
0x259: {  	s0 =	sadd.s32 @!p0 $0x100000, s0  }
0x25a: {  	[sflag:s0] =	ssyncadd.tile.s32 @!p0 $0x1;
	_ =	shalt  }
.Lfunc_end2:
_tile_overlayer_lowered:
.L_overlay_start_2:
0x25b: {  	(tag) =	ssettag $0x2  }
0x25c: {  	s0 =	rddreg [dreg:$0x0];
	s2 =	stileid.u32  }
0x25d: {  	s1 =	rddreg [dreg:$0x1];
	p0 =	sne.s32 s2, $0x0  }
0x25e: {  	s3 =	rddreg [dreg:$0x2];
	[bflag:$0x3] =	sbarrier.arrive $0xFFFF;
	s2 =	simm.s32 @!p0 $0x1C09  }
0x25f: {  	[timem:s3], [sflag:s2] =	dma.local @!p0 [hbm:s0], s1  }
0x260: {  	s0 =	simm.s32 @!p0 $0x9  }
0x261: {  	_ =	swait.ge @!p0 [sflag:s0], s1  }
0x262: {  	s1 =	ssub.s32 @!p0 $0x0, s1;
	[sflag:s0] =	ssyncset.done @!p0 $0x0  }
0x263: {  	[sflag:s0] =	ssyncadd.s32 @!p0 s1  }
0x264: {  	[bflag:$0x3] =	sbarrier.arrive $0xFFFF  }
0x265: {  	_ =	shalt  }

</sc_bundles>
